<compile_context>
chip_gen: v7x
topology: tpu7x:2x2x1
jax: 0.10.2.dev20260603
libtpu: 0.0.44.dev20260713+nightly
codegen_flags: <defaults>
</compile_context>

<pallas_src>
import functools

import jax
import jax.numpy as jnp
from jax import lax
from jax.experimental import pallas as pl
from jax.experimental.pallas import tpu as pltpu
from jax.experimental.pallas import tpu_sc as plsc


def _mm_stats_body(x1_ref, x2_ref, wup_ref, wlat_ref,
                   h_ref, lat_ref, s1_ref, ss1_ref, s2_ref, ss2_ref):
    b = pl.program_id(0)
    h = jnp.dot(x1_ref[0], wup_ref[...], preferred_element_type=jnp.float32)
    lat = jnp.dot(x2_ref[0], wlat_ref[...], preferred_element_type=jnp.float32)
    h_ref[0] = h
    lat_ref[0] = lat
    s1 = jnp.sum(h, axis=0, keepdims=True)
    ss1 = jnp.sum(h * h, axis=0, keepdims=True)
    s2 = jnp.sum(lat, axis=0, keepdims=True)
    ss2 = jnp.sum(lat * lat, axis=0, keepdims=True)

    @pl.when(b == 0)
    def _():
        s1_ref[...] = s1
        ss1_ref[...] = ss1
        s2_ref[...] = s2
        ss2_ref[...] = ss2

    @pl.when(b != 0)
    def _():
        s1_ref[...] += s1
        ss1_ref[...] += ss1
        s2_ref[...] += s2
        ss2_ref[...] += ss2


def _mm_stats(x1, x2, w_up_t, w_lat_t):
    B, N, Cin = x1.shape
    M = x2.shape[1]
    Cout = w_up_t.shape[1]
    return pl.pallas_call(
        _mm_stats_body,
        grid=(B,),
        in_specs=[
            pl.BlockSpec((1, N, Cin), lambda b: (b, 0, 0)),
            pl.BlockSpec((1, M, Cout), lambda b: (b, 0, 0)),
            pl.BlockSpec((Cin, Cout), lambda b: (0, 0)),
            pl.BlockSpec((Cout, Cout), lambda b: (0, 0)),
        ],
        out_specs=[
            pl.BlockSpec((1, N, Cout), lambda b: (b, 0, 0)),
            pl.BlockSpec((1, M, Cout), lambda b: (b, 0, 0)),
            pl.BlockSpec((1, Cout), lambda b: (0, 0)),
            pl.BlockSpec((1, Cout), lambda b: (0, 0)),
            pl.BlockSpec((1, Cout), lambda b: (0, 0)),
            pl.BlockSpec((1, Cout), lambda b: (0, 0)),
        ],
        out_shape=[
            jax.ShapeDtypeStruct((B, N, Cout), jnp.float32),
            jax.ShapeDtypeStruct((B, M, Cout), jnp.float32),
            jax.ShapeDtypeStruct((1, Cout), jnp.float32),
            jax.ShapeDtypeStruct((1, Cout), jnp.float32),
            jax.ShapeDtypeStruct((1, Cout), jnp.float32),
            jax.ShapeDtypeStruct((1, Cout), jnp.float32),
        ],
    )(x1, x2, w_up_t, w_lat_t)


def _nn_body(p2t_ref, p1_ref, iotac_ref, lat_ref, sc2_ref, sh2_ref,
             i0_ref, i1_ref, i2_ref, wt_ref, ylat_ref, *, n_coarse, b0):
    b = pl.program_id(0) + b0
    p2t = p2t_ref[0]
    p1 = p1_ref[0]
    d2 = ((p1[:, 0:1] - p2t[0:1, :]) ** 2
          + (p1[:, 1:2] - p2t[1:2, :]) ** 2
          + (p1[:, 2:3] - p2t[2:3, :]) ** 2)
    iota_c = iotac_ref[...]
    vals, idxs = [], []
    dw = d2
    for k in range(3):
        mv = jnp.min(dw, axis=0, keepdims=True)
        mi = jnp.min(jnp.where(dw == mv, iota_c, jnp.float32(n_coarse)),
                     axis=0, keepdims=True)
        vals.append(mv)
        idxs.append(mi)
        if k < 2:
            dw = jnp.where(iota_c == mi, jnp.float32(jnp.inf), dw)
    recips = [1.0 / (v + 1e-8) for v in vals]
    norm = (recips[0] + recips[1]) + recips[2]
    ws = [r / norm for r in recips]
    wt_ref[0] = jnp.concatenate(ws + [ws[0]] * 5, axis=0)
    i0_ref[0] = idxs[0].astype(jnp.int32) + b * n_coarse
    i1_ref[0] = idxs[1].astype(jnp.int32) + b * n_coarse
    i2_ref[0] = idxs[2].astype(jnp.int32) + b * n_coarse
    ylat_ref[0] = jnp.maximum(lat_ref[0] * sc2_ref[...] + sh2_ref[...], 0.0)


def _nn_search(p2t, p1, iotac, lat_raw, scale2, shift2, mb, b0):
    B, _, M = p2t.shape
    N = p1.shape[1]
    Cout = lat_raw.shape[2]
    body = functools.partial(_nn_body, n_coarse=N, b0=b0)
    return pl.pallas_call(
        body,
        grid=(B, M // mb),
        in_specs=[
            pl.BlockSpec((1, 3, mb), lambda b, j: (b, 0, j)),
            pl.BlockSpec((1, N, 3), lambda b, j: (b, 0, 0)),
            pl.BlockSpec((N, 1), lambda b, j: (0, 0)),
            pl.BlockSpec((1, mb, Cout), lambda b, j: (b, j, 0)),
            pl.BlockSpec((1, Cout), lambda b, j: (0, 0)),
            pl.BlockSpec((1, Cout), lambda b, j: (0, 0)),
        ],
        out_specs=[
            pl.BlockSpec((1, 1, mb), lambda b, j: (b, 0, j)),
            pl.BlockSpec((1, 1, mb), lambda b, j: (b, 0, j)),
            pl.BlockSpec((1, 1, mb), lambda b, j: (b, 0, j)),
            pl.BlockSpec((1, 8, mb), lambda b, j: (b, 0, j)),
            pl.BlockSpec((1, mb, Cout), lambda b, j: (b, j, 0)),
        ],
        out_shape=[
            jax.ShapeDtypeStruct((B, 1, M), jnp.int32),
            jax.ShapeDtypeStruct((B, 1, M), jnp.int32),
            jax.ShapeDtypeStruct((B, 1, M), jnp.int32),
            jax.ShapeDtypeStruct((B, 8, M), jnp.float32),
            jax.ShapeDtypeStruct((B, M, Cout), jnp.float32),
        ],
    )(p2t, p1, iotac, lat_raw, scale2, shift2)


def _hnorm_body(h_ref, sc_ref, sh_ref, out_ref):
    out_ref[0] = jnp.maximum(h_ref[0] * sc_ref[...] + sh_ref[...], 0.0)


def _hnorm(h_raw, scale1, shift1):
    B, N, Cout = h_raw.shape
    return pl.pallas_call(
        _hnorm_body,
        grid=(B,),
        in_specs=[
            pl.BlockSpec((1, N, Cout), lambda b: (b, 0, 0)),
            pl.BlockSpec((1, Cout), lambda b: (0, 0)),
            pl.BlockSpec((1, Cout), lambda b: (0, 0)),
        ],
        out_specs=pl.BlockSpec((1, N, Cout), lambda b: (b, 0, 0)),
        out_shape=jax.ShapeDtypeStruct((B, N, Cout), jnp.float32),
    )(h_raw, scale1, shift1)


def _interp_sc(h_flat, idx0, idx1, idx2, wt_flat, ylat_flat, m_fine):
    BM, Cout = ylat_flat.shape
    M = m_fine
    info = plsc.get_sparse_core_info()
    NC, NS, LANES = info.num_cores, info.num_subcores, info.num_lanes
    NW = NC * NS
    QT = BM // NW
    CH = 32
    NCHUNK = QT // CH
    CVEC = Cout // LANES

    mesh = plsc.VectorSubcoreMesh(core_axis_name="c", subcore_axis_name="s")

    vm = pltpu.VMEM
    dma = pltpu.SemaphoreType.DMA
    scratch = []
    for _ in range(2):
        scratch += [
            vm((CH,), jnp.int32),
            vm((CH,), jnp.int32),
            vm((CH,), jnp.int32),
            vm((CH, Cout), jnp.float32),
            vm((CH, Cout), jnp.float32),
            vm((CH, Cout), jnp.float32),
            vm((CH,), jnp.float32),
            vm((CH,), jnp.float32),
            vm((CH,), jnp.float32),
            vm((CH, Cout), jnp.float32),
            vm((CH, Cout), jnp.float32),
            dma, dma, dma, dma, dma,
        ]

    scratch += [vm((CH, LANES), jnp.int32), dma]

    @functools.partial(
        pl.kernel,
        mesh=mesh,
        out_type=jax.ShapeDtypeStruct((BM, Cout), jnp.float32),
        scratch_types=scratch,
    )
    def _body(h_hbm, i0_hbm, i1_hbm, i2_hbm, wt_hbm, ylat_hbm, qtab_hbm,
              out_hbm, *bufs):
        wid = lax.axis_index("s") * NC + lax.axis_index("c")
        base = wid * QT
        B0, B1 = bufs[:16], bufs[16:32]
        qtab_v, s_q = bufs[32], bufs[33]
        idx_hbms = (i0_hbm, i1_hbm, i2_hbm)

        def wslices(i):
            qb = base + i * CH
            bb = qb // M
            m0 = qb - bb * M
            return [wt_hbm.at[pl.ds(pl.multiple_of((bb * 8 + k) * M + m0, 8),
                                    CH)]
                    for k in range(3)]

        def issue_inputs(i, bset):
            (iv0, iv1, iv2, _, _, _, wv0, wv1, wv2, ylv, _,
             s_i, _, s_w, s_y, _) = bset
            qb = pl.multiple_of(base + i * CH, 8)
            for ih, iv in zip(idx_hbms, (iv0, iv1, iv2)):
                pltpu.async_copy(ih.at[pl.ds(qb, CH)], iv, s_i)
            for ws, wv in zip(wslices(i), (wv0, wv1, wv2)):
                pltpu.async_copy(ws, wv, s_w)
            pltpu.async_copy(ylat_hbm.at[pl.ds(qb, CH)], ylv, s_y)

        def wait_idx(i, bset):
            iv0, iv1, iv2 = bset[0], bset[1], bset[2]
            s_i = bset[11]
            qb = pl.multiple_of(base + i * CH, 8)
            for ih, iv in zip(idx_hbms, (iv0, iv1, iv2)):
                pltpu.make_async_copy(ih.at[pl.ds(qb, CH)], iv, s_i).wait()

        def issue_gather(bset):
            iv0, iv1, iv2, r0, r1, r2 = bset[:6]
            s_g = bset[12]
            pltpu.async_copy(h_hbm.at[iv0], r0, s_g)
            pltpu.async_copy(h_hbm.at[iv1], r1, s_g)
            pltpu.async_copy(h_hbm.at[iv2], r2, s_g)

        def wait_out(i, bset):
            outv, s_o = bset[10], bset[15]
            qb = pl.multiple_of(base + i * CH, 8)
            pltpu.make_async_copy(outv, out_hbm.at[pl.ds(qb, CH)], s_o).wait()

        def run_chunk(i, bset, nxt, prefetch_i):
            (iv0, iv1, iv2, r0, r1, r2, wv0, wv1, wv2, ylv, outv,
             s_i, s_g, s_w, s_y, s_o) = bset
            qb = pl.multiple_of(base + i * CH, 8)

            @pl.when(i + 1 < NCHUNK)
            def _():
                wait_idx(i + 1, nxt)
                issue_gather(nxt)

            for iv, rv in ((iv0, r0), (iv1, r1), (iv2, r2)):
                pltpu.make_async_copy(h_hbm.at[iv], rv, s_g).wait()
            for ws, wv in zip(wslices(i), (wv0, wv1, wv2)):
                pltpu.make_async_copy(ws, wv, s_w).wait()
            pltpu.make_async_copy(ylat_hbm.at[pl.ds(qb, CH)], ylv, s_y).wait()

            @pl.when(i >= 2)
            def _():
                wait_out(i - 2, bset)

            def qloop(q, c2):
                qv = qtab_v[q, :]
                qb16 = (q // LANES) * LANES
                w0 = wv0[pl.ds(qb16, LANES)].at[qv].get(
                    mode="promise_in_bounds")
                w1 = wv1[pl.ds(qb16, LANES)].at[qv].get(
                    mode="promise_in_bounds")
                w2 = wv2[pl.ds(qb16, LANES)].at[qv].get(
                    mode="promise_in_bounds")
                for c in range(CVEC):
                    sl = pl.ds(c * LANES, LANES)
                    acc = (ylv[q, sl]
                           + w0 * r0[q, sl]
                           + w1 * r1[q, sl]
                           + w2 * r2[q, sl])
                    outv[q, sl] = acc
                return c2

            lax.fori_loop(0, CH, qloop, 0)
            pltpu.async_copy(outv, out_hbm.at[pl.ds(qb, CH)], s_o)

            @pl.when(prefetch_i < NCHUNK)
            def _():
                issue_inputs(prefetch_i, bset)

        pltpu.async_copy(qtab_hbm, qtab_v, s_q).wait()
        issue_inputs(0, B0)
        wait_idx(0, B0)
        issue_gather(B0)
        issue_inputs(1, B1)

        def pair(j, carry):
            i0 = j * 2
            run_chunk(i0, B0, B1, i0 + 2)
            run_chunk(i0 + 1, B1, B0, i0 + 3)
            return carry

        lax.fori_loop(0, NCHUNK // 2, pair, 0)

        wait_out(NCHUNK - 2, B0)
        wait_out(NCHUNK - 1, B1)

    qtab = jnp.broadcast_to((jnp.arange(CH, dtype=jnp.int32) % LANES)[:, None],
                            (CH, LANES))
    return _body(h_flat, idx0, idx1, idx2, wt_flat, ylat_flat, qtab)


def kernel(x1, p1, x2, p2, W_up, g_up, b_up, W_lat, g_lat, b_lat):
    B, N, Cin = x1.shape
    M = x2.shape[1]
    Cout = W_up.shape[0]
    eps = 1e-5

    h_raw, lat_raw, s1, ss1, s2, ss2 = _mm_stats(x1, x2, W_up.T, W_lat.T)

    cnt1 = jnp.float32(B * N)
    mean1 = s1 / cnt1
    var1 = ss1 / cnt1 - mean1 * mean1
    scale1 = g_up[None, :] * lax.rsqrt(var1 + eps)
    shift1 = b_up[None, :] - mean1 * scale1

    cnt2 = jnp.float32(B * M)
    mean2 = s2 / cnt2
    var2 = ss2 / cnt2 - mean2 * mean2
    scale2 = g_lat[None, :] * lax.rsqrt(var2 + eps)
    shift2 = b_lat[None, :] - mean2 * scale2

    iotac = jnp.arange(N, dtype=jnp.float32)[:, None]
    p2t = jnp.transpose(p2, (0, 2, 1))
    h_final = _hnorm(h_raw, scale1, shift1)
    h_flat = h_final.reshape(B * N, Cout)

    G = 1
    Bh = B // G
    outs = []
    for g in range(G):
        sl = slice(g * Bh, (g + 1) * Bh)
        i0, i1, i2, wt, ylat = _nn_search(p2t[sl], p1[sl], iotac,
                                          lat_raw[sl], scale2, shift2,
                                          mb=512, b0=g * Bh)
        outs.append(_interp_sc(h_flat, i0.reshape(Bh * M),
                               i1.reshape(Bh * M), i2.reshape(Bh * M),
                               wt.reshape(Bh * 8 * M),
                               ylat.reshape(Bh * M, Cout), M))
    out = jnp.concatenate(outs, axis=0)
    return out.reshape(B, M, Cout), p2

# --- scband reference (transcript-rebuilt; emitter-appended) ---
"""Pipeline reference for scband-transition-up-44332652430157 (READ-ONLY COPY).

The authoritative reference and input builder live on the scoring server;
editing this copy changes nothing except your own understanding.
"""

import jax, jax.numpy as jnp
import numpy as np


def _bn_relu(h, g, b, eps=1e-5):
    # BatchNorm1d in training mode: stats over (batch, length) per channel
    mean = jnp.mean(h, axis=(0, 2), keepdims=True)
    var = jnp.var(h, axis=(0, 2), keepdims=True)
    h = (h - mean) / jnp.sqrt(var + eps)
    h = h * g[None, :, None] + b[None, :, None]
    return jax.nn.relu(h)


def setup_inputs(seed: int = 0):
    key = jax.random.key(seed)
    ks = jax.random.split(key, 6)
    B, N, M, Cin, Cout = 8, 1024, 4096, 512, 256
    return {
        "x1": jax.random.normal(ks[0], (B, N, Cin), dtype=jnp.float32),
        "p1": jax.random.uniform(ks[1], (B, N, 3), dtype=jnp.float32),
        "x2": jax.random.normal(ks[2], (B, M, Cout), dtype=jnp.float32),
        "p2": jax.random.uniform(ks[3], (B, M, 3), dtype=jnp.float32),
        "W_up": jax.random.normal(ks[4], (Cout, Cin), dtype=jnp.float32) * (1.0 / np.sqrt(Cin)),
        "g_up": jnp.ones((Cout,), dtype=jnp.float32),
        "b_up": jnp.zeros((Cout,), dtype=jnp.float32),
        "W_lat": jax.random.normal(ks[5], (Cout, Cout), dtype=jnp.float32) * (1.0 / np.sqrt(Cout)),
        "g_lat": jnp.ones((Cout,), dtype=jnp.float32),
        "b_lat": jnp.zeros((Cout,), dtype=jnp.float32),
    }


def reference(x1, p1, x2, p2, W_up, g_up, b_up, W_lat, g_lat, b_lat):
    # up_mlp: Conv1d(k=1, no bias) == channel matmul, then BN + ReLU -> (B, Cout, N)
    h = jnp.einsum('bnc,oc->bon', x1, W_up)
    h = _bn_relu(h, g_up, b_up)

    # three_nn: squared L2 distances from each fine point (p2) to coarse points (p1)
    d2 = jnp.sum((p2[:, :, None, :] - p1[:, None, :, :]) ** 2, axis=-1)  # (B, M, N)
    neg_top, idx = jax.lax.top_k(-d2, 3)  # 3 nearest neighbors
    dist = -neg_top  # (B, M, 3)

    dist_recip = 1.0 / (dist + 1e-8)
    norm = jnp.sum(dist_recip, axis=2, keepdims=True)
    weight = dist_recip / norm  # (B, M, 3)

    # three_interpolate: gather coarse features at idx and weighted-sum
    h_t = jnp.transpose(h, (0, 2, 1))  # (B, N, Cout)
    gathered = jax.vmap(lambda ht, id_: ht[id_])(h_t, idx)  # (B, M, 3, Cout)
    interp = jnp.sum(gathered * weight[..., None], axis=2)  # (B, M, Cout)
    interp_t = jnp.transpose(interp, (0, 2, 1))  # (B, Cout, M)

    # lateral_mlp on fine features
    h2 = jnp.einsum('bmc,oc->bom', x2, W_lat)
    h2 = _bn_relu(h2, g_lat, b_lat)

    y = interp_t + h2  # (B, Cout, M)
    return jnp.transpose(y, (0, 2, 1)), p2

if __name__ == "__main__":
    import jax
    _d = setup_inputs()
    print(jax.jit(kernel)(*tuple(_d.values())))

</pallas_src>

<mosaic_0001>
#map = affine_map<(d0, d1) -> (0, 0)>
#map1 = affine_map<(d0, d1) -> (0)>
module attributes {stable_mosaic.version = 14 : i64} {
  func.func @_body(%arg0: i32, %arg1: i32, %arg2: memref<8192x256xf32, #tpu.memory_space<hbm>>, %arg3: memref<32768xi32, #tpu.memory_space<hbm>>, %arg4: memref<32768xi32, #tpu.memory_space<hbm>>, %arg5: memref<32768xi32, #tpu.memory_space<hbm>>, %arg6: memref<262144xf32, #tpu.memory_space<hbm>>, %arg7: memref<32768x256xf32, #tpu.memory_space<hbm>>, %arg8: memref<32x16xi32, #tpu.memory_space<hbm>>, %arg9: memref<32768x256xf32, #tpu.memory_space<hbm>>, %arg10: memref<32xi32, #tpu.memory_space<vmem>>, %arg11: memref<32xi32, #tpu.memory_space<vmem>>, %arg12: memref<32xi32, #tpu.memory_space<vmem>>, %arg13: memref<32x256xf32, #tpu.memory_space<vmem>>, %arg14: memref<32x256xf32, #tpu.memory_space<vmem>>, %arg15: memref<32x256xf32, #tpu.memory_space<vmem>>, %arg16: memref<32xf32, #tpu.memory_space<vmem>>, %arg17: memref<32xf32, #tpu.memory_space<vmem>>, %arg18: memref<32xf32, #tpu.memory_space<vmem>>, %arg19: memref<32x256xf32, #tpu.memory_space<vmem>>, %arg20: memref<32x256xf32, #tpu.memory_space<vmem>>, %arg21: memref<!tpu.dma_semaphore, #tpu.memory_space<semaphore_mem>>, %arg22: memref<!tpu.dma_semaphore, #tpu.memory_space<semaphore_mem>>, %arg23: memref<!tpu.dma_semaphore, #tpu.memory_space<semaphore_mem>>, %arg24: memref<!tpu.dma_semaphore, #tpu.memory_space<semaphore_mem>>, %arg25: memref<!tpu.dma_semaphore, #tpu.memory_space<semaphore_mem>>, %arg26: memref<32xi32, #tpu.memory_space<vmem>>, %arg27: memref<32xi32, #tpu.memory_space<vmem>>, %arg28: memref<32xi32, #tpu.memory_space<vmem>>, %arg29: memref<32x256xf32, #tpu.memory_space<vmem>>, %arg30: memref<32x256xf32, #tpu.memory_space<vmem>>, %arg31: memref<32x256xf32, #tpu.memory_space<vmem>>, %arg32: memref<32xf32, #tpu.memory_space<vmem>>, %arg33: memref<32xf32, #tpu.memory_space<vmem>>, %arg34: memref<32xf32, #tpu.memory_space<vmem>>, %arg35: memref<32x256xf32, #tpu.memory_space<vmem>>, %arg36: memref<32x256xf32, #tpu.memory_space<vmem>>, %arg37: memref<!tpu.dma_semaphore, #tpu.memory_space<semaphore_mem>>, %arg38: memref<!tpu.dma_semaphore, #tpu.memory_space<semaphore_mem>>, %arg39: memref<!tpu.dma_semaphore, #tpu.memory_space<semaphore_mem>>, %arg40: memref<!tpu.dma_semaphore, #tpu.memory_space<semaphore_mem>>, %arg41: memref<!tpu.dma_semaphore, #tpu.memory_space<semaphore_mem>>, %arg42: memref<32x16xi32, #tpu.memory_space<vmem>>, %arg43: memref<!tpu.dma_semaphore, #tpu.memory_space<semaphore_mem>>) attributes {dimension_semantics = [#tpu.dimension_semantics<core_parallel>, #tpu.dimension_semantics<subcore_parallel>], iteration_bounds = array<i64: 2, 16>, scalar_prefetch = 0 : i64, scratch_operands = 34 : i64, tpu.core_type = #tpu.core_type<sc_vector_subcore>, window_params = [{transform_indices = #map}, {transform_indices = #map1}, {transform_indices = #map1}, {transform_indices = #map1}, {transform_indices = #map1}, {transform_indices = #map}, {transform_indices = #map}, {transform_indices = #map}]} {
    %mul3A = arith.constant 2 : i32
    %mul3A_0 = arith.muli %arg1, %mul3A : i32
    %add3A = arith.addi %mul3A_0, %arg0 : i32
    %mul3A_1 = arith.constant 1024 : i32
    %mul3A_2 = arith.muli %add3A, %mul3A_1 : i32
    tpu.enqueue_dma source(%arg8 : memref<32x16xi32, #tpu.memory_space<hbm>>) target(%arg42 : memref<32x16xi32, #tpu.memory_space<vmem>>) target_semaphore(%arg43 : memref<!tpu.dma_semaphore, #tpu.memory_space<semaphore_mem>>)
    tpu.wait_dma2 semaphore(%arg43 : memref<!tpu.dma_semaphore, #tpu.memory_space<semaphore_mem>>) src(%arg8 : memref<32x16xi32, #tpu.memory_space<hbm>>) dst(%arg42 : memref<32x16xi32, #tpu.memory_space<vmem>>)
    %add3A_3 = arith.constant 0 : i32
    %add3A_4 = arith.addi %mul3A_2, %add3A_3 : i32
    %multiple_of3A = tpu.assume_multiple %add3A_4, 8 : i32
    %dma_start3A = tpu.memref_slice %arg3[%multiple_of3A] : memref<32768xi32, #tpu.memory_space<hbm>> -> memref<32xi32, #tpu.memory_space<hbm>>
    %dma_start3A_5 = tpu.memref_slice %arg3[%multiple_of3A] : memref<32768xi32, #tpu.memory_space<hbm>> -> memref<32xi32, #tpu.memory_space<hbm>>
    tpu.enqueue_dma source(%dma_start3A_5 : memref<32xi32, #tpu.memory_space<hbm>>) target(%arg10 : memref<32xi32, #tpu.memory_space<vmem>>) target_semaphore(%arg21 : memref<!tpu.dma_semaphore, #tpu.memory_space<semaphore_mem>>)
    %dma_start3A_6 = tpu.memref_slice %arg4[%multiple_of3A] : memref<32768xi32, #tpu.memory_space<hbm>> -> memref<32xi32, #tpu.memory_space<hbm>>
    %dma_start3A_7 = tpu.memref_slice %arg4[%multiple_of3A] : memref<32768xi32, #tpu.memory_space<hbm>> -> memref<32xi32, #tpu.memory_space<hbm>>
    tpu.enqueue_dma source(%dma_start3A_7 : memref<32xi32, #tpu.memory_space<hbm>>) target(%arg11 : memref<32xi32, #tpu.memory_space<vmem>>) target_semaphore(%arg21 : memref<!tpu.dma_semaphore, #tpu.memory_space<semaphore_mem>>)
    %dma_start3A_8 = tpu.memref_slice %arg5[%multiple_of3A] : memref<32768xi32, #tpu.memory_space<hbm>> -> memref<32xi32, #tpu.memory_space<hbm>>
    %dma_start3A_9 = tpu.memref_slice %arg5[%multiple_of3A] : memref<32768xi32, #tpu.memory_space<hbm>> -> memref<32xi32, #tpu.memory_space<hbm>>
    tpu.enqueue_dma source(%dma_start3A_9 : memref<32xi32, #tpu.memory_space<hbm>>) target(%arg12 : memref<32xi32, #tpu.memory_space<vmem>>) target_semaphore(%arg21 : memref<!tpu.dma_semaphore, #tpu.memory_space<semaphore_mem>>)
    %add3A_10 = arith.constant 0 : i32
    %add3A_11 = arith.addi %mul3A_2, %add3A_10 : i32
    %jit3A = arith.constant 4096 : i32
    %div3A = arith.divsi %add3A_11, %jit3A : i32
    %sign3A = arith.constant 0 : i32
    %sign3A_12 = arith.cmpi sgt, %add3A_11, %sign3A : i32
    %sign3A_13 = arith.extui %sign3A_12 : i1 to i32
    %sign3A_14 = arith.constant 0 : i32
    %sign3A_15 = arith.cmpi slt, %add3A_11, %sign3A_14 : i32
    %sign3A_16 = arith.extui %sign3A_15 : i1 to i32
    %sign3A_17 = arith.subi %sign3A_13, %sign3A_16 : i32
    %sign3A_18 = arith.constant 0 : i32
    %sign3A_19 = arith.cmpi sgt, %jit3A, %sign3A_18 : i32
    %sign3A_20 = arith.extui %sign3A_19 : i1 to i32
    %sign3A_21 = arith.constant 0 : i32
    %sign3A_22 = arith.cmpi slt, %jit3A, %sign3A_21 : i32
    %sign3A_23 = arith.extui %sign3A_22 : i1 to i32
    %sign3A_24 = arith.subi %sign3A_20, %sign3A_23 : i32
    %ne3A = arith.cmpi ne, %sign3A_17, %sign3A_24 : i32
    %rem3A = arith.remsi %add3A_11, %jit3A : i32
    %ne3A_25 = arith.constant 0 : i32
    %ne3A_26 = arith.cmpi ne, %rem3A, %ne3A_25 : i32
    %and3A = arith.andi %ne3A, %ne3A_26 : i1
    %sub3A = arith.constant 1 : i32
    %sub3A_27 = arith.subi %div3A, %sub3A : i32
    %select_n3A = arith.select %and3A, %sub3A_27, %div3A : i32
    %mul3A_28 = arith.constant 4096 : i32
    %mul3A_29 = arith.muli %select_n3A, %mul3A_28 : i32
    %sub3A_30 = arith.subi %add3A_11, %mul3A_29 : i32
    %mul3A_31 = arith.constant 8 : i32
    %mul3A_32 = arith.muli %select_n3A, %mul3A_31 : i32
    %add3A_33 = arith.constant 0 : i32
    %add3A_34 = arith.addi %mul3A_32, %add3A_33 : i32
    %mul3A_35 = arith.constant 4096 : i32
    %mul3A_36 = arith.muli %add3A_34, %mul3A_35 : i32
    %add3A_37 = arith.addi %mul3A_36, %sub3A_30 : i32
    %multiple_of3A_38 = tpu.assume_multiple %add3A_37, 8 : i32
    %mul3A_39 = arith.constant 8 : i32
    %mul3A_40 = arith.muli %select_n3A, %mul3A_39 : i32
    %add3A_41 = arith.constant 1 : i32
    %add3A_42 = arith.addi %mul3A_40, %add3A_41 : i32
    %mul3A_43 = arith.constant 4096 : i32
    %mul3A_44 = arith.muli %add3A_42, %mul3A_43 : i32
    %add3A_45 = arith.addi %mul3A_44, %sub3A_30 : i32
    %multiple_of3A_46 = tpu.assume_multiple %add3A_45, 8 : i32
    %mul3A_47 = arith.constant 8 : i32
    %mul3A_48 = arith.muli %select_n3A, %mul3A_47 : i32
    %add3A_49 = arith.constant 2 : i32
    %add3A_50 = arith.addi %mul3A_48, %add3A_49 : i32
    %mul3A_51 = arith.constant 4096 : i32
    %mul3A_52 = arith.muli %add3A_50, %mul3A_51 : i32
    %add3A_53 = arith.addi %mul3A_52, %sub3A_30 : i32
    %multiple_of3A_54 = tpu.assume_multiple %add3A_53, 8 : i32
    %dma_start3A_55 = tpu.memref_slice %arg6[%multiple_of3A_38] : memref<262144xf32, #tpu.memory_space<hbm>> -> memref<32xf32, #tpu.memory_space<hbm>>
    %dma_start3A_56 = tpu.memref_slice %arg6[%multiple_of3A_38] : memref<262144xf32, #tpu.memory_space<hbm>> -> memref<32xf32, #tpu.memory_space<hbm>>
    tpu.enqueue_dma source(%dma_start3A_56 : memref<32xf32, #tpu.memory_space<hbm>>) target(%arg16 : memref<32xf32, #tpu.memory_space<vmem>>) target_semaphore(%arg23 : memref<!tpu.dma_semaphore, #tpu.memory_space<semaphore_mem>>)
    %dma_start3A_57 = tpu.memref_slice %arg6[%multiple_of3A_46] : memref<262144xf32, #tpu.memory_space<hbm>> -> memref<32xf32, #tpu.memory_space<hbm>>
    %dma_start3A_58 = tpu.memref_slice %arg6[%multiple_of3A_46] : memref<262144xf32, #tpu.memory_space<hbm>> -> memref<32xf32, #tpu.memory_space<hbm>>
    tpu.enqueue_dma source(%dma_start3A_58 : memref<32xf32, #tpu.memory_space<hbm>>) target(%arg17 : memref<32xf32, #tpu.memory_space<vmem>>) target_semaphore(%arg23 : memref<!tpu.dma_semaphore, #tpu.memory_space<semaphore_mem>>)
    %dma_start3A_59 = tpu.memref_slice %arg6[%multiple_of3A_54] : memref<262144xf32, #tpu.memory_space<hbm>> -> memref<32xf32, #tpu.memory_space<hbm>>
    %dma_start3A_60 = tpu.memref_slice %arg6[%multiple_of3A_54] : memref<262144xf32, #tpu.memory_space<hbm>> -> memref<32xf32, #tpu.memory_space<hbm>>
    tpu.enqueue_dma source(%dma_start3A_60 : memref<32xf32, #tpu.memory_space<hbm>>) target(%arg18 : memref<32xf32, #tpu.memory_space<vmem>>) target_semaphore(%arg23 : memref<!tpu.dma_semaphore, #tpu.memory_space<semaphore_mem>>)
    %dma_start3A_61 = arith.constant 0 : i32
    %dma_start3A_62 = tpu.memref_slice %arg7[%multiple_of3A, %dma_start3A_61] : memref<32768x256xf32, #tpu.memory_space<hbm>> -> memref<32x256xf32, #tpu.memory_space<hbm>>
    %dma_start3A_63 = arith.constant 0 : i32
    %dma_start3A_64 = tpu.memref_slice %arg7[%multiple_of3A, %dma_start3A_63] : memref<32768x256xf32, #tpu.memory_space<hbm>> -> memref<32x256xf32, #tpu.memory_space<hbm>>
    tpu.enqueue_dma source(%dma_start3A_64 : memref<32x256xf32, #tpu.memory_space<hbm>>) target(%arg19 : memref<32x256xf32, #tpu.memory_space<vmem>>) target_semaphore(%arg24 : memref<!tpu.dma_semaphore, #tpu.memory_space<semaphore_mem>>)
    %add3A_65 = arith.constant 0 : i32
    %add3A_66 = arith.addi %mul3A_2, %add3A_65 : i32
    %multiple_of3A_67 = tpu.assume_multiple %add3A_66, 8 : i32
    %dma_wait3A = tpu.memref_slice %arg3[%multiple_of3A_67] : memref<32768xi32, #tpu.memory_space<hbm>> -> memref<32xi32, #tpu.memory_space<hbm>>
    %dma_wait3A_68 = tpu.memref_slice %arg3[%multiple_of3A_67] : memref<32768xi32, #tpu.memory_space<hbm>> -> memref<32xi32, #tpu.memory_space<hbm>>
    tpu.wait_dma2 semaphore(%arg21 : memref<!tpu.dma_semaphore, #tpu.memory_space<semaphore_mem>>) src(%dma_wait3A_68 : memref<32xi32, #tpu.memory_space<hbm>>) dst(%arg10 : memref<32xi32, #tpu.memory_space<vmem>>)
    %dma_wait3A_69 = tpu.memref_slice %arg4[%multiple_of3A_67] : memref<32768xi32, #tpu.memory_space<hbm>> -> memref<32xi32, #tpu.memory_space<hbm>>
    %dma_wait3A_70 = tpu.memref_slice %arg4[%multiple_of3A_67] : memref<32768xi32, #tpu.memory_space<hbm>> -> memref<32xi32, #tpu.memory_space<hbm>>
    tpu.wait_dma2 semaphore(%arg21 : memref<!tpu.dma_semaphore, #tpu.memory_space<semaphore_mem>>) src(%dma_wait3A_70 : memref<32xi32, #tpu.memory_space<hbm>>) dst(%arg11 : memref<32xi32, #tpu.memory_space<vmem>>)
    %dma_wait3A_71 = tpu.memref_slice %arg5[%multiple_of3A_67] : memref<32768xi32, #tpu.memory_space<hbm>> -> memref<32xi32, #tpu.memory_space<hbm>>
    %dma_wait3A_72 = tpu.memref_slice %arg5[%multiple_of3A_67] : memref<32768xi32, #tpu.memory_space<hbm>> -> memref<32xi32, #tpu.memory_space<hbm>>
    tpu.wait_dma2 semaphore(%arg21 : memref<!tpu.dma_semaphore, #tpu.memory_space<semaphore_mem>>) src(%dma_wait3A_72 : memref<32xi32, #tpu.memory_space<hbm>>) dst(%arg12 : memref<32xi32, #tpu.memory_space<vmem>>)
    %dma_start3A_73 = arith.constant 0 : i32
    %dma_start3A_74 = arith.constant 0 : i32
    %dma_start3A_75 = tpu.memref_slice %arg2[%dma_start3A_73, %dma_start3A_74] : memref<8192x256xf32, #tpu.memory_space<hbm>> -> memref<8192x256xf32, #tpu.memory_space<hbm>>
    tpu.enqueue_indirect_dma source(%dma_start3A_75 : memref<8192x256xf32, #tpu.memory_space<hbm>>) target(%arg13 : memref<32x256xf32, #tpu.memory_space<vmem>>) offsets(%arg10 : memref<32xi32, #tpu.memory_space<vmem>>) semaphore(%arg22 : memref<!tpu.dma_semaphore, #tpu.memory_space<semaphore_mem>>)
    %dma_start3A_76 = arith.constant 0 : i32
    %dma_start3A_77 = arith.constant 0 : i32
    %dma_start3A_78 = tpu.memref_slice %arg2[%dma_start3A_76, %dma_start3A_77] : memref<8192x256xf32, #tpu.memory_space<hbm>> -> memref<8192x256xf32, #tpu.memory_space<hbm>>
    tpu.enqueue_indirect_dma source(%dma_start3A_78 : memref<8192x256xf32, #tpu.memory_space<hbm>>) target(%arg14 : memref<32x256xf32, #tpu.memory_space<vmem>>) offsets(%arg11 : memref<32xi32, #tpu.memory_space<vmem>>) semaphore(%arg22 : memref<!tpu.dma_semaphore, #tpu.memory_space<semaphore_mem>>)
    %dma_start3A_79 = arith.constant 0 : i32
    %dma_start3A_80 = arith.constant 0 : i32
    %dma_start3A_81 = tpu.memref_slice %arg2[%dma_start3A_79, %dma_start3A_80] : memref<8192x256xf32, #tpu.memory_space<hbm>> -> memref<8192x256xf32, #tpu.memory_space<hbm>>
    tpu.enqueue_indirect_dma source(%dma_start3A_81 : memref<8192x256xf32, #tpu.memory_space<hbm>>) target(%arg15 : memref<32x256xf32, #tpu.memory_space<vmem>>) offsets(%arg12 : memref<32xi32, #tpu.memory_space<vmem>>) semaphore(%arg22 : memref<!tpu.dma_semaphore, #tpu.memory_space<semaphore_mem>>)
    %add3A_82 = arith.constant 32 : i32
    %add3A_83 = arith.addi %mul3A_2, %add3A_82 : i32
    %multiple_of3A_84 = tpu.assume_multiple %add3A_83, 8 : i32
    %dma_start3A_85 = tpu.memref_slice %arg3[%multiple_of3A_84] : memref<32768xi32, #tpu.memory_space<hbm>> -> memref<32xi32, #tpu.memory_space<hbm>>
    %dma_start3A_86 = tpu.memref_slice %arg3[%multiple_of3A_84] : memref<32768xi32, #tpu.memory_space<hbm>> -> memref<32xi32, #tpu.memory_space<hbm>>
    tpu.enqueue_dma source(%dma_start3A_86 : memref<32xi32, #tpu.memory_space<hbm>>) target(%arg26 : memref<32xi32, #tpu.memory_space<vmem>>) target_semaphore(%arg37 : memref<!tpu.dma_semaphore, #tpu.memory_space<semaphore_mem>>)
    %dma_start3A_87 = tpu.memref_slice %arg4[%multiple_of3A_84] : memref<32768xi32, #tpu.memory_space<hbm>> -> memref<32xi32, #tpu.memory_space<hbm>>
    %dma_start3A_88 = tpu.memref_slice %arg4[%multiple_of3A_84] : memref<32768xi32, #tpu.memory_space<hbm>> -> memref<32xi32, #tpu.memory_space<hbm>>
    tpu.enqueue_dma source(%dma_start3A_88 : memref<32xi32, #tpu.memory_space<hbm>>) target(%arg27 : memref<32xi32, #tpu.memory_space<vmem>>) target_semaphore(%arg37 : memref<!tpu.dma_semaphore, #tpu.memory_space<semaphore_mem>>)
    %dma_start3A_89 = tpu.memref_slice %arg5[%multiple_of3A_84] : memref<32768xi32, #tpu.memory_space<hbm>> -> memref<32xi32, #tpu.memory_space<hbm>>
    %dma_start3A_90 = tpu.memref_slice %arg5[%multiple_of3A_84] : memref<32768xi32, #tpu.memory_space<hbm>> -> memref<32xi32, #tpu.memory_space<hbm>>
    tpu.enqueue_dma source(%dma_start3A_90 : memref<32xi32, #tpu.memory_space<hbm>>) target(%arg28 : memref<32xi32, #tpu.memory_space<vmem>>) target_semaphore(%arg37 : memref<!tpu.dma_semaphore, #tpu.memory_space<semaphore_mem>>)
    %add3A_91 = arith.constant 32 : i32
    %add3A_92 = arith.addi %mul3A_2, %add3A_91 : i32
    %jit3A_93 = arith.constant 4096 : i32
    %div3A_94 = arith.divsi %add3A_92, %jit3A_93 : i32
    %sign3A_95 = arith.constant 0 : i32
    %sign3A_96 = arith.cmpi sgt, %add3A_92, %sign3A_95 : i32
    %sign3A_97 = arith.extui %sign3A_96 : i1 to i32
    %sign3A_98 = arith.constant 0 : i32
    %sign3A_99 = arith.cmpi slt, %add3A_92, %sign3A_98 : i32
    %sign3A_100 = arith.extui %sign3A_99 : i1 to i32
    %sign3A_101 = arith.subi %sign3A_97, %sign3A_100 : i32
    %sign3A_102 = arith.constant 0 : i32
    %sign3A_103 = arith.cmpi sgt, %jit3A_93, %sign3A_102 : i32
    %sign3A_104 = arith.extui %sign3A_103 : i1 to i32
    %sign3A_105 = arith.constant 0 : i32
    %sign3A_106 = arith.cmpi slt, %jit3A_93, %sign3A_105 : i32
    %sign3A_107 = arith.extui %sign3A_106 : i1 to i32
    %sign3A_108 = arith.subi %sign3A_104, %sign3A_107 : i32
    %ne3A_109 = arith.cmpi ne, %sign3A_101, %sign3A_108 : i32
    %rem3A_110 = arith.remsi %add3A_92, %jit3A_93 : i32
    %ne3A_111 = arith.constant 0 : i32
    %ne3A_112 = arith.cmpi ne, %rem3A_110, %ne3A_111 : i32
    %and3A_113 = arith.andi %ne3A_109, %ne3A_112 : i1
    %sub3A_114 = arith.constant 1 : i32
    %sub3A_115 = arith.subi %div3A_94, %sub3A_114 : i32
    %select_n3A_116 = arith.select %and3A_113, %sub3A_115, %div3A_94 : i32
    %mul3A_117 = arith.constant 4096 : i32
    %mul3A_118 = arith.muli %select_n3A_116, %mul3A_117 : i32
    %sub3A_119 = arith.subi %add3A_92, %mul3A_118 : i32
    %mul3A_120 = arith.constant 8 : i32
    %mul3A_121 = arith.muli %select_n3A_116, %mul3A_120 : i32
    %add3A_122 = arith.constant 0 : i32
    %add3A_123 = arith.addi %mul3A_121, %add3A_122 : i32
    %mul3A_124 = arith.constant 4096 : i32
    %mul3A_125 = arith.muli %add3A_123, %mul3A_124 : i32
    %add3A_126 = arith.addi %mul3A_125, %sub3A_119 : i32
    %multiple_of3A_127 = tpu.assume_multiple %add3A_126, 8 : i32
    %mul3A_128 = arith.constant 8 : i32
    %mul3A_129 = arith.muli %select_n3A_116, %mul3A_128 : i32
    %add3A_130 = arith.constant 1 : i32
    %add3A_131 = arith.addi %mul3A_129, %add3A_130 : i32
    %mul3A_132 = arith.constant 4096 : i32
    %mul3A_133 = arith.muli %add3A_131, %mul3A_132 : i32
    %add3A_134 = arith.addi %mul3A_133, %sub3A_119 : i32
    %multiple_of3A_135 = tpu.assume_multiple %add3A_134, 8 : i32
    %mul3A_136 = arith.constant 8 : i32
    %mul3A_137 = arith.muli %select_n3A_116, %mul3A_136 : i32
    %add3A_138 = arith.constant 2 : i32
    %add3A_139 = arith.addi %mul3A_137, %add3A_138 : i32
    %mul3A_140 = arith.constant 4096 : i32
    %mul3A_141 = arith.muli %add3A_139, %mul3A_140 : i32
    %add3A_142 = arith.addi %mul3A_141, %sub3A_119 : i32
    %multiple_of3A_143 = tpu.assume_multiple %add3A_142, 8 : i32
    %dma_start3A_144 = tpu.memref_slice %arg6[%multiple_of3A_127] : memref<262144xf32, #tpu.memory_space<hbm>> -> memref<32xf32, #tpu.memory_space<hbm>>
    %dma_start3A_145 = tpu.memref_slice %arg6[%multiple_of3A_127] : memref<262144xf32, #tpu.memory_space<hbm>> -> memref<32xf32, #tpu.memory_space<hbm>>
    tpu.enqueue_dma source(%dma_start3A_145 : memref<32xf32, #tpu.memory_space<hbm>>) target(%arg32 : memref<32xf32, #tpu.memory_space<vmem>>) target_semaphore(%arg39 : memref<!tpu.dma_semaphore, #tpu.memory_space<semaphore_mem>>)
    %dma_start3A_146 = tpu.memref_slice %arg6[%multiple_of3A_135] : memref<262144xf32, #tpu.memory_space<hbm>> -> memref<32xf32, #tpu.memory_space<hbm>>
    %dma_start3A_147 = tpu.memref_slice %arg6[%multiple_of3A_135] : memref<262144xf32, #tpu.memory_space<hbm>> -> memref<32xf32, #tpu.memory_space<hbm>>
    tpu.enqueue_dma source(%dma_start3A_147 : memref<32xf32, #tpu.memory_space<hbm>>) target(%arg33 : memref<32xf32, #tpu.memory_space<vmem>>) target_semaphore(%arg39 : memref<!tpu.dma_semaphore, #tpu.memory_space<semaphore_mem>>)
    %dma_start3A_148 = tpu.memref_slice %arg6[%multiple_of3A_143] : memref<262144xf32, #tpu.memory_space<hbm>> -> memref<32xf32, #tpu.memory_space<hbm>>
    %dma_start3A_149 = tpu.memref_slice %arg6[%multiple_of3A_143] : memref<262144xf32, #tpu.memory_space<hbm>> -> memref<32xf32, #tpu.memory_space<hbm>>
    tpu.enqueue_dma source(%dma_start3A_149 : memref<32xf32, #tpu.memory_space<hbm>>) target(%arg34 : memref<32xf32, #tpu.memory_space<vmem>>) target_semaphore(%arg39 : memref<!tpu.dma_semaphore, #tpu.memory_space<semaphore_mem>>)
    %dma_start3A_150 = arith.constant 0 : i32
    %dma_start3A_151 = tpu.memref_slice %arg7[%multiple_of3A_84, %dma_start3A_150] : memref<32768x256xf32, #tpu.memory_space<hbm>> -> memref<32x256xf32, #tpu.memory_space<hbm>>
    %dma_start3A_152 = arith.constant 0 : i32
    %dma_start3A_153 = tpu.memref_slice %arg7[%multiple_of3A_84, %dma_start3A_152] : memref<32768x256xf32, #tpu.memory_space<hbm>> -> memref<32x256xf32, #tpu.memory_space<hbm>>
    tpu.enqueue_dma source(%dma_start3A_153 : memref<32x256xf32, #tpu.memory_space<hbm>>) target(%arg35 : memref<32x256xf32, #tpu.memory_space<vmem>>) target_semaphore(%arg40 : memref<!tpu.dma_semaphore, #tpu.memory_space<semaphore_mem>>)
    %scan3A = arith.constant 0 : i32
    %scan3A_154 = arith.constant 0 : i32
    %scan3A_155 = arith.constant 16 : i32
    %scan3A_156 = arith.addi %scan3A_154, %scan3A_155 : i32
    %scan3A_157 = arith.constant 1 : i32
    scf.for %scan3A_173 = %scan3A_154 to %scan3A_156 step %scan3A_157  : i32 {
      %mul3A_174 = arith.constant 2 : i32
      %mul3A_175 = arith.muli %scan3A_173, %mul3A_174 : i32
      %add3A_176 = arith.constant 2 : i32
      %add3A_177 = arith.addi %mul3A_175, %add3A_176 : i32
      %mul3A_178 = arith.constant 32 : i32
      %mul3A_179 = arith.muli %mul3A_175, %mul3A_178 : i32
      %add3A_180 = arith.addi %mul3A_2, %mul3A_179 : i32
      %multiple_of3A_181 = tpu.assume_multiple %add3A_180, 8 : i32
      %add3A_182 = arith.constant 1 : i32
      %add3A_183 = arith.addi %mul3A_175, %add3A_182 : i32
      %lt3A = arith.constant 32 : i32
      %lt3A_184 = arith.cmpi slt, %add3A_183, %lt3A : i32
      %convert_element_type3A = arith.extui %lt3A_184 : i1 to i32
      %cond3A = arith.constant 0 : i32
      %cond3A_185 = arith.cmpi ne, %convert_element_type3A, %cond3A : i32
      scf.if %cond3A_185 {
        %add3A_386 = arith.constant 1 : i32
        %add3A_387 = arith.addi %mul3A_175, %add3A_386 : i32
        %mul3A_388 = arith.constant 32 : i32
        %mul3A_389 = arith.muli %add3A_387, %mul3A_388 : i32
        %add3A_390 = arith.addi %mul3A_2, %mul3A_389 : i32
        %multiple_of3A_391 = tpu.assume_multiple %add3A_390, 8 : i32
        %dma_wait3A_392 = tpu.memref_slice %arg3[%multiple_of3A_391] : memref<32768xi32, #tpu.memory_space<hbm>> -> memref<32xi32, #tpu.memory_space<hbm>>
        %dma_wait3A_393 = tpu.memref_slice %arg3[%multiple_of3A_391] : memref<32768xi32, #tpu.memory_space<hbm>> -> memref<32xi32, #tpu.memory_space<hbm>>
        tpu.wait_dma2 semaphore(%arg37 : memref<!tpu.dma_semaphore, #tpu.memory_space<semaphore_mem>>) src(%dma_wait3A_393 : memref<32xi32, #tpu.memory_space<hbm>>) dst(%arg26 : memref<32xi32, #tpu.memory_space<vmem>>)
        %dma_wait3A_394 = tpu.memref_slice %arg4[%multiple_of3A_391] : memref<32768xi32, #tpu.memory_space<hbm>> -> memref<32xi32, #tpu.memory_space<hbm>>
        %dma_wait3A_395 = tpu.memref_slice %arg4[%multiple_of3A_391] : memref<32768xi32, #tpu.memory_space<hbm>> -> memref<32xi32, #tpu.memory_space<hbm>>
        tpu.wait_dma2 semaphore(%arg37 : memref<!tpu.dma_semaphore, #tpu.memory_space<semaphore_mem>>) src(%dma_wait3A_395 : memref<32xi32, #tpu.memory_space<hbm>>) dst(%arg27 : memref<32xi32, #tpu.memory_space<vmem>>)
        %dma_wait3A_396 = tpu.memref_slice %arg5[%multiple_of3A_391] : memref<32768xi32, #tpu.memory_space<hbm>> -> memref<32xi32, #tpu.memory_space<hbm>>
        %dma_wait3A_397 = tpu.memref_slice %arg5[%multiple_of3A_391] : memref<32768xi32, #tpu.memory_space<hbm>> -> memref<32xi32, #tpu.memory_space<hbm>>
        tpu.wait_dma2 semaphore(%arg37 : memref<!tpu.dma_semaphore, #tpu.memory_space<semaphore_mem>>) src(%dma_wait3A_397 : memref<32xi32, #tpu.memory_space<hbm>>) dst(%arg28 : memref<32xi32, #tpu.memory_space<vmem>>)
        %dma_start3A_398 = arith.constant 0 : i32
        %dma_start3A_399 = arith.constant 0 : i32
        %dma_start3A_400 = tpu.memref_slice %arg2[%dma_start3A_398, %dma_start3A_399] : memref<8192x256xf32, #tpu.memory_space<hbm>> -> memref<8192x256xf32, #tpu.memory_space<hbm>>
        tpu.enqueue_indirect_dma source(%dma_start3A_400 : memref<8192x256xf32, #tpu.memory_space<hbm>>) target(%arg29 : memref<32x256xf32, #tpu.memory_space<vmem>>) offsets(%arg26 : memref<32xi32, #tpu.memory_space<vmem>>) semaphore(%arg38 : memref<!tpu.dma_semaphore, #tpu.memory_space<semaphore_mem>>)
        %dma_start3A_401 = arith.constant 0 : i32
        %dma_start3A_402 = arith.constant 0 : i32
        %dma_start3A_403 = tpu.memref_slice %arg2[%dma_start3A_401, %dma_start3A_402] : memref<8192x256xf32, #tpu.memory_space<hbm>> -> memref<8192x256xf32, #tpu.memory_space<hbm>>
        tpu.enqueue_indirect_dma source(%dma_start3A_403 : memref<8192x256xf32, #tpu.memory_space<hbm>>) target(%arg30 : memref<32x256xf32, #tpu.memory_space<vmem>>) offsets(%arg27 : memref<32xi32, #tpu.memory_space<vmem>>) semaphore(%arg38 : memref<!tpu.dma_semaphore, #tpu.memory_space<semaphore_mem>>)
        %dma_start3A_404 = arith.constant 0 : i32
        %dma_start3A_405 = arith.constant 0 : i32
        %dma_start3A_406 = tpu.memref_slice %arg2[%dma_start3A_404, %dma_start3A_405] : memref<8192x256xf32, #tpu.memory_space<hbm>> -> memref<8192x256xf32, #tpu.memory_space<hbm>>
        tpu.enqueue_indirect_dma source(%dma_start3A_406 : memref<8192x256xf32, #tpu.memory_space<hbm>>) target(%arg31 : memref<32x256xf32, #tpu.memory_space<vmem>>) offsets(%arg28 : memref<32xi32, #tpu.memory_space<vmem>>) semaphore(%arg38 : memref<!tpu.dma_semaphore, #tpu.memory_space<semaphore_mem>>)
      } else {
      }
      %dma_wait3A_186 = arith.constant 0 : i32
      %dma_wait3A_187 = arith.constant 0 : i32
      %dma_wait3A_188 = tpu.memref_slice %arg2[%dma_wait3A_186, %dma_wait3A_187] : memref<8192x256xf32, #tpu.memory_space<hbm>> -> memref<8192x256xf32, #tpu.memory_space<hbm>>
      tpu.wait_indirect_dma semaphore(%arg22 : memref<!tpu.dma_semaphore, #tpu.memory_space<semaphore_mem>>) src(%dma_wait3A_188 : memref<8192x256xf32, #tpu.memory_space<hbm>>) dst(%arg13 : memref<32x256xf32, #tpu.memory_space<vmem>>)
      %dma_wait3A_189 = arith.constant 0 : i32
      %dma_wait3A_190 = arith.constant 0 : i32
      %dma_wait3A_191 = tpu.memref_slice %arg2[%dma_wait3A_189, %dma_wait3A_190] : memref<8192x256xf32, #tpu.memory_space<hbm>> -> memref<8192x256xf32, #tpu.memory_space<hbm>>
      tpu.wait_indirect_dma semaphore(%arg22 : memref<!tpu.dma_semaphore, #tpu.memory_space<semaphore_mem>>) src(%dma_wait3A_191 : memref<8192x256xf32, #tpu.memory_space<hbm>>) dst(%arg14 : memref<32x256xf32, #tpu.memory_space<vmem>>)
      %dma_wait3A_192 = arith.constant 0 : i32
      %dma_wait3A_193 = arith.constant 0 : i32
      %dma_wait3A_194 = tpu.memref_slice %arg2[%dma_wait3A_192, %dma_wait3A_193] : memref<8192x256xf32, #tpu.memory_space<hbm>> -> memref<8192x256xf32, #tpu.memory_space<hbm>>
      tpu.wait_indirect_dma semaphore(%arg22 : memref<!tpu.dma_semaphore, #tpu.memory_space<semaphore_mem>>) src(%dma_wait3A_194 : memref<8192x256xf32, #tpu.memory_space<hbm>>) dst(%arg15 : memref<32x256xf32, #tpu.memory_space<vmem>>)
      %mul3A_195 = arith.constant 32 : i32
      %mul3A_196 = arith.muli %mul3A_175, %mul3A_195 : i32
      %add3A_197 = arith.addi %mul3A_2, %mul3A_196 : i32
      %jit3A_198 = arith.constant 4096 : i32
      %div3A_199 = arith.divsi %add3A_197, %jit3A_198 : i32
      %sign3A_200 = arith.constant 0 : i32
      %sign3A_201 = arith.cmpi sgt, %add3A_197, %sign3A_200 : i32
      %sign3A_202 = arith.extui %sign3A_201 : i1 to i32
      %sign3A_203 = arith.constant 0 : i32
      %sign3A_204 = arith.cmpi slt, %add3A_197, %sign3A_203 : i32
      %sign3A_205 = arith.extui %sign3A_204 : i1 to i32
      %sign3A_206 = arith.subi %sign3A_202, %sign3A_205 : i32
      %sign3A_207 = arith.constant 0 : i32
      %sign3A_208 = arith.cmpi sgt, %jit3A_198, %sign3A_207 : i32
      %sign3A_209 = arith.extui %sign3A_208 : i1 to i32
      %sign3A_210 = arith.constant 0 : i32
      %sign3A_211 = arith.cmpi slt, %jit3A_198, %sign3A_210 : i32
      %sign3A_212 = arith.extui %sign3A_211 : i1 to i32
      %sign3A_213 = arith.subi %sign3A_209, %sign3A_212 : i32
      %ne3A_214 = arith.cmpi ne, %sign3A_206, %sign3A_213 : i32
      %rem3A_215 = arith.remsi %add3A_197, %jit3A_198 : i32
      %ne3A_216 = arith.constant 0 : i32
      %ne3A_217 = arith.cmpi ne, %rem3A_215, %ne3A_216 : i32
      %and3A_218 = arith.andi %ne3A_214, %ne3A_217 : i1
      %sub3A_219 = arith.constant 1 : i32
      %sub3A_220 = arith.subi %div3A_199, %sub3A_219 : i32
      %select_n3A_221 = arith.select %and3A_218, %sub3A_220, %div3A_199 : i32
      %mul3A_222 = arith.constant 4096 : i32
      %mul3A_223 = arith.muli %select_n3A_221, %mul3A_222 : i32
      %sub3A_224 = arith.subi %add3A_197, %mul3A_223 : i32
      %mul3A_225 = arith.constant 8 : i32
      %mul3A_226 = arith.muli %select_n3A_221, %mul3A_225 : i32
      %add3A_227 = arith.constant 0 : i32
      %add3A_228 = arith.addi %mul3A_226, %add3A_227 : i32
      %mul3A_229 = arith.constant 4096 : i32
      %mul3A_230 = arith.muli %add3A_228, %mul3A_229 : i32
      %add3A_231 = arith.addi %mul3A_230, %sub3A_224 : i32
      %multiple_of3A_232 = tpu.assume_multiple %add3A_231, 8 : i32
      %mul3A_233 = arith.constant 8 : i32
      %mul3A_234 = arith.muli %select_n3A_221, %mul3A_233 : i32
      %add3A_235 = arith.constant 1 : i32
      %add3A_236 = arith.addi %mul3A_234, %add3A_235 : i32
      %mul3A_237 = arith.constant 4096 : i32
      %mul3A_238 = arith.muli %add3A_236, %mul3A_237 : i32
      %add3A_239 = arith.addi %mul3A_238, %sub3A_224 : i32
      %multiple_of3A_240 = tpu.assume_multiple %add3A_239, 8 : i32
      %mul3A_241 = arith.constant 8 : i32
      %mul3A_242 = arith.muli %select_n3A_221, %mul3A_241 : i32
      %add3A_243 = arith.constant 2 : i32
      %add3A_244 = arith.addi %mul3A_242, %add3A_243 : i32
      %mul3A_245 = arith.constant 4096 : i32
      %mul3A_246 = arith.muli %add3A_244, %mul3A_245 : i32
      %add3A_247 = arith.addi %mul3A_246, %sub3A_224 : i32
      %multiple_of3A_248 = tpu.assume_multiple %add3A_247, 8 : i32
      %dma_wait3A_249 = tpu.memref_slice %arg6[%multiple_of3A_232] : memref<262144xf32, #tpu.memory_space<hbm>> -> memref<32xf32, #tpu.memory_space<hbm>>
      %dma_wait3A_250 = tpu.memref_slice %arg6[%multiple_of3A_232] : memref<262144xf32, #tpu.memory_space<hbm>> -> memref<32xf32, #tpu.memory_space<hbm>>
      tpu.wait_dma2 semaphore(%arg23 : memref<!tpu.dma_semaphore, #tpu.memory_space<semaphore_mem>>) src(%dma_wait3A_250 : memref<32xf32, #tpu.memory_space<hbm>>) dst(%arg16 : memref<32xf32, #tpu.memory_space<vmem>>)
      %dma_wait3A_251 = tpu.memref_slice %arg6[%multiple_of3A_240] : memref<262144xf32, #tpu.memory_space<hbm>> -> memref<32xf32, #tpu.memory_space<hbm>>
      %dma_wait3A_252 = tpu.memref_slice %arg6[%multiple_of3A_240] : memref<262144xf32, #tpu.memory_space<hbm>> -> memref<32xf32, #tpu.memory_space<hbm>>
      tpu.wait_dma2 semaphore(%arg23 : memref<!tpu.dma_semaphore, #tpu.memory_space<semaphore_mem>>) src(%dma_wait3A_252 : memref<32xf32, #tpu.memory_space<hbm>>) dst(%arg17 : memref<32xf32, #tpu.memory_space<vmem>>)
      %dma_wait3A_253 = tpu.memref_slice %arg6[%multiple_of3A_248] : memref<262144xf32, #tpu.memory_space<hbm>> -> memref<32xf32, #tpu.memory_space<hbm>>
      %dma_wait3A_254 = tpu.memref_slice %arg6[%multiple_of3A_248] : memref<262144xf32, #tpu.memory_space<hbm>> -> memref<32xf32, #tpu.memory_space<hbm>>
      tpu.wait_dma2 semaphore(%arg23 : memref<!tpu.dma_semaphore, #tpu.memory_space<semaphore_mem>>) src(%dma_wait3A_254 : memref<32xf32, #tpu.memory_space<hbm>>) dst(%arg18 : memref<32xf32, #tpu.memory_space<vmem>>)
      %dma_wait3A_255 = arith.constant 0 : i32
      %dma_wait3A_256 = tpu.memref_slice %arg7[%multiple_of3A_181, %dma_wait3A_255] : memref<32768x256xf32, #tpu.memory_space<hbm>> -> memref<32x256xf32, #tpu.memory_space<hbm>>
      %dma_wait3A_257 = arith.constant 0 : i32
      %dma_wait3A_258 = tpu.memref_slice %arg7[%multiple_of3A_181, %dma_wait3A_257] : memref<32768x256xf32, #tpu.memory_space<hbm>> -> memref<32x256xf32, #tpu.memory_space<hbm>>
      tpu.wait_dma2 semaphore(%arg24 : memref<!tpu.dma_semaphore, #tpu.memory_space<semaphore_mem>>) src(%dma_wait3A_258 : memref<32x256xf32, #tpu.memory_space<hbm>>) dst(%arg19 : memref<32x256xf32, #tpu.memory_space<vmem>>)
      %ge3A = arith.constant 2 : i32
      %ge3A_259 = arith.cmpi sge, %mul3A_175, %ge3A : i32
      %convert_element_type3A_260 = arith.extui %ge3A_259 : i1 to i32
      %cond3A_261 = arith.constant 0 : i32
      %cond3A_262 = arith.cmpi ne, %convert_element_type3A_260, %cond3A_261 : i32
      scf.if %cond3A_262 {
        %sub3A_386 = arith.constant 2 : i32
        %sub3A_387 = arith.subi %mul3A_175, %sub3A_386 : i32
        %mul3A_388 = arith.constant 32 : i32
        %mul3A_389 = arith.muli %sub3A_387, %mul3A_388 : i32
        %add3A_390 = arith.addi %mul3A_2, %mul3A_389 : i32
        %multiple_of3A_391 = tpu.assume_multiple %add3A_390, 8 : i32
        %dma_wait3A_392 = arith.constant 0 : i32
        %dma_wait3A_393 = tpu.memref_slice %arg9[%multiple_of3A_391, %dma_wait3A_392] : memref<32768x256xf32, #tpu.memory_space<hbm>> -> memref<32x256xf32, #tpu.memory_space<hbm>>
        %dma_wait3A_394 = arith.constant 0 : i32
        %dma_wait3A_395 = tpu.memref_slice %arg9[%multiple_of3A_391, %dma_wait3A_394] : memref<32768x256xf32, #tpu.memory_space<hbm>> -> memref<32x256xf32, #tpu.memory_space<hbm>>
        tpu.wait_dma2 semaphore(%arg25 : memref<!tpu.dma_semaphore, #tpu.memory_space<semaphore_mem>>) src(%arg20 : memref<32x256xf32, #tpu.memory_space<vmem>>) dst(%dma_wait3A_395 : memref<32x256xf32, #tpu.memory_space<hbm>>)
      } else {
      }
      %scan3A_263 = arith.constant 0 : i32
      %scan3A_264 = arith.constant 0 : i32
      %scan3A_265 = arith.constant 32 : i32
      %scan3A_266 = arith.addi %scan3A_264, %scan3A_265 : i32
      %scan3A_267 = arith.constant 1 : i32
      scf.for %scan3A_386 = %scan3A_264 to %scan3A_266 step %scan3A_267  : i32 {
        %get3A = arith.index_cast %scan3A_386 : i32 to index
        %get3A_387 = arith.constant 0 : index
        %get3A_388 = tpu.vector_load %arg42[%get3A, %get3A_387] {strides = array<i32>} : memref<32x16xi32, #tpu.memory_space<vmem>>, vector<1x16xi32>,
        %get3A_389 = vector.shape_cast %get3A_388 : vector<1x16xi32> to vector<16xi32>
        %jit3A_390 = arith.constant 16 : i32
        %div3A_391 = arith.divsi %scan3A_386, %jit3A_390 : i32
        %sign3A_392 = arith.constant 0 : i32
        %sign3A_393 = arith.cmpi sgt, %scan3A_386, %sign3A_392 : i32
        %sign3A_394 = arith.extui %sign3A_393 : i1 to i32
        %sign3A_395 = arith.constant 0 : i32
        %sign3A_396 = arith.cmpi slt, %scan3A_386, %sign3A_395 : i32
        %sign3A_397 = arith.extui %sign3A_396 : i1 to i32
        %sign3A_398 = arith.subi %sign3A_394, %sign3A_397 : i32
        %sign3A_399 = arith.constant 0 : i32
        %sign3A_400 = arith.cmpi sgt, %jit3A_390, %sign3A_399 : i32
        %sign3A_401 = arith.extui %sign3A_400 : i1 to i32
        %sign3A_402 = arith.constant 0 : i32
        %sign3A_403 = arith.cmpi slt, %jit3A_390, %sign3A_402 : i32
        %sign3A_404 = arith.extui %sign3A_403 : i1 to i32
        %sign3A_405 = arith.subi %sign3A_401, %sign3A_404 : i32
        %ne3A_406 = arith.cmpi ne, %sign3A_398, %sign3A_405 : i32
        %rem3A_407 = arith.remsi %scan3A_386, %jit3A_390 : i32
        %ne3A_408 = arith.constant 0 : i32
        %ne3A_409 = arith.cmpi ne, %rem3A_407, %ne3A_408 : i32
        %and3A_410 = arith.andi %ne3A_406, %ne3A_409 : i1
        %sub3A_411 = arith.constant 1 : i32
        %sub3A_412 = arith.subi %div3A_391, %sub3A_411 : i32
        %select_n3A_413 = arith.select %and3A_410, %sub3A_412, %div3A_391 : i32
        %mul3A_414 = arith.constant 16 : i32
        %mul3A_415 = arith.muli %select_n3A_413, %mul3A_414 : i32
        %get3A_416 = arith.index_cast %mul3A_415 : i32 to index
        %get3A_417 = tpu.vector_load %arg16[%get3A_416] {strides = array<i32>} : memref<32xf32, #tpu.memory_space<vmem>>, vector<16xf32>,
        %get3A_418 = vector.shape_cast %get3A_417 : vector<16xf32> to vector<16xf32>
        %lt3A_419 = arith.constant 0 : i32
        %lt3A_420 = vector.broadcast %lt3A_419 : i32 to vector<16xi32>
        %lt3A_421 = arith.cmpi slt, %get3A_389, %lt3A_420 : vector<16xi32>
        %add3A_422 = arith.constant 16 : i32
        %add3A_423 = vector.broadcast %add3A_422 : i32 to vector<16xi32>
        %add3A_424 = arith.addi %get3A_389, %add3A_423 : vector<16xi32>
        %select_n3A_425 = arith.select %lt3A_421, %add3A_424, %get3A_389 : vector<16xi1>, vector<16xi32>
        %broadcast_in_dim3A = vector.shape_cast %select_n3A_425 : vector<16xi32> to vector<16x1xi32>
        %gather3A = vector.shape_cast %broadcast_in_dim3A : vector<16x1xi32> to vector<16xi32>
        %gather3A_426 = tpu.dynamic_gather %get3A_418[%gather3A] in [0] : vector<16xf32>, vector<16xi32> -> vector<16xf32>
        %get3A_427 = arith.index_cast %mul3A_415 : i32 to index
        %get3A_428 = tpu.vector_load %arg17[%get3A_427] {strides = array<i32>} : memref<32xf32, #tpu.memory_space<vmem>>, vector<16xf32>,
        %get3A_429 = vector.shape_cast %get3A_428 : vector<16xf32> to vector<16xf32>
        %lt3A_430 = arith.constant 0 : i32
        %lt3A_431 = vector.broadcast %lt3A_430 : i32 to vector<16xi32>
        %lt3A_432 = arith.cmpi slt, %get3A_389, %lt3A_431 : vector<16xi32>
        %add3A_433 = arith.constant 16 : i32
        %add3A_434 = vector.broadcast %add3A_433 : i32 to vector<16xi32>
        %add3A_435 = arith.addi %get3A_389, %add3A_434 : vector<16xi32>
        %select_n3A_436 = arith.select %lt3A_432, %add3A_435, %get3A_389 : vector<16xi1>, vector<16xi32>
        %broadcast_in_dim3A_437 = vector.shape_cast %select_n3A_436 : vector<16xi32> to vector<16x1xi32>
        %gather3A_438 = vector.shape_cast %broadcast_in_dim3A_437 : vector<16x1xi32> to vector<16xi32>
        %gather3A_439 = tpu.dynamic_gather %get3A_429[%gather3A_438] in [0] : vector<16xf32>, vector<16xi32> -> vector<16xf32>
        %get3A_440 = arith.index_cast %mul3A_415 : i32 to index
        %get3A_441 = tpu.vector_load %arg18[%get3A_440] {strides = array<i32>} : memref<32xf32, #tpu.memory_space<vmem>>, vector<16xf32>,
        %get3A_442 = vector.shape_cast %get3A_441 : vector<16xf32> to vector<16xf32>
        %lt3A_443 = arith.constant 0 : i32
        %lt3A_444 = vector.broadcast %lt3A_443 : i32 to vector<16xi32>
        %lt3A_445 = arith.cmpi slt, %get3A_389, %lt3A_444 : vector<16xi32>
        %add3A_446 = arith.constant 16 : i32
        %add3A_447 = vector.broadcast %add3A_446 : i32 to vector<16xi32>
        %add3A_448 = arith.addi %get3A_389, %add3A_447 : vector<16xi32>
        %select_n3A_449 = arith.select %lt3A_445, %add3A_448, %get3A_389 : vector<16xi1>, vector<16xi32>
        %broadcast_in_dim3A_450 = vector.shape_cast %select_n3A_449 : vector<16xi32> to vector<16x1xi32>
        %gather3A_451 = vector.shape_cast %broadcast_in_dim3A_450 : vector<16x1xi32> to vector<16xi32>
        %gather3A_452 = tpu.dynamic_gather %get3A_442[%gather3A_451] in [0] : vector<16xf32>, vector<16xi32> -> vector<16xf32>
        %get3A_453 = arith.index_cast %scan3A_386 : i32 to index
        %get3A_454 = arith.constant 0 : index
        %get3A_455 = tpu.vector_load %arg19[%get3A_453, %get3A_454] {strides = array<i32>} : memref<32x256xf32, #tpu.memory_space<vmem>>, vector<1x16xf32>,
        %get3A_456 = vector.shape_cast %get3A_455 : vector<1x16xf32> to vector<16xf32>
        %get3A_457 = arith.index_cast %scan3A_386 : i32 to index
        %get3A_458 = arith.constant 0 : index
        %get3A_459 = tpu.vector_load %arg13[%get3A_457, %get3A_458] {strides = array<i32>} : memref<32x256xf32, #tpu.memory_space<vmem>>, vector<1x16xf32>,
        %get3A_460 = vector.shape_cast %get3A_459 : vector<1x16xf32> to vector<16xf32>
        %mul3A_461 = arith.mulf %gather3A_426, %get3A_460 : vector<16xf32>
        %add3A_462 = arith.addf %get3A_456, %mul3A_461 : vector<16xf32>
        %get3A_463 = arith.index_cast %scan3A_386 : i32 to index
        %get3A_464 = arith.constant 0 : index
        %get3A_465 = tpu.vector_load %arg14[%get3A_463, %get3A_464] {strides = array<i32>} : memref<32x256xf32, #tpu.memory_space<vmem>>, vector<1x16xf32>,
        %get3A_466 = vector.shape_cast %get3A_465 : vector<1x16xf32> to vector<16xf32>
        %mul3A_467 = arith.mulf %gather3A_439, %get3A_466 : vector<16xf32>
        %add3A_468 = arith.addf %add3A_462, %mul3A_467 : vector<16xf32>
        %get3A_469 = arith.index_cast %scan3A_386 : i32 to index
        %get3A_470 = arith.constant 0 : index
        %get3A_471 = tpu.vector_load %arg15[%get3A_469, %get3A_470] {strides = array<i32>} : memref<32x256xf32, #tpu.memory_space<vmem>>, vector<1x16xf32>,
        %get3A_472 = vector.shape_cast %get3A_471 : vector<1x16xf32> to vector<16xf32>
        %mul3A_473 = arith.mulf %gather3A_452, %get3A_472 : vector<16xf32>
        %add3A_474 = arith.addf %add3A_468, %mul3A_473 : vector<16xf32>
        %swap3A = arith.index_cast %scan3A_386 : i32 to index
        %swap3A_475 = arith.constant 0 : index
        %swap3A_476 = tpu.vector_load %arg20[%swap3A, %swap3A_475] {strides = array<i32>} : memref<32x256xf32, #tpu.memory_space<vmem>>, vector<1x16xf32>,
        %swap3A_477 = vector.shape_cast %swap3A_476 : vector<1x16xf32> to vector<16xf32>
        %swap3A_478 = vector.shape_cast %add3A_474 : vector<16xf32> to vector<1x16xf32>
        tpu.vector_store %arg20[%swap3A, %swap3A_475], %swap3A_478 {strides = array<i32>} : memref<32x256xf32, #tpu.memory_space<vmem>>, vector<1x16xf32>,
        %get3A_479 = arith.index_cast %scan3A_386 : i32 to index
        %get3A_480 = arith.constant 16 : index
        %get3A_481 = tpu.vector_load %arg19[%get3A_479, %get3A_480] {strides = array<i32>} : memref<32x256xf32, #tpu.memory_space<vmem>>, vector<1x16xf32>,
        %get3A_482 = vector.shape_cast %get3A_481 : vector<1x16xf32> to vector<16xf32>
        %get3A_483 = arith.index_cast %scan3A_386 : i32 to index
        %get3A_484 = arith.constant 16 : index
        %get3A_485 = tpu.vector_load %arg13[%get3A_483, %get3A_484] {strides = array<i32>} : memref<32x256xf32, #tpu.memory_space<vmem>>, vector<1x16xf32>,
        %get3A_486 = vector.shape_cast %get3A_485 : vector<1x16xf32> to vector<16xf32>
        %mul3A_487 = arith.mulf %gather3A_426, %get3A_486 : vector<16xf32>
        %add3A_488 = arith.addf %get3A_482, %mul3A_487 : vector<16xf32>
        %get3A_489 = arith.index_cast %scan3A_386 : i32 to index
        %get3A_490 = arith.constant 16 : index
        %get3A_491 = tpu.vector_load %arg14[%get3A_489, %get3A_490] {strides = array<i32>} : memref<32x256xf32, #tpu.memory_space<vmem>>, vector<1x16xf32>,
        %get3A_492 = vector.shape_cast %get3A_491 : vector<1x16xf32> to vector<16xf32>
        %mul3A_493 = arith.mulf %gather3A_439, %get3A_492 : vector<16xf32>
        %add3A_494 = arith.addf %add3A_488, %mul3A_493 : vector<16xf32>
        %get3A_495 = arith.index_cast %scan3A_386 : i32 to index
        %get3A_496 = arith.constant 16 : index
        %get3A_497 = tpu.vector_load %arg15[%get3A_495, %get3A_496] {strides = array<i32>} : memref<32x256xf32, #tpu.memory_space<vmem>>, vector<1x16xf32>,
        %get3A_498 = vector.shape_cast %get3A_497 : vector<1x16xf32> to vector<16xf32>
        %mul3A_499 = arith.mulf %gather3A_452, %get3A_498 : vector<16xf32>
        %add3A_500 = arith.addf %add3A_494, %mul3A_499 : vector<16xf32>
        %swap3A_501 = arith.index_cast %scan3A_386 : i32 to index
        %swap3A_502 = arith.constant 16 : index
        %swap3A_503 = tpu.vector_load %arg20[%swap3A_501, %swap3A_502] {strides = array<i32>} : memref<32x256xf32, #tpu.memory_space<vmem>>, vector<1x16xf32>,
        %swap3A_504 = vector.shape_cast %swap3A_503 : vector<1x16xf32> to vector<16xf32>
        %swap3A_505 = vector.shape_cast %add3A_500 : vector<16xf32> to vector<1x16xf32>
        tpu.vector_store %arg20[%swap3A_501, %swap3A_502], %swap3A_505 {strides = array<i32>} : memref<32x256xf32, #tpu.memory_space<vmem>>, vector<1x16xf32>,
        %get3A_506 = arith.index_cast %scan3A_386 : i32 to index
        %get3A_507 = arith.constant 32 : index
        %get3A_508 = tpu.vector_load %arg19[%get3A_506, %get3A_507] {strides = array<i32>} : memref<32x256xf32, #tpu.memory_space<vmem>>, vector<1x16xf32>,
        %get3A_509 = vector.shape_cast %get3A_508 : vector<1x16xf32> to vector<16xf32>
        %get3A_510 = arith.index_cast %scan3A_386 : i32 to index
        %get3A_511 = arith.constant 32 : index
        %get3A_512 = tpu.vector_load %arg13[%get3A_510, %get3A_511] {strides = array<i32>} : memref<32x256xf32, #tpu.memory_space<vmem>>, vector<1x16xf32>,
        %get3A_513 = vector.shape_cast %get3A_512 : vector<1x16xf32> to vector<16xf32>
        %mul3A_514 = arith.mulf %gather3A_426, %get3A_513 : vector<16xf32>
        %add3A_515 = arith.addf %get3A_509, %mul3A_514 : vector<16xf32>
        %get3A_516 = arith.index_cast %scan3A_386 : i32 to index
        %get3A_517 = arith.constant 32 : index
        %get3A_518 = tpu.vector_load %arg14[%get3A_516, %get3A_517] {strides = array<i32>} : memref<32x256xf32, #tpu.memory_space<vmem>>, vector<1x16xf32>,
        %get3A_519 = vector.shape_cast %get3A_518 : vector<1x16xf32> to vector<16xf32>
        %mul3A_520 = arith.mulf %gather3A_439, %get3A_519 : vector<16xf32>
        %add3A_521 = arith.addf %add3A_515, %mul3A_520 : vector<16xf32>
        %get3A_522 = arith.index_cast %scan3A_386 : i32 to index
        %get3A_523 = arith.constant 32 : index
        %get3A_524 = tpu.vector_load %arg15[%get3A_522, %get3A_523] {strides = array<i32>} : memref<32x256xf32, #tpu.memory_space<vmem>>, vector<1x16xf32>,
        %get3A_525 = vector.shape_cast %get3A_524 : vector<1x16xf32> to vector<16xf32>
        %mul3A_526 = arith.mulf %gather3A_452, %get3A_525 : vector<16xf32>
        %add3A_527 = arith.addf %add3A_521, %mul3A_526 : vector<16xf32>
        %swap3A_528 = arith.index_cast %scan3A_386 : i32 to index
        %swap3A_529 = arith.constant 32 : index
        %swap3A_530 = tpu.vector_load %arg20[%swap3A_528, %swap3A_529] {strides = array<i32>} : memref<32x256xf32, #tpu.memory_space<vmem>>, vector<1x16xf32>,
        %swap3A_531 = vector.shape_cast %swap3A_530 : vector<1x16xf32> to vector<16xf32>
        %swap3A_532 = vector.shape_cast %add3A_527 : vector<16xf32> to vector<1x16xf32>
        tpu.vector_store %arg20[%swap3A_528, %swap3A_529], %swap3A_532 {strides = array<i32>} : memref<32x256xf32, #tpu.memory_space<vmem>>, vector<1x16xf32>,
        %get3A_533 = arith.index_cast %scan3A_386 : i32 to index
        %get3A_534 = arith.constant 48 : index
        %get3A_535 = tpu.vector_load %arg19[%get3A_533, %get3A_534] {strides = array<i32>} : memref<32x256xf32, #tpu.memory_space<vmem>>, vector<1x16xf32>,
        %get3A_536 = vector.shape_cast %get3A_535 : vector<1x16xf32> to vector<16xf32>
        %get3A_537 = arith.index_cast %scan3A_386 : i32 to index
        %get3A_538 = arith.constant 48 : index
        %get3A_539 = tpu.vector_load %arg13[%get3A_537, %get3A_538] {strides = array<i32>} : memref<32x256xf32, #tpu.memory_space<vmem>>, vector<1x16xf32>,
        %get3A_540 = vector.shape_cast %get3A_539 : vector<1x16xf32> to vector<16xf32>
        %mul3A_541 = arith.mulf %gather3A_426, %get3A_540 : vector<16xf32>
        %add3A_542 = arith.addf %get3A_536, %mul3A_541 : vector<16xf32>
        %get3A_543 = arith.index_cast %scan3A_386 : i32 to index
        %get3A_544 = arith.constant 48 : index
        %get3A_545 = tpu.vector_load %arg14[%get3A_543, %get3A_544] {strides = array<i32>} : memref<32x256xf32, #tpu.memory_space<vmem>>, vector<1x16xf32>,
        %get3A_546 = vector.shape_cast %get3A_545 : vector<1x16xf32> to vector<16xf32>
        %mul3A_547 = arith.mulf %gather3A_439, %get3A_546 : vector<16xf32>
        %add3A_548 = arith.addf %add3A_542, %mul3A_547 : vector<16xf32>
        %get3A_549 = arith.index_cast %scan3A_386 : i32 to index
        %get3A_550 = arith.constant 48 : index
        %get3A_551 = tpu.vector_load %arg15[%get3A_549, %get3A_550] {strides = array<i32>} : memref<32x256xf32, #tpu.memory_space<vmem>>, vector<1x16xf32>,
        %get3A_552 = vector.shape_cast %get3A_551 : vector<1x16xf32> to vector<16xf32>
        %mul3A_553 = arith.mulf %gather3A_452, %get3A_552 : vector<16xf32>
        %add3A_554 = arith.addf %add3A_548, %mul3A_553 : vector<16xf32>
        %swap3A_555 = arith.index_cast %scan3A_386 : i32 to index
        %swap3A_556 = arith.constant 48 : index
        %swap3A_557 = tpu.vector_load %arg20[%swap3A_555, %swap3A_556] {strides = array<i32>} : memref<32x256xf32, #tpu.memory_space<vmem>>, vector<1x16xf32>,
        %swap3A_558 = vector.shape_cast %swap3A_557 : vector<1x16xf32> to vector<16xf32>
        %swap3A_559 = vector.shape_cast %add3A_554 : vector<16xf32> to vector<1x16xf32>
        tpu.vector_store %arg20[%swap3A_555, %swap3A_556], %swap3A_559 {strides = array<i32>} : memref<32x256xf32, #tpu.memory_space<vmem>>, vector<1x16xf32>,
        %get3A_560 = arith.index_cast %scan3A_386 : i32 to index
        %get3A_561 = arith.constant 64 : index
        %get3A_562 = tpu.vector_load %arg19[%get3A_560, %get3A_561] {strides = array<i32>} : memref<32x256xf32, #tpu.memory_space<vmem>>, vector<1x16xf32>,
        %get3A_563 = vector.shape_cast %get3A_562 : vector<1x16xf32> to vector<16xf32>
        %get3A_564 = arith.index_cast %scan3A_386 : i32 to index
        %get3A_565 = arith.constant 64 : index
        %get3A_566 = tpu.vector_load %arg13[%get3A_564, %get3A_565] {strides = array<i32>} : memref<32x256xf32, #tpu.memory_space<vmem>>, vector<1x16xf32>,
        %get3A_567 = vector.shape_cast %get3A_566 : vector<1x16xf32> to vector<16xf32>
        %mul3A_568 = arith.mulf %gather3A_426, %get3A_567 : vector<16xf32>
        %add3A_569 = arith.addf %get3A_563, %mul3A_568 : vector<16xf32>
        %get3A_570 = arith.index_cast %scan3A_386 : i32 to index
        %get3A_571 = arith.constant 64 : index
        %get3A_572 = tpu.vector_load %arg14[%get3A_570, %get3A_571] {strides = array<i32>} : memref<32x256xf32, #tpu.memory_space<vmem>>, vector<1x16xf32>,
        %get3A_573 = vector.shape_cast %get3A_572 : vector<1x16xf32> to vector<16xf32>
        %mul3A_574 = arith.mulf %gather3A_439, %get3A_573 : vector<16xf32>
        %add3A_575 = arith.addf %add3A_569, %mul3A_574 : vector<16xf32>
        %get3A_576 = arith.index_cast %scan3A_386 : i32 to index
        %get3A_577 = arith.constant 64 : index
        %get3A_578 = tpu.vector_load %arg15[%get3A_576, %get3A_577] {strides = array<i32>} : memref<32x256xf32, #tpu.memory_space<vmem>>, vector<1x16xf32>,
        %get3A_579 = vector.shape_cast %get3A_578 : vector<1x16xf32> to vector<16xf32>
        %mul3A_580 = arith.mulf %gather3A_452, %get3A_579 : vector<16xf32>
        %add3A_581 = arith.addf %add3A_575, %mul3A_580 : vector<16xf32>
        %swap3A_582 = arith.index_cast %scan3A_386 : i32 to index
        %swap3A_583 = arith.constant 64 : index
        %swap3A_584 = tpu.vector_load %arg20[%swap3A_582, %swap3A_583] {strides = array<i32>} : memref<32x256xf32, #tpu.memory_space<vmem>>, vector<1x16xf32>,
        %swap3A_585 = vector.shape_cast %swap3A_584 : vector<1x16xf32> to vector<16xf32>
        %swap3A_586 = vector.shape_cast %add3A_581 : vector<16xf32> to vector<1x16xf32>
        tpu.vector_store %arg20[%swap3A_582, %swap3A_583], %swap3A_586 {strides = array<i32>} : memref<32x256xf32, #tpu.memory_space<vmem>>, vector<1x16xf32>,
        %get3A_587 = arith.index_cast %scan3A_386 : i32 to index
        %get3A_588 = arith.constant 80 : index
        %get3A_589 = tpu.vector_load %arg19[%get3A_587, %get3A_588] {strides = array<i32>} : memref<32x256xf32, #tpu.memory_space<vmem>>, vector<1x16xf32>,
        %get3A_590 = vector.shape_cast %get3A_589 : vector<1x16xf32> to vector<16xf32>
        %get3A_591 = arith.index_cast %scan3A_386 : i32 to index
        %get3A_592 = arith.constant 80 : index
        %get3A_593 = tpu.vector_load %arg13[%get3A_591, %get3A_592] {strides = array<i32>} : memref<32x256xf32, #tpu.memory_space<vmem>>, vector<1x16xf32>,
        %get3A_594 = vector.shape_cast %get3A_593 : vector<1x16xf32> to vector<16xf32>
        %mul3A_595 = arith.mulf %gather3A_426, %get3A_594 : vector<16xf32>
        %add3A_596 = arith.addf %get3A_590, %mul3A_595 : vector<16xf32>
        %get3A_597 = arith.index_cast %scan3A_386 : i32 to index
        %get3A_598 = arith.constant 80 : index
        %get3A_599 = tpu.vector_load %arg14[%get3A_597, %get3A_598] {strides = array<i32>} : memref<32x256xf32, #tpu.memory_space<vmem>>, vector<1x16xf32>,
        %get3A_600 = vector.shape_cast %get3A_599 : vector<1x16xf32> to vector<16xf32>
        %mul3A_601 = arith.mulf %gather3A_439, %get3A_600 : vector<16xf32>
        %add3A_602 = arith.addf %add3A_596, %mul3A_601 : vector<16xf32>
        %get3A_603 = arith.index_cast %scan3A_386 : i32 to index
        %get3A_604 = arith.constant 80 : index
        %get3A_605 = tpu.vector_load %arg15[%get3A_603, %get3A_604] {strides = array<i32>} : memref<32x256xf32, #tpu.memory_space<vmem>>, vector<1x16xf32>,
        %get3A_606 = vector.shape_cast %get3A_605 : vector<1x16xf32> to vector<16xf32>
        %mul3A_607 = arith.mulf %gather3A_452, %get3A_606 : vector<16xf32>
        %add3A_608 = arith.addf %add3A_602, %mul3A_607 : vector<16xf32>
        %swap3A_609 = arith.index_cast %scan3A_386 : i32 to index
        %swap3A_610 = arith.constant 80 : index
        %swap3A_611 = tpu.vector_load %arg20[%swap3A_609, %swap3A_610] {strides = array<i32>} : memref<32x256xf32, #tpu.memory_space<vmem>>, vector<1x16xf32>,
        %swap3A_612 = vector.shape_cast %swap3A_611 : vector<1x16xf32> to vector<16xf32>
        %swap3A_613 = vector.shape_cast %add3A_608 : vector<16xf32> to vector<1x16xf32>
        tpu.vector_store %arg20[%swap3A_609, %swap3A_610], %swap3A_613 {strides = array<i32>} : memref<32x256xf32, #tpu.memory_space<vmem>>, vector<1x16xf32>,
        %get3A_614 = arith.index_cast %scan3A_386 : i32 to index
        %get3A_615 = arith.constant 96 : index
        %get3A_616 = tpu.vector_load %arg19[%get3A_614, %get3A_615] {strides = array<i32>} : memref<32x256xf32, #tpu.memory_space<vmem>>, vector<1x16xf32>,
        %get3A_617 = vector.shape_cast %get3A_616 : vector<1x16xf32> to vector<16xf32>
        %get3A_618 = arith.index_cast %scan3A_386 : i32 to index
        %get3A_619 = arith.constant 96 : index
        %get3A_620 = tpu.vector_load %arg13[%get3A_618, %get3A_619] {strides = array<i32>} : memref<32x256xf32, #tpu.memory_space<vmem>>, vector<1x16xf32>,
        %get3A_621 = vector.shape_cast %get3A_620 : vector<1x16xf32> to vector<16xf32>
        %mul3A_622 = arith.mulf %gather3A_426, %get3A_621 : vector<16xf32>
        %add3A_623 = arith.addf %get3A_617, %mul3A_622 : vector<16xf32>
        %get3A_624 = arith.index_cast %scan3A_386 : i32 to index
        %get3A_625 = arith.constant 96 : index
        %get3A_626 = tpu.vector_load %arg14[%get3A_624, %get3A_625] {strides = array<i32>} : memref<32x256xf32, #tpu.memory_space<vmem>>, vector<1x16xf32>,
        %get3A_627 = vector.shape_cast %get3A_626 : vector<1x16xf32> to vector<16xf32>
        %mul3A_628 = arith.mulf %gather3A_439, %get3A_627 : vector<16xf32>
        %add3A_629 = arith.addf %add3A_623, %mul3A_628 : vector<16xf32>
        %get3A_630 = arith.index_cast %scan3A_386 : i32 to index
        %get3A_631 = arith.constant 96 : index
        %get3A_632 = tpu.vector_load %arg15[%get3A_630, %get3A_631] {strides = array<i32>} : memref<32x256xf32, #tpu.memory_space<vmem>>, vector<1x16xf32>,
        %get3A_633 = vector.shape_cast %get3A_632 : vector<1x16xf32> to vector<16xf32>
        %mul3A_634 = arith.mulf %gather3A_452, %get3A_633 : vector<16xf32>
        %add3A_635 = arith.addf %add3A_629, %mul3A_634 : vector<16xf32>
        %swap3A_636 = arith.index_cast %scan3A_386 : i32 to index
        %swap3A_637 = arith.constant 96 : index
        %swap3A_638 = tpu.vector_load %arg20[%swap3A_636, %swap3A_637] {strides = array<i32>} : memref<32x256xf32, #tpu.memory_space<vmem>>, vector<1x16xf32>,
        %swap3A_639 = vector.shape_cast %swap3A_638 : vector<1x16xf32> to vector<16xf32>
        %swap3A_640 = vector.shape_cast %add3A_635 : vector<16xf32> to vector<1x16xf32>
        tpu.vector_store %arg20[%swap3A_636, %swap3A_637], %swap3A_640 {strides = array<i32>} : memref<32x256xf32, #tpu.memory_space<vmem>>, vector<1x16xf32>,
        %get3A_641 = arith.index_cast %scan3A_386 : i32 to index
        %get3A_642 = arith.constant 112 : index
        %get3A_643 = tpu.vector_load %arg19[%get3A_641, %get3A_642] {strides = array<i32>} : memref<32x256xf32, #tpu.memory_space<vmem>>, vector<1x16xf32>,
        %get3A_644 = vector.shape_cast %get3A_643 : vector<1x16xf32> to vector<16xf32>
        %get3A_645 = arith.index_cast %scan3A_386 : i32 to index
        %get3A_646 = arith.constant 112 : index
        %get3A_647 = tpu.vector_load %arg13[%get3A_645, %get3A_646] {strides = array<i32>} : memref<32x256xf32, #tpu.memory_space<vmem>>, vector<1x16xf32>,
        %get3A_648 = vector.shape_cast %get3A_647 : vector<1x16xf32> to vector<16xf32>
        %mul3A_649 = arith.mulf %gather3A_426, %get3A_648 : vector<16xf32>
        %add3A_650 = arith.addf %get3A_644, %mul3A_649 : vector<16xf32>
        %get3A_651 = arith.index_cast %scan3A_386 : i32 to index
        %get3A_652 = arith.constant 112 : index
        %get3A_653 = tpu.vector_load %arg14[%get3A_651, %get3A_652] {strides = array<i32>} : memref<32x256xf32, #tpu.memory_space<vmem>>, vector<1x16xf32>,
        %get3A_654 = vector.shape_cast %get3A_653 : vector<1x16xf32> to vector<16xf32>
        %mul3A_655 = arith.mulf %gather3A_439, %get3A_654 : vector<16xf32>
        %add3A_656 = arith.addf %add3A_650, %mul3A_655 : vector<16xf32>
        %get3A_657 = arith.index_cast %scan3A_386 : i32 to index
        %get3A_658 = arith.constant 112 : index
        %get3A_659 = tpu.vector_load %arg15[%get3A_657, %get3A_658] {strides = array<i32>} : memref<32x256xf32, #tpu.memory_space<vmem>>, vector<1x16xf32>,
        %get3A_660 = vector.shape_cast %get3A_659 : vector<1x16xf32> to vector<16xf32>
        %mul3A_661 = arith.mulf %gather3A_452, %get3A_660 : vector<16xf32>
        %add3A_662 = arith.addf %add3A_656, %mul3A_661 : vector<16xf32>
        %swap3A_663 = arith.index_cast %scan3A_386 : i32 to index
        %swap3A_664 = arith.constant 112 : index
        %swap3A_665 = tpu.vector_load %arg20[%swap3A_663, %swap3A_664] {strides = array<i32>} : memref<32x256xf32, #tpu.memory_space<vmem>>, vector<1x16xf32>,
        %swap3A_666 = vector.shape_cast %swap3A_665 : vector<1x16xf32> to vector<16xf32>
        %swap3A_667 = vector.shape_cast %add3A_662 : vector<16xf32> to vector<1x16xf32>
        tpu.vector_store %arg20[%swap3A_663, %swap3A_664], %swap3A_667 {strides = array<i32>} : memref<32x256xf32, #tpu.memory_space<vmem>>, vector<1x16xf32>,
        %get3A_668 = arith.index_cast %scan3A_386 : i32 to index
        %get3A_669 = arith.constant 128 : index
        %get3A_670 = tpu.vector_load %arg19[%get3A_668, %get3A_669] {strides = array<i32>} : memref<32x256xf32, #tpu.memory_space<vmem>>, vector<1x16xf32>,
        %get3A_671 = vector.shape_cast %get3A_670 : vector<1x16xf32> to vector<16xf32>
        %get3A_672 = arith.index_cast %scan3A_386 : i32 to index
        %get3A_673 = arith.constant 128 : index
        %get3A_674 = tpu.vector_load %arg13[%get3A_672, %get3A_673] {strides = array<i32>} : memref<32x256xf32, #tpu.memory_space<vmem>>, vector<1x16xf32>,
        %get3A_675 = vector.shape_cast %get3A_674 : vector<1x16xf32> to vector<16xf32>
        %mul3A_676 = arith.mulf %gather3A_426, %get3A_675 : vector<16xf32>
        %add3A_677 = arith.addf %get3A_671, %mul3A_676 : vector<16xf32>
        %get3A_678 = arith.index_cast %scan3A_386 : i32 to index
        %get3A_679 = arith.constant 128 : index
        %get3A_680 = tpu.vector_load %arg14[%get3A_678, %get3A_679] {strides = array<i32>} : memref<32x256xf32, #tpu.memory_space<vmem>>, vector<1x16xf32>,
        %get3A_681 = vector.shape_cast %get3A_680 : vector<1x16xf32> to vector<16xf32>
        %mul3A_682 = arith.mulf %gather3A_439, %get3A_681 : vector<16xf32>
        %add3A_683 = arith.addf %add3A_677, %mul3A_682 : vector<16xf32>
        %get3A_684 = arith.index_cast %scan3A_386 : i32 to index
        %get3A_685 = arith.constant 128 : index
        %get3A_686 = tpu.vector_load %arg15[%get3A_684, %get3A_685] {strides = array<i32>} : memref<32x256xf32, #tpu.memory_space<vmem>>, vector<1x16xf32>,
        %get3A_687 = vector.shape_cast %get3A_686 : vector<1x16xf32> to vector<16xf32>
        %mul3A_688 = arith.mulf %gather3A_452, %get3A_687 : vector<16xf32>
        %add3A_689 = arith.addf %add3A_683, %mul3A_688 : vector<16xf32>
        %swap3A_690 = arith.index_cast %scan3A_386 : i32 to index
        %swap3A_691 = arith.constant 128 : index
        %swap3A_692 = tpu.vector_load %arg20[%swap3A_690, %swap3A_691] {strides = array<i32>} : memref<32x256xf32, #tpu.memory_space<vmem>>, vector<1x16xf32>,
        %swap3A_693 = vector.shape_cast %swap3A_692 : vector<1x16xf32> to vector<16xf32>
        %swap3A_694 = vector.shape_cast %add3A_689 : vector<16xf32> to vector<1x16xf32>
        tpu.vector_store %arg20[%swap3A_690, %swap3A_691], %swap3A_694 {strides = array<i32>} : memref<32x256xf32, #tpu.memory_space<vmem>>, vector<1x16xf32>,
        %get3A_695 = arith.index_cast %scan3A_386 : i32 to index
        %get3A_696 = arith.constant 144 : index
        %get3A_697 = tpu.vector_load %arg19[%get3A_695, %get3A_696] {strides = array<i32>} : memref<32x256xf32, #tpu.memory_space<vmem>>, vector<1x16xf32>,
        %get3A_698 = vector.shape_cast %get3A_697 : vector<1x16xf32> to vector<16xf32>
        %get3A_699 = arith.index_cast %scan3A_386 : i32 to index
        %get3A_700 = arith.constant 144 : index
        %get3A_701 = tpu.vector_load %arg13[%get3A_699, %get3A_700] {strides = array<i32>} : memref<32x256xf32, #tpu.memory_space<vmem>>, vector<1x16xf32>,
        %get3A_702 = vector.shape_cast %get3A_701 : vector<1x16xf32> to vector<16xf32>
        %mul3A_703 = arith.mulf %gather3A_426, %get3A_702 : vector<16xf32>
        %add3A_704 = arith.addf %get3A_698, %mul3A_703 : vector<16xf32>
        %get3A_705 = arith.index_cast %scan3A_386 : i32 to index
        %get3A_706 = arith.constant 144 : index
        %get3A_707 = tpu.vector_load %arg14[%get3A_705, %get3A_706] {strides = array<i32>} : memref<32x256xf32, #tpu.memory_space<vmem>>, vector<1x16xf32>,
        %get3A_708 = vector.shape_cast %get3A_707 : vector<1x16xf32> to vector<16xf32>
        %mul3A_709 = arith.mulf %gather3A_439, %get3A_708 : vector<16xf32>
        %add3A_710 = arith.addf %add3A_704, %mul3A_709 : vector<16xf32>
        %get3A_711 = arith.index_cast %scan3A_386 : i32 to index
        %get3A_712 = arith.constant 144 : index
        %get3A_713 = tpu.vector_load %arg15[%get3A_711, %get3A_712] {strides = array<i32>} : memref<32x256xf32, #tpu.memory_space<vmem>>, vector<1x16xf32>,
        %get3A_714 = vector.shape_cast %get3A_713 : vector<1x16xf32> to vector<16xf32>
        %mul3A_715 = arith.mulf %gather3A_452, %get3A_714 : vector<16xf32>
        %add3A_716 = arith.addf %add3A_710, %mul3A_715 : vector<16xf32>
        %swap3A_717 = arith.index_cast %scan3A_386 : i32 to index
        %swap3A_718 = arith.constant 144 : index
        %swap3A_719 = tpu.vector_load %arg20[%swap3A_717, %swap3A_718] {strides = array<i32>} : memref<32x256xf32, #tpu.memory_space<vmem>>, vector<1x16xf32>,
        %swap3A_720 = vector.shape_cast %swap3A_719 : vector<1x16xf32> to vector<16xf32>
        %swap3A_721 = vector.shape_cast %add3A_716 : vector<16xf32> to vector<1x16xf32>
        tpu.vector_store %arg20[%swap3A_717, %swap3A_718], %swap3A_721 {strides = array<i32>} : memref<32x256xf32, #tpu.memory_space<vmem>>, vector<1x16xf32>,
        %get3A_722 = arith.index_cast %scan3A_386 : i32 to index
        %get3A_723 = arith.constant 160 : index
        %get3A_724 = tpu.vector_load %arg19[%get3A_722, %get3A_723] {strides = array<i32>} : memref<32x256xf32, #tpu.memory_space<vmem>>, vector<1x16xf32>,
        %get3A_725 = vector.shape_cast %get3A_724 : vector<1x16xf32> to vector<16xf32>
        %get3A_726 = arith.index_cast %scan3A_386 : i32 to index
        %get3A_727 = arith.constant 160 : index
        %get3A_728 = tpu.vector_load %arg13[%get3A_726, %get3A_727] {strides = array<i32>} : memref<32x256xf32, #tpu.memory_space<vmem>>, vector<1x16xf32>,
        %get3A_729 = vector.shape_cast %get3A_728 : vector<1x16xf32> to vector<16xf32>
        %mul3A_730 = arith.mulf %gather3A_426, %get3A_729 : vector<16xf32>
        %add3A_731 = arith.addf %get3A_725, %mul3A_730 : vector<16xf32>
        %get3A_732 = arith.index_cast %scan3A_386 : i32 to index
        %get3A_733 = arith.constant 160 : index
        %get3A_734 = tpu.vector_load %arg14[%get3A_732, %get3A_733] {strides = array<i32>} : memref<32x256xf32, #tpu.memory_space<vmem>>, vector<1x16xf32>,
        %get3A_735 = vector.shape_cast %get3A_734 : vector<1x16xf32> to vector<16xf32>
        %mul3A_736 = arith.mulf %gather3A_439, %get3A_735 : vector<16xf32>
        %add3A_737 = arith.addf %add3A_731, %mul3A_736 : vector<16xf32>
        %get3A_738 = arith.index_cast %scan3A_386 : i32 to index
        %get3A_739 = arith.constant 160 : index
        %get3A_740 = tpu.vector_load %arg15[%get3A_738, %get3A_739] {strides = array<i32>} : memref<32x256xf32, #tpu.memory_space<vmem>>, vector<1x16xf32>,
        %get3A_741 = vector.shape_cast %get3A_740 : vector<1x16xf32> to vector<16xf32>
        %mul3A_742 = arith.mulf %gather3A_452, %get3A_741 : vector<16xf32>
        %add3A_743 = arith.addf %add3A_737, %mul3A_742 : vector<16xf32>
        %swap3A_744 = arith.index_cast %scan3A_386 : i32 to index
        %swap3A_745 = arith.constant 160 : index
        %swap3A_746 = tpu.vector_load %arg20[%swap3A_744, %swap3A_745] {strides = array<i32>} : memref<32x256xf32, #tpu.memory_space<vmem>>, vector<1x16xf32>,
        %swap3A_747 = vector.shape_cast %swap3A_746 : vector<1x16xf32> to vector<16xf32>
        %swap3A_748 = vector.shape_cast %add3A_743 : vector<16xf32> to vector<1x16xf32>
        tpu.vector_store %arg20[%swap3A_744, %swap3A_745], %swap3A_748 {strides = array<i32>} : memref<32x256xf32, #tpu.memory_space<vmem>>, vector<1x16xf32>,
        %get3A_749 = arith.index_cast %scan3A_386 : i32 to index
        %get3A_750 = arith.constant 176 : index
        %get3A_751 = tpu.vector_load %arg19[%get3A_749, %get3A_750] {strides = array<i32>} : memref<32x256xf32, #tpu.memory_space<vmem>>, vector<1x16xf32>,
        %get3A_752 = vector.shape_cast %get3A_751 : vector<1x16xf32> to vector<16xf32>
        %get3A_753 = arith.index_cast %scan3A_386 : i32 to index
        %get3A_754 = arith.constant 176 : index
        %get3A_755 = tpu.vector_load %arg13[%get3A_753, %get3A_754] {strides = array<i32>} : memref<32x256xf32, #tpu.memory_space<vmem>>, vector<1x16xf32>,
        %get3A_756 = vector.shape_cast %get3A_755 : vector<1x16xf32> to vector<16xf32>
        %mul3A_757 = arith.mulf %gather3A_426, %get3A_756 : vector<16xf32>
        %add3A_758 = arith.addf %get3A_752, %mul3A_757 : vector<16xf32>
        %get3A_759 = arith.index_cast %scan3A_386 : i32 to index
        %get3A_760 = arith.constant 176 : index
        %get3A_761 = tpu.vector_load %arg14[%get3A_759, %get3A_760] {strides = array<i32>} : memref<32x256xf32, #tpu.memory_space<vmem>>, vector<1x16xf32>,
        %get3A_762 = vector.shape_cast %get3A_761 : vector<1x16xf32> to vector<16xf32>
        %mul3A_763 = arith.mulf %gather3A_439, %get3A_762 : vector<16xf32>
        %add3A_764 = arith.addf %add3A_758, %mul3A_763 : vector<16xf32>
        %get3A_765 = arith.index_cast %scan3A_386 : i32 to index
        %get3A_766 = arith.constant 176 : index
        %get3A_767 = tpu.vector_load %arg15[%get3A_765, %get3A_766] {strides = array<i32>} : memref<32x256xf32, #tpu.memory_space<vmem>>, vector<1x16xf32>,
        %get3A_768 = vector.shape_cast %get3A_767 : vector<1x16xf32> to vector<16xf32>
        %mul3A_769 = arith.mulf %gather3A_452, %get3A_768 : vector<16xf32>
        %add3A_770 = arith.addf %add3A_764, %mul3A_769 : vector<16xf32>
        %swap3A_771 = arith.index_cast %scan3A_386 : i32 to index
        %swap3A_772 = arith.constant 176 : index
        %swap3A_773 = tpu.vector_load %arg20[%swap3A_771, %swap3A_772] {strides = array<i32>} : memref<32x256xf32, #tpu.memory_space<vmem>>, vector<1x16xf32>,
        %swap3A_774 = vector.shape_cast %swap3A_773 : vector<1x16xf32> to vector<16xf32>
        %swap3A_775 = vector.shape_cast %add3A_770 : vector<16xf32> to vector<1x16xf32>
        tpu.vector_store %arg20[%swap3A_771, %swap3A_772], %swap3A_775 {strides = array<i32>} : memref<32x256xf32, #tpu.memory_space<vmem>>, vector<1x16xf32>,
        %get3A_776 = arith.index_cast %scan3A_386 : i32 to index
        %get3A_777 = arith.constant 192 : index
        %get3A_778 = tpu.vector_load %arg19[%get3A_776, %get3A_777] {strides = array<i32>} : memref<32x256xf32, #tpu.memory_space<vmem>>, vector<1x16xf32>,
        %get3A_779 = vector.shape_cast %get3A_778 : vector<1x16xf32> to vector<16xf32>
        %get3A_780 = arith.index_cast %scan3A_386 : i32 to index
        %get3A_781 = arith.constant 192 : index
        %get3A_782 = tpu.vector_load %arg13[%get3A_780, %get3A_781] {strides = array<i32>} : memref<32x256xf32, #tpu.memory_space<vmem>>, vector<1x16xf32>,
        %get3A_783 = vector.shape_cast %get3A_782 : vector<1x16xf32> to vector<16xf32>
        %mul3A_784 = arith.mulf %gather3A_426, %get3A_783 : vector<16xf32>
        %add3A_785 = arith.addf %get3A_779, %mul3A_784 : vector<16xf32>
        %get3A_786 = arith.index_cast %scan3A_386 : i32 to index
        %get3A_787 = arith.constant 192 : index
        %get3A_788 = tpu.vector_load %arg14[%get3A_786, %get3A_787] {strides = array<i32>} : memref<32x256xf32, #tpu.memory_space<vmem>>, vector<1x16xf32>,
        %get3A_789 = vector.shape_cast %get3A_788 : vector<1x16xf32> to vector<16xf32>
        %mul3A_790 = arith.mulf %gather3A_439, %get3A_789 : vector<16xf32>
        %add3A_791 = arith.addf %add3A_785, %mul3A_790 : vector<16xf32>
        %get3A_792 = arith.index_cast %scan3A_386 : i32 to index
        %get3A_793 = arith.constant 192 : index
        %get3A_794 = tpu.vector_load %arg15[%get3A_792, %get3A_793] {strides = array<i32>} : memref<32x256xf32, #tpu.memory_space<vmem>>, vector<1x16xf32>,
        %get3A_795 = vector.shape_cast %get3A_794 : vector<1x16xf32> to vector<16xf32>
        %mul3A_796 = arith.mulf %gather3A_452, %get3A_795 : vector<16xf32>
        %add3A_797 = arith.addf %add3A_791, %mul3A_796 : vector<16xf32>
        %swap3A_798 = arith.index_cast %scan3A_386 : i32 to index
        %swap3A_799 = arith.constant 192 : index
        %swap3A_800 = tpu.vector_load %arg20[%swap3A_798, %swap3A_799] {strides = array<i32>} : memref<32x256xf32, #tpu.memory_space<vmem>>, vector<1x16xf32>,
        %swap3A_801 = vector.shape_cast %swap3A_800 : vector<1x16xf32> to vector<16xf32>
        %swap3A_802 = vector.shape_cast %add3A_797 : vector<16xf32> to vector<1x16xf32>
        tpu.vector_store %arg20[%swap3A_798, %swap3A_799], %swap3A_802 {strides = array<i32>} : memref<32x256xf32, #tpu.memory_space<vmem>>, vector<1x16xf32>,
        %get3A_803 = arith.index_cast %scan3A_386 : i32 to index
        %get3A_804 = arith.constant 208 : index
        %get3A_805 = tpu.vector_load %arg19[%get3A_803, %get3A_804] {strides = array<i32>} : memref<32x256xf32, #tpu.memory_space<vmem>>, vector<1x16xf32>,
        %get3A_806 = vector.shape_cast %get3A_805 : vector<1x16xf32> to vector<16xf32>
        %get3A_807 = arith.index_cast %scan3A_386 : i32 to index
        %get3A_808 = arith.constant 208 : index
        %get3A_809 = tpu.vector_load %arg13[%get3A_807, %get3A_808] {strides = array<i32>} : memref<32x256xf32, #tpu.memory_space<vmem>>, vector<1x16xf32>,
        %get3A_810 = vector.shape_cast %get3A_809 : vector<1x16xf32> to vector<16xf32>
        %mul3A_811 = arith.mulf %gather3A_426, %get3A_810 : vector<16xf32>
        %add3A_812 = arith.addf %get3A_806, %mul3A_811 : vector<16xf32>
        %get3A_813 = arith.index_cast %scan3A_386 : i32 to index
        %get3A_814 = arith.constant 208 : index
        %get3A_815 = tpu.vector_load %arg14[%get3A_813, %get3A_814] {strides = array<i32>} : memref<32x256xf32, #tpu.memory_space<vmem>>, vector<1x16xf32>,
        %get3A_816 = vector.shape_cast %get3A_815 : vector<1x16xf32> to vector<16xf32>
        %mul3A_817 = arith.mulf %gather3A_439, %get3A_816 : vector<16xf32>
        %add3A_818 = arith.addf %add3A_812, %mul3A_817 : vector<16xf32>
        %get3A_819 = arith.index_cast %scan3A_386 : i32 to index
        %get3A_820 = arith.constant 208 : index
        %get3A_821 = tpu.vector_load %arg15[%get3A_819, %get3A_820] {strides = array<i32>} : memref<32x256xf32, #tpu.memory_space<vmem>>, vector<1x16xf32>,
        %get3A_822 = vector.shape_cast %get3A_821 : vector<1x16xf32> to vector<16xf32>
        %mul3A_823 = arith.mulf %gather3A_452, %get3A_822 : vector<16xf32>
        %add3A_824 = arith.addf %add3A_818, %mul3A_823 : vector<16xf32>
        %swap3A_825 = arith.index_cast %scan3A_386 : i32 to index
        %swap3A_826 = arith.constant 208 : index
        %swap3A_827 = tpu.vector_load %arg20[%swap3A_825, %swap3A_826] {strides = array<i32>} : memref<32x256xf32, #tpu.memory_space<vmem>>, vector<1x16xf32>,
        %swap3A_828 = vector.shape_cast %swap3A_827 : vector<1x16xf32> to vector<16xf32>
        %swap3A_829 = vector.shape_cast %add3A_824 : vector<16xf32> to vector<1x16xf32>
        tpu.vector_store %arg20[%swap3A_825, %swap3A_826], %swap3A_829 {strides = array<i32>} : memref<32x256xf32, #tpu.memory_space<vmem>>, vector<1x16xf32>,
        %get3A_830 = arith.index_cast %scan3A_386 : i32 to index
        %get3A_831 = arith.constant 224 : index
        %get3A_832 = tpu.vector_load %arg19[%get3A_830, %get3A_831] {strides = array<i32>} : memref<32x256xf32, #tpu.memory_space<vmem>>, vector<1x16xf32>,
        %get3A_833 = vector.shape_cast %get3A_832 : vector<1x16xf32> to vector<16xf32>
        %get3A_834 = arith.index_cast %scan3A_386 : i32 to index
        %get3A_835 = arith.constant 224 : index
        %get3A_836 = tpu.vector_load %arg13[%get3A_834, %get3A_835] {strides = array<i32>} : memref<32x256xf32, #tpu.memory_space<vmem>>, vector<1x16xf32>,
        %get3A_837 = vector.shape_cast %get3A_836 : vector<1x16xf32> to vector<16xf32>
        %mul3A_838 = arith.mulf %gather3A_426, %get3A_837 : vector<16xf32>
        %add3A_839 = arith.addf %get3A_833, %mul3A_838 : vector<16xf32>
        %get3A_840 = arith.index_cast %scan3A_386 : i32 to index
        %get3A_841 = arith.constant 224 : index
        %get3A_842 = tpu.vector_load %arg14[%get3A_840, %get3A_841] {strides = array<i32>} : memref<32x256xf32, #tpu.memory_space<vmem>>, vector<1x16xf32>,
        %get3A_843 = vector.shape_cast %get3A_842 : vector<1x16xf32> to vector<16xf32>
        %mul3A_844 = arith.mulf %gather3A_439, %get3A_843 : vector<16xf32>
        %add3A_845 = arith.addf %add3A_839, %mul3A_844 : vector<16xf32>
        %get3A_846 = arith.index_cast %scan3A_386 : i32 to index
        %get3A_847 = arith.constant 224 : index
        %get3A_848 = tpu.vector_load %arg15[%get3A_846, %get3A_847] {strides = array<i32>} : memref<32x256xf32, #tpu.memory_space<vmem>>, vector<1x16xf32>,
        %get3A_849 = vector.shape_cast %get3A_848 : vector<1x16xf32> to vector<16xf32>
        %mul3A_850 = arith.mulf %gather3A_452, %get3A_849 : vector<16xf32>
        %add3A_851 = arith.addf %add3A_845, %mul3A_850 : vector<16xf32>
        %swap3A_852 = arith.index_cast %scan3A_386 : i32 to index
        %swap3A_853 = arith.constant 224 : index
        %swap3A_854 = tpu.vector_load %arg20[%swap3A_852, %swap3A_853] {strides = array<i32>} : memref<32x256xf32, #tpu.memory_space<vmem>>, vector<1x16xf32>,
        %swap3A_855 = vector.shape_cast %swap3A_854 : vector<1x16xf32> to vector<16xf32>
        %swap3A_856 = vector.shape_cast %add3A_851 : vector<16xf32> to vector<1x16xf32>
        tpu.vector_store %arg20[%swap3A_852, %swap3A_853], %swap3A_856 {strides = array<i32>} : memref<32x256xf32, #tpu.memory_space<vmem>>, vector<1x16xf32>,
        %get3A_857 = arith.index_cast %scan3A_386 : i32 to index
        %get3A_858 = arith.constant 240 : index
        %get3A_859 = tpu.vector_load %arg19[%get3A_857, %get3A_858] {strides = array<i32>} : memref<32x256xf32, #tpu.memory_space<vmem>>, vector<1x16xf32>,
        %get3A_860 = vector.shape_cast %get3A_859 : vector<1x16xf32> to vector<16xf32>
        %get3A_861 = arith.index_cast %scan3A_386 : i32 to index
        %get3A_862 = arith.constant 240 : index
        %get3A_863 = tpu.vector_load %arg13[%get3A_861, %get3A_862] {strides = array<i32>} : memref<32x256xf32, #tpu.memory_space<vmem>>, vector<1x16xf32>,
        %get3A_864 = vector.shape_cast %get3A_863 : vector<1x16xf32> to vector<16xf32>
        %mul3A_865 = arith.mulf %gather3A_426, %get3A_864 : vector<16xf32>
        %add3A_866 = arith.addf %get3A_860, %mul3A_865 : vector<16xf32>
        %get3A_867 = arith.index_cast %scan3A_386 : i32 to index
        %get3A_868 = arith.constant 240 : index
        %get3A_869 = tpu.vector_load %arg14[%get3A_867, %get3A_868] {strides = array<i32>} : memref<32x256xf32, #tpu.memory_space<vmem>>, vector<1x16xf32>,
        %get3A_870 = vector.shape_cast %get3A_869 : vector<1x16xf32> to vector<16xf32>
        %mul3A_871 = arith.mulf %gather3A_439, %get3A_870 : vector<16xf32>
        %add3A_872 = arith.addf %add3A_866, %mul3A_871 : vector<16xf32>
        %get3A_873 = arith.index_cast %scan3A_386 : i32 to index
        %get3A_874 = arith.constant 240 : index
        %get3A_875 = tpu.vector_load %arg15[%get3A_873, %get3A_874] {strides = array<i32>} : memref<32x256xf32, #tpu.memory_space<vmem>>, vector<1x16xf32>,
        %get3A_876 = vector.shape_cast %get3A_875 : vector<1x16xf32> to vector<16xf32>
        %mul3A_877 = arith.mulf %gather3A_452, %get3A_876 : vector<16xf32>
        %add3A_878 = arith.addf %add3A_872, %mul3A_877 : vector<16xf32>
        %swap3A_879 = arith.index_cast %scan3A_386 : i32 to index
        %swap3A_880 = arith.constant 240 : index
        %swap3A_881 = tpu.vector_load %arg20[%swap3A_879, %swap3A_880] {strides = array<i32>} : memref<32x256xf32, #tpu.memory_space<vmem>>, vector<1x16xf32>,
        %swap3A_882 = vector.shape_cast %swap3A_881 : vector<1x16xf32> to vector<16xf32>
        %swap3A_883 = vector.shape_cast %add3A_878 : vector<16xf32> to vector<1x16xf32>
        tpu.vector_store %arg20[%swap3A_879, %swap3A_880], %swap3A_883 {strides = array<i32>} : memref<32x256xf32, #tpu.memory_space<vmem>>, vector<1x16xf32>,
      }
      %scan3A_268 = arith.constant 32 : i32
      %dma_start3A_269 = arith.constant 0 : i32
      %dma_start3A_270 = tpu.memref_slice %arg9[%multiple_of3A_181, %dma_start3A_269] : memref<32768x256xf32, #tpu.memory_space<hbm>> -> memref<32x256xf32, #tpu.memory_space<hbm>>
      %dma_start3A_271 = arith.constant 0 : i32
      %dma_start3A_272 = tpu.memref_slice %arg9[%multiple_of3A_181, %dma_start3A_271] : memref<32768x256xf32, #tpu.memory_space<hbm>> -> memref<32x256xf32, #tpu.memory_space<hbm>>
      tpu.enqueue_dma source(%arg20 : memref<32x256xf32, #tpu.memory_space<vmem>>) target(%dma_start3A_272 : memref<32x256xf32, #tpu.memory_space<hbm>>) target_semaphore(%arg25 : memref<!tpu.dma_semaphore, #tpu.memory_space<semaphore_mem>>)
      %lt3A_273 = arith.constant 32 : i32
      %lt3A_274 = arith.cmpi slt, %add3A_177, %lt3A_273 : i32
      %convert_element_type3A_275 = arith.extui %lt3A_274 : i1 to i32
      %cond3A_276 = arith.constant 0 : i32
      %cond3A_277 = arith.cmpi ne, %convert_element_type3A_275, %cond3A_276 : i32
      scf.if %cond3A_277 {
        %mul3A_386 = arith.constant 32 : i32
        %mul3A_387 = arith.muli %add3A_177, %mul3A_386 : i32
        %add3A_388 = arith.addi %mul3A_2, %mul3A_387 : i32
        %multiple_of3A_389 = tpu.assume_multiple %add3A_388, 8 : i32
        %dma_start3A_390 = tpu.memref_slice %arg3[%multiple_of3A_389] : memref<32768xi32, #tpu.memory_space<hbm>> -> memref<32xi32, #tpu.memory_space<hbm>>
        %dma_start3A_391 = tpu.memref_slice %arg3[%multiple_of3A_389] : memref<32768xi32, #tpu.memory_space<hbm>> -> memref<32xi32, #tpu.memory_space<hbm>>
        tpu.enqueue_dma source(%dma_start3A_391 : memref<32xi32, #tpu.memory_space<hbm>>) target(%arg10 : memref<32xi32, #tpu.memory_space<vmem>>) target_semaphore(%arg21 : memref<!tpu.dma_semaphore, #tpu.memory_space<semaphore_mem>>)
        %dma_start3A_392 = tpu.memref_slice %arg4[%multiple_of3A_389] : memref<32768xi32, #tpu.memory_space<hbm>> -> memref<32xi32, #tpu.memory_space<hbm>>
        %dma_start3A_393 = tpu.memref_slice %arg4[%multiple_of3A_389] : memref<32768xi32, #tpu.memory_space<hbm>> -> memref<32xi32, #tpu.memory_space<hbm>>
        tpu.enqueue_dma source(%dma_start3A_393 : memref<32xi32, #tpu.memory_space<hbm>>) target(%arg11 : memref<32xi32, #tpu.memory_space<vmem>>) target_semaphore(%arg21 : memref<!tpu.dma_semaphore, #tpu.memory_space<semaphore_mem>>)
        %dma_start3A_394 = tpu.memref_slice %arg5[%multiple_of3A_389] : memref<32768xi32, #tpu.memory_space<hbm>> -> memref<32xi32, #tpu.memory_space<hbm>>
        %dma_start3A_395 = tpu.memref_slice %arg5[%multiple_of3A_389] : memref<32768xi32, #tpu.memory_space<hbm>> -> memref<32xi32, #tpu.memory_space<hbm>>
        tpu.enqueue_dma source(%dma_start3A_395 : memref<32xi32, #tpu.memory_space<hbm>>) target(%arg12 : memref<32xi32, #tpu.memory_space<vmem>>) target_semaphore(%arg21 : memref<!tpu.dma_semaphore, #tpu.memory_space<semaphore_mem>>)
        %mul3A_396 = arith.constant 32 : i32
        %mul3A_397 = arith.muli %add3A_177, %mul3A_396 : i32
        %add3A_398 = arith.addi %mul3A_2, %mul3A_397 : i32
        %jit3A_399 = arith.constant 4096 : i32
        %div3A_400 = arith.divsi %add3A_398, %jit3A_399 : i32
        %sign3A_401 = arith.constant 0 : i32
        %sign3A_402 = arith.cmpi sgt, %add3A_398, %sign3A_401 : i32
        %sign3A_403 = arith.extui %sign3A_402 : i1 to i32
        %sign3A_404 = arith.constant 0 : i32
        %sign3A_405 = arith.cmpi slt, %add3A_398, %sign3A_404 : i32
        %sign3A_406 = arith.extui %sign3A_405 : i1 to i32
        %sign3A_407 = arith.subi %sign3A_403, %sign3A_406 : i32
        %sign3A_408 = arith.constant 0 : i32
        %sign3A_409 = arith.cmpi sgt, %jit3A_399, %sign3A_408 : i32
        %sign3A_410 = arith.extui %sign3A_409 : i1 to i32
        %sign3A_411 = arith.constant 0 : i32
        %sign3A_412 = arith.cmpi slt, %jit3A_399, %sign3A_411 : i32
        %sign3A_413 = arith.extui %sign3A_412 : i1 to i32
        %sign3A_414 = arith.subi %sign3A_410, %sign3A_413 : i32
        %ne3A_415 = arith.cmpi ne, %sign3A_407, %sign3A_414 : i32
        %rem3A_416 = arith.remsi %add3A_398, %jit3A_399 : i32
        %ne3A_417 = arith.constant 0 : i32
        %ne3A_418 = arith.cmpi ne, %rem3A_416, %ne3A_417 : i32
        %and3A_419 = arith.andi %ne3A_415, %ne3A_418 : i1
        %sub3A_420 = arith.constant 1 : i32
        %sub3A_421 = arith.subi %div3A_400, %sub3A_420 : i32
        %select_n3A_422 = arith.select %and3A_419, %sub3A_421, %div3A_400 : i32
        %mul3A_423 = arith.constant 4096 : i32
        %mul3A_424 = arith.muli %select_n3A_422, %mul3A_423 : i32
        %sub3A_425 = arith.subi %add3A_398, %mul3A_424 : i32
        %mul3A_426 = arith.constant 8 : i32
        %mul3A_427 = arith.muli %select_n3A_422, %mul3A_426 : i32
        %add3A_428 = arith.constant 0 : i32
        %add3A_429 = arith.addi %mul3A_427, %add3A_428 : i32
        %mul3A_430 = arith.constant 4096 : i32
        %mul3A_431 = arith.muli %add3A_429, %mul3A_430 : i32
        %add3A_432 = arith.addi %mul3A_431, %sub3A_425 : i32
        %multiple_of3A_433 = tpu.assume_multiple %add3A_432, 8 : i32
        %mul3A_434 = arith.constant 8 : i32
        %mul3A_435 = arith.muli %select_n3A_422, %mul3A_434 : i32
        %add3A_436 = arith.constant 1 : i32
        %add3A_437 = arith.addi %mul3A_435, %add3A_436 : i32
        %mul3A_438 = arith.constant 4096 : i32
        %mul3A_439 = arith.muli %add3A_437, %mul3A_438 : i32
        %add3A_440 = arith.addi %mul3A_439, %sub3A_425 : i32
        %multiple_of3A_441 = tpu.assume_multiple %add3A_440, 8 : i32
        %mul3A_442 = arith.constant 8 : i32
        %mul3A_443 = arith.muli %select_n3A_422, %mul3A_442 : i32
        %add3A_444 = arith.constant 2 : i32
        %add3A_445 = arith.addi %mul3A_443, %add3A_444 : i32
        %mul3A_446 = arith.constant 4096 : i32
        %mul3A_447 = arith.muli %add3A_445, %mul3A_446 : i32
        %add3A_448 = arith.addi %mul3A_447, %sub3A_425 : i32
        %multiple_of3A_449 = tpu.assume_multiple %add3A_448, 8 : i32
        %dma_start3A_450 = tpu.memref_slice %arg6[%multiple_of3A_433] : memref<262144xf32, #tpu.memory_space<hbm>> -> memref<32xf32, #tpu.memory_space<hbm>>
        %dma_start3A_451 = tpu.memref_slice %arg6[%multiple_of3A_433] : memref<262144xf32, #tpu.memory_space<hbm>> -> memref<32xf32, #tpu.memory_space<hbm>>
        tpu.enqueue_dma source(%dma_start3A_451 : memref<32xf32, #tpu.memory_space<hbm>>) target(%arg16 : memref<32xf32, #tpu.memory_space<vmem>>) target_semaphore(%arg23 : memref<!tpu.dma_semaphore, #tpu.memory_space<semaphore_mem>>)
        %dma_start3A_452 = tpu.memref_slice %arg6[%multiple_of3A_441] : memref<262144xf32, #tpu.memory_space<hbm>> -> memref<32xf32, #tpu.memory_space<hbm>>
        %dma_start3A_453 = tpu.memref_slice %arg6[%multiple_of3A_441] : memref<262144xf32, #tpu.memory_space<hbm>> -> memref<32xf32, #tpu.memory_space<hbm>>
        tpu.enqueue_dma source(%dma_start3A_453 : memref<32xf32, #tpu.memory_space<hbm>>) target(%arg17 : memref<32xf32, #tpu.memory_space<vmem>>) target_semaphore(%arg23 : memref<!tpu.dma_semaphore, #tpu.memory_space<semaphore_mem>>)
        %dma_start3A_454 = tpu.memref_slice %arg6[%multiple_of3A_449] : memref<262144xf32, #tpu.memory_space<hbm>> -> memref<32xf32, #tpu.memory_space<hbm>>
        %dma_start3A_455 = tpu.memref_slice %arg6[%multiple_of3A_449] : memref<262144xf32, #tpu.memory_space<hbm>> -> memref<32xf32, #tpu.memory_space<hbm>>
        tpu.enqueue_dma source(%dma_start3A_455 : memref<32xf32, #tpu.memory_space<hbm>>) target(%arg18 : memref<32xf32, #tpu.memory_space<vmem>>) target_semaphore(%arg23 : memref<!tpu.dma_semaphore, #tpu.memory_space<semaphore_mem>>)
        %dma_start3A_456 = arith.constant 0 : i32
        %dma_start3A_457 = tpu.memref_slice %arg7[%multiple_of3A_389, %dma_start3A_456] : memref<32768x256xf32, #tpu.memory_space<hbm>> -> memref<32x256xf32, #tpu.memory_space<hbm>>
        %dma_start3A_458 = arith.constant 0 : i32
        %dma_start3A_459 = tpu.memref_slice %arg7[%multiple_of3A_389, %dma_start3A_458] : memref<32768x256xf32, #tpu.memory_space<hbm>> -> memref<32x256xf32, #tpu.memory_space<hbm>>
        tpu.enqueue_dma source(%dma_start3A_459 : memref<32x256xf32, #tpu.memory_space<hbm>>) target(%arg19 : memref<32x256xf32, #tpu.memory_space<vmem>>) target_semaphore(%arg24 : memref<!tpu.dma_semaphore, #tpu.memory_space<semaphore_mem>>)
      } else {
      }
      %add3A_278 = arith.constant 1 : i32
      %add3A_279 = arith.addi %mul3A_175, %add3A_278 : i32
      %add3A_280 = arith.constant 3 : i32
      %add3A_281 = arith.addi %mul3A_175, %add3A_280 : i32
      %mul3A_282 = arith.constant 32 : i32
      %mul3A_283 = arith.muli %add3A_279, %mul3A_282 : i32
      %add3A_284 = arith.addi %mul3A_2, %mul3A_283 : i32
      %multiple_of3A_285 = tpu.assume_multiple %add3A_284, 8 : i32
      %add3A_286 = arith.constant 1 : i32
      %add3A_287 = arith.addi %add3A_279, %add3A_286 : i32
      %lt3A_288 = arith.constant 32 : i32
      %lt3A_289 = arith.cmpi slt, %add3A_287, %lt3A_288 : i32
      %convert_element_type3A_290 = arith.extui %lt3A_289 : i1 to i32
      %cond3A_291 = arith.constant 0 : i32
      %cond3A_292 = arith.cmpi ne, %convert_element_type3A_290, %cond3A_291 : i32
      scf.if %cond3A_292 {
        %add3A_386 = arith.constant 1 : i32
        %add3A_387 = arith.addi %add3A_279, %add3A_386 : i32
        %mul3A_388 = arith.constant 32 : i32
        %mul3A_389 = arith.muli %add3A_387, %mul3A_388 : i32
        %add3A_390 = arith.addi %mul3A_2, %mul3A_389 : i32
        %multiple_of3A_391 = tpu.assume_multiple %add3A_390, 8 : i32
        %dma_wait3A_392 = tpu.memref_slice %arg3[%multiple_of3A_391] : memref<32768xi32, #tpu.memory_space<hbm>> -> memref<32xi32, #tpu.memory_space<hbm>>
        %dma_wait3A_393 = tpu.memref_slice %arg3[%multiple_of3A_391] : memref<32768xi32, #tpu.memory_space<hbm>> -> memref<32xi32, #tpu.memory_space<hbm>>
        tpu.wait_dma2 semaphore(%arg21 : memref<!tpu.dma_semaphore, #tpu.memory_space<semaphore_mem>>) src(%dma_wait3A_393 : memref<32xi32, #tpu.memory_space<hbm>>) dst(%arg10 : memref<32xi32, #tpu.memory_space<vmem>>)
        %dma_wait3A_394 = tpu.memref_slice %arg4[%multiple_of3A_391] : memref<32768xi32, #tpu.memory_space<hbm>> -> memref<32xi32, #tpu.memory_space<hbm>>
        %dma_wait3A_395 = tpu.memref_slice %arg4[%multiple_of3A_391] : memref<32768xi32, #tpu.memory_space<hbm>> -> memref<32xi32, #tpu.memory_space<hbm>>
        tpu.wait_dma2 semaphore(%arg21 : memref<!tpu.dma_semaphore, #tpu.memory_space<semaphore_mem>>) src(%dma_wait3A_395 : memref<32xi32, #tpu.memory_space<hbm>>) dst(%arg11 : memref<32xi32, #tpu.memory_space<vmem>>)
        %dma_wait3A_396 = tpu.memref_slice %arg5[%multiple_of3A_391] : memref<32768xi32, #tpu.memory_space<hbm>> -> memref<32xi32, #tpu.memory_space<hbm>>
        %dma_wait3A_397 = tpu.memref_slice %arg5[%multiple_of3A_391] : memref<32768xi32, #tpu.memory_space<hbm>> -> memref<32xi32, #tpu.memory_space<hbm>>
        tpu.wait_dma2 semaphore(%arg21 : memref<!tpu.dma_semaphore, #tpu.memory_space<semaphore_mem>>) src(%dma_wait3A_397 : memref<32xi32, #tpu.memory_space<hbm>>) dst(%arg12 : memref<32xi32, #tpu.memory_space<vmem>>)
        %dma_start3A_398 = arith.constant 0 : i32
        %dma_start3A_399 = arith.constant 0 : i32
        %dma_start3A_400 = tpu.memref_slice %arg2[%dma_start3A_398, %dma_start3A_399] : memref<8192x256xf32, #tpu.memory_space<hbm>> -> memref<8192x256xf32, #tpu.memory_space<hbm>>
        tpu.enqueue_indirect_dma source(%dma_start3A_400 : memref<8192x256xf32, #tpu.memory_space<hbm>>) target(%arg13 : memref<32x256xf32, #tpu.memory_space<vmem>>) offsets(%arg10 : memref<32xi32, #tpu.memory_space<vmem>>) semaphore(%arg22 : memref<!tpu.dma_semaphore, #tpu.memory_space<semaphore_mem>>)
        %dma_start3A_401 = arith.constant 0 : i32
        %dma_start3A_402 = arith.constant 0 : i32
        %dma_start3A_403 = tpu.memref_slice %arg2[%dma_start3A_401, %dma_start3A_402] : memref<8192x256xf32, #tpu.memory_space<hbm>> -> memref<8192x256xf32, #tpu.memory_space<hbm>>
        tpu.enqueue_indirect_dma source(%dma_start3A_403 : memref<8192x256xf32, #tpu.memory_space<hbm>>) target(%arg14 : memref<32x256xf32, #tpu.memory_space<vmem>>) offsets(%arg11 : memref<32xi32, #tpu.memory_space<vmem>>) semaphore(%arg22 : memref<!tpu.dma_semaphore, #tpu.memory_space<semaphore_mem>>)
        %dma_start3A_404 = arith.constant 0 : i32
        %dma_start3A_405 = arith.constant 0 : i32
        %dma_start3A_406 = tpu.memref_slice %arg2[%dma_start3A_404, %dma_start3A_405] : memref<8192x256xf32, #tpu.memory_space<hbm>> -> memref<8192x256xf32, #tpu.memory_space<hbm>>
        tpu.enqueue_indirect_dma source(%dma_start3A_406 : memref<8192x256xf32, #tpu.memory_space<hbm>>) target(%arg15 : memref<32x256xf32, #tpu.memory_space<vmem>>) offsets(%arg12 : memref<32xi32, #tpu.memory_space<vmem>>) semaphore(%arg22 : memref<!tpu.dma_semaphore, #tpu.memory_space<semaphore_mem>>)
      } else {
      }
      %dma_wait3A_293 = arith.constant 0 : i32
      %dma_wait3A_294 = arith.constant 0 : i32
      %dma_wait3A_295 = tpu.memref_slice %arg2[%dma_wait3A_293, %dma_wait3A_294] : memref<8192x256xf32, #tpu.memory_space<hbm>> -> memref<8192x256xf32, #tpu.memory_space<hbm>>
      tpu.wait_indirect_dma semaphore(%arg38 : memref<!tpu.dma_semaphore, #tpu.memory_space<semaphore_mem>>) src(%dma_wait3A_295 : memref<8192x256xf32, #tpu.memory_space<hbm>>) dst(%arg29 : memref<32x256xf32, #tpu.memory_space<vmem>>)
      %dma_wait3A_296 = arith.constant 0 : i32
      %dma_wait3A_297 = arith.constant 0 : i32
      %dma_wait3A_298 = tpu.memref_slice %arg2[%dma_wait3A_296, %dma_wait3A_297] : memref<8192x256xf32, #tpu.memory_space<hbm>> -> memref<8192x256xf32, #tpu.memory_space<hbm>>
      tpu.wait_indirect_dma semaphore(%arg38 : memref<!tpu.dma_semaphore, #tpu.memory_space<semaphore_mem>>) src(%dma_wait3A_298 : memref<8192x256xf32, #tpu.memory_space<hbm>>) dst(%arg30 : memref<32x256xf32, #tpu.memory_space<vmem>>)
      %dma_wait3A_299 = arith.constant 0 : i32
      %dma_wait3A_300 = arith.constant 0 : i32
      %dma_wait3A_301 = tpu.memref_slice %arg2[%dma_wait3A_299, %dma_wait3A_300] : memref<8192x256xf32, #tpu.memory_space<hbm>> -> memref<8192x256xf32, #tpu.memory_space<hbm>>
      tpu.wait_indirect_dma semaphore(%arg38 : memref<!tpu.dma_semaphore, #tpu.memory_space<semaphore_mem>>) src(%dma_wait3A_301 : memref<8192x256xf32, #tpu.memory_space<hbm>>) dst(%arg31 : memref<32x256xf32, #tpu.memory_space<vmem>>)
      %mul3A_302 = arith.constant 32 : i32
      %mul3A_303 = arith.muli %add3A_279, %mul3A_302 : i32
      %add3A_304 = arith.addi %mul3A_2, %mul3A_303 : i32
      %jit3A_305 = arith.constant 4096 : i32
      %div3A_306 = arith.divsi %add3A_304, %jit3A_305 : i32
      %sign3A_307 = arith.constant 0 : i32
      %sign3A_308 = arith.cmpi sgt, %add3A_304, %sign3A_307 : i32
      %sign3A_309 = arith.extui %sign3A_308 : i1 to i32
      %sign3A_310 = arith.constant 0 : i32
      %sign3A_311 = arith.cmpi slt, %add3A_304, %sign3A_310 : i32
      %sign3A_312 = arith.extui %sign3A_311 : i1 to i32
      %sign3A_313 = arith.subi %sign3A_309, %sign3A_312 : i32
      %sign3A_314 = arith.constant 0 : i32
      %sign3A_315 = arith.cmpi sgt, %jit3A_305, %sign3A_314 : i32
      %sign3A_316 = arith.extui %sign3A_315 : i1 to i32
      %sign3A_317 = arith.constant 0 : i32
      %sign3A_318 = arith.cmpi slt, %jit3A_305, %sign3A_317 : i32
      %sign3A_319 = arith.extui %sign3A_318 : i1 to i32
      %sign3A_320 = arith.subi %sign3A_316, %sign3A_319 : i32
      %ne3A_321 = arith.cmpi ne, %sign3A_313, %sign3A_320 : i32
      %rem3A_322 = arith.remsi %add3A_304, %jit3A_305 : i32
      %ne3A_323 = arith.constant 0 : i32
      %ne3A_324 = arith.cmpi ne, %rem3A_322, %ne3A_323 : i32
      %and3A_325 = arith.andi %ne3A_321, %ne3A_324 : i1
      %sub3A_326 = arith.constant 1 : i32
      %sub3A_327 = arith.subi %div3A_306, %sub3A_326 : i32
      %select_n3A_328 = arith.select %and3A_325, %sub3A_327, %div3A_306 : i32
      %mul3A_329 = arith.constant 4096 : i32
      %mul3A_330 = arith.muli %select_n3A_328, %mul3A_329 : i32
      %sub3A_331 = arith.subi %add3A_304, %mul3A_330 : i32
      %mul3A_332 = arith.constant 8 : i32
      %mul3A_333 = arith.muli %select_n3A_328, %mul3A_332 : i32
      %add3A_334 = arith.constant 0 : i32
      %add3A_335 = arith.addi %mul3A_333, %add3A_334 : i32
      %mul3A_336 = arith.constant 4096 : i32
      %mul3A_337 = arith.muli %add3A_335, %mul3A_336 : i32
      %add3A_338 = arith.addi %mul3A_337, %sub3A_331 : i32
      %multiple_of3A_339 = tpu.assume_multiple %add3A_338, 8 : i32
      %mul3A_340 = arith.constant 8 : i32
      %mul3A_341 = arith.muli %select_n3A_328, %mul3A_340 : i32
      %add3A_342 = arith.constant 1 : i32
      %add3A_343 = arith.addi %mul3A_341, %add3A_342 : i32
      %mul3A_344 = arith.constant 4096 : i32
      %mul3A_345 = arith.muli %add3A_343, %mul3A_344 : i32
      %add3A_346 = arith.addi %mul3A_345, %sub3A_331 : i32
      %multiple_of3A_347 = tpu.assume_multiple %add3A_346, 8 : i32
      %mul3A_348 = arith.constant 8 : i32
      %mul3A_349 = arith.muli %select_n3A_328, %mul3A_348 : i32
      %add3A_350 = arith.constant 2 : i32
      %add3A_351 = arith.addi %mul3A_349, %add3A_350 : i32
      %mul3A_352 = arith.constant 4096 : i32
      %mul3A_353 = arith.muli %add3A_351, %mul3A_352 : i32
      %add3A_354 = arith.addi %mul3A_353, %sub3A_331 : i32
      %multiple_of3A_355 = tpu.assume_multiple %add3A_354, 8 : i32
      %dma_wait3A_356 = tpu.memref_slice %arg6[%multiple_of3A_339] : memref<262144xf32, #tpu.memory_space<hbm>> -> memref<32xf32, #tpu.memory_space<hbm>>
      %dma_wait3A_357 = tpu.memref_slice %arg6[%multiple_of3A_339] : memref<262144xf32, #tpu.memory_space<hbm>> -> memref<32xf32, #tpu.memory_space<hbm>>
      tpu.wait_dma2 semaphore(%arg39 : memref<!tpu.dma_semaphore, #tpu.memory_space<semaphore_mem>>) src(%dma_wait3A_357 : memref<32xf32, #tpu.memory_space<hbm>>) dst(%arg32 : memref<32xf32, #tpu.memory_space<vmem>>)
      %dma_wait3A_358 = tpu.memref_slice %arg6[%multiple_of3A_347] : memref<262144xf32, #tpu.memory_space<hbm>> -> memref<32xf32, #tpu.memory_space<hbm>>
      %dma_wait3A_359 = tpu.memref_slice %arg6[%multiple_of3A_347] : memref<262144xf32, #tpu.memory_space<hbm>> -> memref<32xf32, #tpu.memory_space<hbm>>
      tpu.wait_dma2 semaphore(%arg39 : memref<!tpu.dma_semaphore, #tpu.memory_space<semaphore_mem>>) src(%dma_wait3A_359 : memref<32xf32, #tpu.memory_space<hbm>>) dst(%arg33 : memref<32xf32, #tpu.memory_space<vmem>>)
      %dma_wait3A_360 = tpu.memref_slice %arg6[%multiple_of3A_355] : memref<262144xf32, #tpu.memory_space<hbm>> -> memref<32xf32, #tpu.memory_space<hbm>>
      %dma_wait3A_361 = tpu.memref_slice %arg6[%multiple_of3A_355] : memref<262144xf32, #tpu.memory_space<hbm>> -> memref<32xf32, #tpu.memory_space<hbm>>
      tpu.wait_dma2 semaphore(%arg39 : memref<!tpu.dma_semaphore, #tpu.memory_space<semaphore_mem>>) src(%dma_wait3A_361 : memref<32xf32, #tpu.memory_space<hbm>>) dst(%arg34 : memref<32xf32, #tpu.memory_space<vmem>>)
      %dma_wait3A_362 = arith.constant 0 : i32
      %dma_wait3A_363 = tpu.memref_slice %arg7[%multiple_of3A_285, %dma_wait3A_362] : memref<32768x256xf32, #tpu.memory_space<hbm>> -> memref<32x256xf32, #tpu.memory_space<hbm>>
      %dma_wait3A_364 = arith.constant 0 : i32
      %dma_wait3A_365 = tpu.memref_slice %arg7[%multiple_of3A_285, %dma_wait3A_364] : memref<32768x256xf32, #tpu.memory_space<hbm>> -> memref<32x256xf32, #tpu.memory_space<hbm>>
      tpu.wait_dma2 semaphore(%arg40 : memref<!tpu.dma_semaphore, #tpu.memory_space<semaphore_mem>>) src(%dma_wait3A_365 : memref<32x256xf32, #tpu.memory_space<hbm>>) dst(%arg35 : memref<32x256xf32, #tpu.memory_space<vmem>>)
      %ge3A_366 = arith.constant 2 : i32
      %ge3A_367 = arith.cmpi sge, %add3A_279, %ge3A_366 : i32
      %convert_element_type3A_368 = arith.extui %ge3A_367 : i1 to i32
      %cond3A_369 = arith.constant 0 : i32
      %cond3A_370 = arith.cmpi ne, %convert_element_type3A_368, %cond3A_369 : i32
      scf.if %cond3A_370 {
        %sub3A_386 = arith.constant 2 : i32
        %sub3A_387 = arith.subi %add3A_279, %sub3A_386 : i32
        %mul3A_388 = arith.constant 32 : i32
        %mul3A_389 = arith.muli %sub3A_387, %mul3A_388 : i32
        %add3A_390 = arith.addi %mul3A_2, %mul3A_389 : i32
        %multiple_of3A_391 = tpu.assume_multiple %add3A_390, 8 : i32
        %dma_wait3A_392 = arith.constant 0 : i32
        %dma_wait3A_393 = tpu.memref_slice %arg9[%multiple_of3A_391, %dma_wait3A_392] : memref<32768x256xf32, #tpu.memory_space<hbm>> -> memref<32x256xf32, #tpu.memory_space<hbm>>
        %dma_wait3A_394 = arith.constant 0 : i32
        %dma_wait3A_395 = tpu.memref_slice %arg9[%multiple_of3A_391, %dma_wait3A_394] : memref<32768x256xf32, #tpu.memory_space<hbm>> -> memref<32x256xf32, #tpu.memory_space<hbm>>
        tpu.wait_dma2 semaphore(%arg41 : memref<!tpu.dma_semaphore, #tpu.memory_space<semaphore_mem>>) src(%arg36 : memref<32x256xf32, #tpu.memory_space<vmem>>) dst(%dma_wait3A_395 : memref<32x256xf32, #tpu.memory_space<hbm>>)
      } else {
      }
      %scan3A_371 = arith.constant 0 : i32
      %scan3A_372 = arith.constant 0 : i32
      %scan3A_373 = arith.constant 32 : i32
      %scan3A_374 = arith.addi %scan3A_372, %scan3A_373 : i32
      %scan3A_375 = arith.constant 1 : i32
      scf.for %scan3A_386 = %scan3A_372 to %scan3A_374 step %scan3A_375  : i32 {
        %get3A = arith.index_cast %scan3A_386 : i32 to index
        %get3A_387 = arith.constant 0 : index
        %get3A_388 = tpu.vector_load %arg42[%get3A, %get3A_387] {strides = array<i32>} : memref<32x16xi32, #tpu.memory_space<vmem>>, vector<1x16xi32>,
        %get3A_389 = vector.shape_cast %get3A_388 : vector<1x16xi32> to vector<16xi32>
        %jit3A_390 = arith.constant 16 : i32
        %div3A_391 = arith.divsi %scan3A_386, %jit3A_390 : i32
        %sign3A_392 = arith.constant 0 : i32
        %sign3A_393 = arith.cmpi sgt, %scan3A_386, %sign3A_392 : i32
        %sign3A_394 = arith.extui %sign3A_393 : i1 to i32
        %sign3A_395 = arith.constant 0 : i32
        %sign3A_396 = arith.cmpi slt, %scan3A_386, %sign3A_395 : i32
        %sign3A_397 = arith.extui %sign3A_396 : i1 to i32
        %sign3A_398 = arith.subi %sign3A_394, %sign3A_397 : i32
        %sign3A_399 = arith.constant 0 : i32
        %sign3A_400 = arith.cmpi sgt, %jit3A_390, %sign3A_399 : i32
        %sign3A_401 = arith.extui %sign3A_400 : i1 to i32
        %sign3A_402 = arith.constant 0 : i32
        %sign3A_403 = arith.cmpi slt, %jit3A_390, %sign3A_402 : i32
        %sign3A_404 = arith.extui %sign3A_403 : i1 to i32
        %sign3A_405 = arith.subi %sign3A_401, %sign3A_404 : i32
        %ne3A_406 = arith.cmpi ne, %sign3A_398, %sign3A_405 : i32
        %rem3A_407 = arith.remsi %scan3A_386, %jit3A_390 : i32
        %ne3A_408 = arith.constant 0 : i32
        %ne3A_409 = arith.cmpi ne, %rem3A_407, %ne3A_408 : i32
        %and3A_410 = arith.andi %ne3A_406, %ne3A_409 : i1
        %sub3A_411 = arith.constant 1 : i32
        %sub3A_412 = arith.subi %div3A_391, %sub3A_411 : i32
        %select_n3A_413 = arith.select %and3A_410, %sub3A_412, %div3A_391 : i32
        %mul3A_414 = arith.constant 16 : i32
        %mul3A_415 = arith.muli %select_n3A_413, %mul3A_414 : i32
        %get3A_416 = arith.index_cast %mul3A_415 : i32 to index
        %get3A_417 = tpu.vector_load %arg32[%get3A_416] {strides = array<i32>} : memref<32xf32, #tpu.memory_space<vmem>>, vector<16xf32>,
        %get3A_418 = vector.shape_cast %get3A_417 : vector<16xf32> to vector<16xf32>
        %lt3A_419 = arith.constant 0 : i32
        %lt3A_420 = vector.broadcast %lt3A_419 : i32 to vector<16xi32>
        %lt3A_421 = arith.cmpi slt, %get3A_389, %lt3A_420 : vector<16xi32>
        %add3A_422 = arith.constant 16 : i32
        %add3A_423 = vector.broadcast %add3A_422 : i32 to vector<16xi32>
        %add3A_424 = arith.addi %get3A_389, %add3A_423 : vector<16xi32>
        %select_n3A_425 = arith.select %lt3A_421, %add3A_424, %get3A_389 : vector<16xi1>, vector<16xi32>
        %broadcast_in_dim3A = vector.shape_cast %select_n3A_425 : vector<16xi32> to vector<16x1xi32>
        %gather3A = vector.shape_cast %broadcast_in_dim3A : vector<16x1xi32> to vector<16xi32>
        %gather3A_426 = tpu.dynamic_gather %get3A_418[%gather3A] in [0] : vector<16xf32>, vector<16xi32> -> vector<16xf32>
        %get3A_427 = arith.index_cast %mul3A_415 : i32 to index
        %get3A_428 = tpu.vector_load %arg33[%get3A_427] {strides = array<i32>} : memref<32xf32, #tpu.memory_space<vmem>>, vector<16xf32>,
        %get3A_429 = vector.shape_cast %get3A_428 : vector<16xf32> to vector<16xf32>
        %lt3A_430 = arith.constant 0 : i32
        %lt3A_431 = vector.broadcast %lt3A_430 : i32 to vector<16xi32>
        %lt3A_432 = arith.cmpi slt, %get3A_389, %lt3A_431 : vector<16xi32>
        %add3A_433 = arith.constant 16 : i32
        %add3A_434 = vector.broadcast %add3A_433 : i32 to vector<16xi32>
        %add3A_435 = arith.addi %get3A_389, %add3A_434 : vector<16xi32>
        %select_n3A_436 = arith.select %lt3A_432, %add3A_435, %get3A_389 : vector<16xi1>, vector<16xi32>
        %broadcast_in_dim3A_437 = vector.shape_cast %select_n3A_436 : vector<16xi32> to vector<16x1xi32>
        %gather3A_438 = vector.shape_cast %broadcast_in_dim3A_437 : vector<16x1xi32> to vector<16xi32>
        %gather3A_439 = tpu.dynamic_gather %get3A_429[%gather3A_438] in [0] : vector<16xf32>, vector<16xi32> -> vector<16xf32>
        %get3A_440 = arith.index_cast %mul3A_415 : i32 to index
        %get3A_441 = tpu.vector_load %arg34[%get3A_440] {strides = array<i32>} : memref<32xf32, #tpu.memory_space<vmem>>, vector<16xf32>,
        %get3A_442 = vector.shape_cast %get3A_441 : vector<16xf32> to vector<16xf32>
        %lt3A_443 = arith.constant 0 : i32
        %lt3A_444 = vector.broadcast %lt3A_443 : i32 to vector<16xi32>
        %lt3A_445 = arith.cmpi slt, %get3A_389, %lt3A_444 : vector<16xi32>
        %add3A_446 = arith.constant 16 : i32
        %add3A_447 = vector.broadcast %add3A_446 : i32 to vector<16xi32>
        %add3A_448 = arith.addi %get3A_389, %add3A_447 : vector<16xi32>
        %select_n3A_449 = arith.select %lt3A_445, %add3A_448, %get3A_389 : vector<16xi1>, vector<16xi32>
        %broadcast_in_dim3A_450 = vector.shape_cast %select_n3A_449 : vector<16xi32> to vector<16x1xi32>
        %gather3A_451 = vector.shape_cast %broadcast_in_dim3A_450 : vector<16x1xi32> to vector<16xi32>
        %gather3A_452 = tpu.dynamic_gather %get3A_442[%gather3A_451] in [0] : vector<16xf32>, vector<16xi32> -> vector<16xf32>
        %get3A_453 = arith.index_cast %scan3A_386 : i32 to index
        %get3A_454 = arith.constant 0 : index
        %get3A_455 = tpu.vector_load %arg35[%get3A_453, %get3A_454] {strides = array<i32>} : memref<32x256xf32, #tpu.memory_space<vmem>>, vector<1x16xf32>,
        %get3A_456 = vector.shape_cast %get3A_455 : vector<1x16xf32> to vector<16xf32>
        %get3A_457 = arith.index_cast %scan3A_386 : i32 to index
        %get3A_458 = arith.constant 0 : index
        %get3A_459 = tpu.vector_load %arg29[%get3A_457, %get3A_458] {strides = array<i32>} : memref<32x256xf32, #tpu.memory_space<vmem>>, vector<1x16xf32>,
        %get3A_460 = vector.shape_cast %get3A_459 : vector<1x16xf32> to vector<16xf32>
        %mul3A_461 = arith.mulf %gather3A_426, %get3A_460 : vector<16xf32>
        %add3A_462 = arith.addf %get3A_456, %mul3A_461 : vector<16xf32>
        %get3A_463 = arith.index_cast %scan3A_386 : i32 to index
        %get3A_464 = arith.constant 0 : index
        %get3A_465 = tpu.vector_load %arg30[%get3A_463, %get3A_464] {strides = array<i32>} : memref<32x256xf32, #tpu.memory_space<vmem>>, vector<1x16xf32>,
        %get3A_466 = vector.shape_cast %get3A_465 : vector<1x16xf32> to vector<16xf32>
        %mul3A_467 = arith.mulf %gather3A_439, %get3A_466 : vector<16xf32>
        %add3A_468 = arith.addf %add3A_462, %mul3A_467 : vector<16xf32>
        %get3A_469 = arith.index_cast %scan3A_386 : i32 to index
        %get3A_470 = arith.constant 0 : index
        %get3A_471 = tpu.vector_load %arg31[%get3A_469, %get3A_470] {strides = array<i32>} : memref<32x256xf32, #tpu.memory_space<vmem>>, vector<1x16xf32>,
        %get3A_472 = vector.shape_cast %get3A_471 : vector<1x16xf32> to vector<16xf32>
        %mul3A_473 = arith.mulf %gather3A_452, %get3A_472 : vector<16xf32>
        %add3A_474 = arith.addf %add3A_468, %mul3A_473 : vector<16xf32>
        %swap3A = arith.index_cast %scan3A_386 : i32 to index
        %swap3A_475 = arith.constant 0 : index
        %swap3A_476 = tpu.vector_load %arg36[%swap3A, %swap3A_475] {strides = array<i32>} : memref<32x256xf32, #tpu.memory_space<vmem>>, vector<1x16xf32>,
        %swap3A_477 = vector.shape_cast %swap3A_476 : vector<1x16xf32> to vector<16xf32>
        %swap3A_478 = vector.shape_cast %add3A_474 : vector<16xf32> to vector<1x16xf32>
        tpu.vector_store %arg36[%swap3A, %swap3A_475], %swap3A_478 {strides = array<i32>} : memref<32x256xf32, #tpu.memory_space<vmem>>, vector<1x16xf32>,
        %get3A_479 = arith.index_cast %scan3A_386 : i32 to index
        %get3A_480 = arith.constant 16 : index
        %get3A_481 = tpu.vector_load %arg35[%get3A_479, %get3A_480] {strides = array<i32>} : memref<32x256xf32, #tpu.memory_space<vmem>>, vector<1x16xf32>,
        %get3A_482 = vector.shape_cast %get3A_481 : vector<1x16xf32> to vector<16xf32>
        %get3A_483 = arith.index_cast %scan3A_386 : i32 to index
        %get3A_484 = arith.constant 16 : index
        %get3A_485 = tpu.vector_load %arg29[%get3A_483, %get3A_484] {strides = array<i32>} : memref<32x256xf32, #tpu.memory_space<vmem>>, vector<1x16xf32>,
        %get3A_486 = vector.shape_cast %get3A_485 : vector<1x16xf32> to vector<16xf32>
        %mul3A_487 = arith.mulf %gather3A_426, %get3A_486 : vector<16xf32>
        %add3A_488 = arith.addf %get3A_482, %mul3A_487 : vector<16xf32>
        %get3A_489 = arith.index_cast %scan3A_386 : i32 to index
        %get3A_490 = arith.constant 16 : index
        %get3A_491 = tpu.vector_load %arg30[%get3A_489, %get3A_490] {strides = array<i32>} : memref<32x256xf32, #tpu.memory_space<vmem>>, vector<1x16xf32>,
        %get3A_492 = vector.shape_cast %get3A_491 : vector<1x16xf32> to vector<16xf32>
        %mul3A_493 = arith.mulf %gather3A_439, %get3A_492 : vector<16xf32>
        %add3A_494 = arith.addf %add3A_488, %mul3A_493 : vector<16xf32>
        %get3A_495 = arith.index_cast %scan3A_386 : i32 to index
        %get3A_496 = arith.constant 16 : index
        %get3A_497 = tpu.vector_load %arg31[%get3A_495, %get3A_496] {strides = array<i32>} : memref<32x256xf32, #tpu.memory_space<vmem>>, vector<1x16xf32>,
        %get3A_498 = vector.shape_cast %get3A_497 : vector<1x16xf32> to vector<16xf32>
        %mul3A_499 = arith.mulf %gather3A_452, %get3A_498 : vector<16xf32>
        %add3A_500 = arith.addf %add3A_494, %mul3A_499 : vector<16xf32>
        %swap3A_501 = arith.index_cast %scan3A_386 : i32 to index
        %swap3A_502 = arith.constant 16 : index
        %swap3A_503 = tpu.vector_load %arg36[%swap3A_501, %swap3A_502] {strides = array<i32>} : memref<32x256xf32, #tpu.memory_space<vmem>>, vector<1x16xf32>,
        %swap3A_504 = vector.shape_cast %swap3A_503 : vector<1x16xf32> to vector<16xf32>
        %swap3A_505 = vector.shape_cast %add3A_500 : vector<16xf32> to vector<1x16xf32>
        tpu.vector_store %arg36[%swap3A_501, %swap3A_502], %swap3A_505 {strides = array<i32>} : memref<32x256xf32, #tpu.memory_space<vmem>>, vector<1x16xf32>,
        %get3A_506 = arith.index_cast %scan3A_386 : i32 to index
        %get3A_507 = arith.constant 32 : index
        %get3A_508 = tpu.vector_load %arg35[%get3A_506, %get3A_507] {strides = array<i32>} : memref<32x256xf32, #tpu.memory_space<vmem>>, vector<1x16xf32>,
        %get3A_509 = vector.shape_cast %get3A_508 : vector<1x16xf32> to vector<16xf32>
        %get3A_510 = arith.index_cast %scan3A_386 : i32 to index
        %get3A_511 = arith.constant 32 : index
        %get3A_512 = tpu.vector_load %arg29[%get3A_510, %get3A_511] {strides = array<i32>} : memref<32x256xf32, #tpu.memory_space<vmem>>, vector<1x16xf32>,
        %get3A_513 = vector.shape_cast %get3A_512 : vector<1x16xf32> to vector<16xf32>
        %mul3A_514 = arith.mulf %gather3A_426, %get3A_513 : vector<16xf32>
        %add3A_515 = arith.addf %get3A_509, %mul3A_514 : vector<16xf32>
        %get3A_516 = arith.index_cast %scan3A_386 : i32 to index
        %get3A_517 = arith.constant 32 : index
        %get3A_518 = tpu.vector_load %arg30[%get3A_516, %get3A_517] {strides = array<i32>} : memref<32x256xf32, #tpu.memory_space<vmem>>, vector<1x16xf32>,
        %get3A_519 = vector.shape_cast %get3A_518 : vector<1x16xf32> to vector<16xf32>
        %mul3A_520 = arith.mulf %gather3A_439, %get3A_519 : vector<16xf32>
        %add3A_521 = arith.addf %add3A_515, %mul3A_520 : vector<16xf32>
        %get3A_522 = arith.index_cast %scan3A_386 : i32 to index
        %get3A_523 = arith.constant 32 : index
        %get3A_524 = tpu.vector_load %arg31[%get3A_522, %get3A_523] {strides = array<i32>} : memref<32x256xf32, #tpu.memory_space<vmem>>, vector<1x16xf32>,
        %get3A_525 = vector.shape_cast %get3A_524 : vector<1x16xf32> to vector<16xf32>
        %mul3A_526 = arith.mulf %gather3A_452, %get3A_525 : vector<16xf32>
        %add3A_527 = arith.addf %add3A_521, %mul3A_526 : vector<16xf32>
        %swap3A_528 = arith.index_cast %scan3A_386 : i32 to index
        %swap3A_529 = arith.constant 32 : index
        %swap3A_530 = tpu.vector_load %arg36[%swap3A_528, %swap3A_529] {strides = array<i32>} : memref<32x256xf32, #tpu.memory_space<vmem>>, vector<1x16xf32>,
        %swap3A_531 = vector.shape_cast %swap3A_530 : vector<1x16xf32> to vector<16xf32>
        %swap3A_532 = vector.shape_cast %add3A_527 : vector<16xf32> to vector<1x16xf32>
        tpu.vector_store %arg36[%swap3A_528, %swap3A_529], %swap3A_532 {strides = array<i32>} : memref<32x256xf32, #tpu.memory_space<vmem>>, vector<1x16xf32>,
        %get3A_533 = arith.index_cast %scan3A_386 : i32 to index
        %get3A_534 = arith.constant 48 : index
        %get3A_535 = tpu.vector_load %arg35[%get3A_533, %get3A_534] {strides = array<i32>} : memref<32x256xf32, #tpu.memory_space<vmem>>, vector<1x16xf32>,
        %get3A_536 = vector.shape_cast %get3A_535 : vector<1x16xf32> to vector<16xf32>
        %get3A_537 = arith.index_cast %scan3A_386 : i32 to index
        %get3A_538 = arith.constant 48 : index
        %get3A_539 = tpu.vector_load %arg29[%get3A_537, %get3A_538] {strides = array<i32>} : memref<32x256xf32, #tpu.memory_space<vmem>>, vector<1x16xf32>,
        %get3A_540 = vector.shape_cast %get3A_539 : vector<1x16xf32> to vector<16xf32>
        %mul3A_541 = arith.mulf %gather3A_426, %get3A_540 : vector<16xf32>
        %add3A_542 = arith.addf %get3A_536, %mul3A_541 : vector<16xf32>
        %get3A_543 = arith.index_cast %scan3A_386 : i32 to index
        %get3A_544 = arith.constant 48 : index
        %get3A_545 = tpu.vector_load %arg30[%get3A_543, %get3A_544] {strides = array<i32>} : memref<32x256xf32, #tpu.memory_space<vmem>>, vector<1x16xf32>,
        %get3A_546 = vector.shape_cast %get3A_545 : vector<1x16xf32> to vector<16xf32>
        %mul3A_547 = arith.mulf %gather3A_439, %get3A_546 : vector<16xf32>
        %add3A_548 = arith.addf %add3A_542, %mul3A_547 : vector<16xf32>
        %get3A_549 = arith.index_cast %scan3A_386 : i32 to index
        %get3A_550 = arith.constant 48 : index
        %get3A_551 = tpu.vector_load %arg31[%get3A_549, %get3A_550] {strides = array<i32>} : memref<32x256xf32, #tpu.memory_space<vmem>>, vector<1x16xf32>,
        %get3A_552 = vector.shape_cast %get3A_551 : vector<1x16xf32> to vector<16xf32>
        %mul3A_553 = arith.mulf %gather3A_452, %get3A_552 : vector<16xf32>
        %add3A_554 = arith.addf %add3A_548, %mul3A_553 : vector<16xf32>
        %swap3A_555 = arith.index_cast %scan3A_386 : i32 to index
        %swap3A_556 = arith.constant 48 : index
        %swap3A_557 = tpu.vector_load %arg36[%swap3A_555, %swap3A_556] {strides = array<i32>} : memref<32x256xf32, #tpu.memory_space<vmem>>, vector<1x16xf32>,
        %swap3A_558 = vector.shape_cast %swap3A_557 : vector<1x16xf32> to vector<16xf32>
        %swap3A_559 = vector.shape_cast %add3A_554 : vector<16xf32> to vector<1x16xf32>
        tpu.vector_store %arg36[%swap3A_555, %swap3A_556], %swap3A_559 {strides = array<i32>} : memref<32x256xf32, #tpu.memory_space<vmem>>, vector<1x16xf32>,
        %get3A_560 = arith.index_cast %scan3A_386 : i32 to index
        %get3A_561 = arith.constant 64 : index
        %get3A_562 = tpu.vector_load %arg35[%get3A_560, %get3A_561] {strides = array<i32>} : memref<32x256xf32, #tpu.memory_space<vmem>>, vector<1x16xf32>,
        %get3A_563 = vector.shape_cast %get3A_562 : vector<1x16xf32> to vector<16xf32>
        %get3A_564 = arith.index_cast %scan3A_386 : i32 to index
        %get3A_565 = arith.constant 64 : index
        %get3A_566 = tpu.vector_load %arg29[%get3A_564, %get3A_565] {strides = array<i32>} : memref<32x256xf32, #tpu.memory_space<vmem>>, vector<1x16xf32>,
        %get3A_567 = vector.shape_cast %get3A_566 : vector<1x16xf32> to vector<16xf32>
        %mul3A_568 = arith.mulf %gather3A_426, %get3A_567 : vector<16xf32>
        %add3A_569 = arith.addf %get3A_563, %mul3A_568 : vector<16xf32>
        %get3A_570 = arith.index_cast %scan3A_386 : i32 to index
        %get3A_571 = arith.constant 64 : index
        %get3A_572 = tpu.vector_load %arg30[%get3A_570, %get3A_571] {strides = array<i32>} : memref<32x256xf32, #tpu.memory_space<vmem>>, vector<1x16xf32>,
        %get3A_573 = vector.shape_cast %get3A_572 : vector<1x16xf32> to vector<16xf32>
        %mul3A_574 = arith.mulf %gather3A_439, %get3A_573 : vector<16xf32>
        %add3A_575 = arith.addf %add3A_569, %mul3A_574 : vector<16xf32>
        %get3A_576 = arith.index_cast %scan3A_386 : i32 to index
        %get3A_577 = arith.constant 64 : index
        %get3A_578 = tpu.vector_load %arg31[%get3A_576, %get3A_577] {strides = array<i32>} : memref<32x256xf32, #tpu.memory_space<vmem>>, vector<1x16xf32>,
        %get3A_579 = vector.shape_cast %get3A_578 : vector<1x16xf32> to vector<16xf32>
        %mul3A_580 = arith.mulf %gather3A_452, %get3A_579 : vector<16xf32>
        %add3A_581 = arith.addf %add3A_575, %mul3A_580 : vector<16xf32>
        %swap3A_582 = arith.index_cast %scan3A_386 : i32 to index
        %swap3A_583 = arith.constant 64 : index
        %swap3A_584 = tpu.vector_load %arg36[%swap3A_582, %swap3A_583] {strides = array<i32>} : memref<32x256xf32, #tpu.memory_space<vmem>>, vector<1x16xf32>,
        %swap3A_585 = vector.shape_cast %swap3A_584 : vector<1x16xf32> to vector<16xf32>
        %swap3A_586 = vector.shape_cast %add3A_581 : vector<16xf32> to vector<1x16xf32>
        tpu.vector_store %arg36[%swap3A_582, %swap3A_583], %swap3A_586 {strides = array<i32>} : memref<32x256xf32, #tpu.memory_space<vmem>>, vector<1x16xf32>,
        %get3A_587 = arith.index_cast %scan3A_386 : i32 to index
        %get3A_588 = arith.constant 80 : index
        %get3A_589 = tpu.vector_load %arg35[%get3A_587, %get3A_588] {strides = array<i32>} : memref<32x256xf32, #tpu.memory_space<vmem>>, vector<1x16xf32>,
        %get3A_590 = vector.shape_cast %get3A_589 : vector<1x16xf32> to vector<16xf32>
        %get3A_591 = arith.index_cast %scan3A_386 : i32 to index
        %get3A_592 = arith.constant 80 : index
        %get3A_593 = tpu.vector_load %arg29[%get3A_591, %get3A_592] {strides = array<i32>} : memref<32x256xf32, #tpu.memory_space<vmem>>, vector<1x16xf32>,
        %get3A_594 = vector.shape_cast %get3A_593 : vector<1x16xf32> to vector<16xf32>
        %mul3A_595 = arith.mulf %gather3A_426, %get3A_594 : vector<16xf32>
        %add3A_596 = arith.addf %get3A_590, %mul3A_595 : vector<16xf32>
        %get3A_597 = arith.index_cast %scan3A_386 : i32 to index
        %get3A_598 = arith.constant 80 : index
        %get3A_599 = tpu.vector_load %arg30[%get3A_597, %get3A_598] {strides = array<i32>} : memref<32x256xf32, #tpu.memory_space<vmem>>, vector<1x16xf32>,
        %get3A_600 = vector.shape_cast %get3A_599 : vector<1x16xf32> to vector<16xf32>
        %mul3A_601 = arith.mulf %gather3A_439, %get3A_600 : vector<16xf32>
        %add3A_602 = arith.addf %add3A_596, %mul3A_601 : vector<16xf32>
        %get3A_603 = arith.index_cast %scan3A_386 : i32 to index
        %get3A_604 = arith.constant 80 : index
        %get3A_605 = tpu.vector_load %arg31[%get3A_603, %get3A_604] {strides = array<i32>} : memref<32x256xf32, #tpu.memory_space<vmem>>, vector<1x16xf32>,
        %get3A_606 = vector.shape_cast %get3A_605 : vector<1x16xf32> to vector<16xf32>
        %mul3A_607 = arith.mulf %gather3A_452, %get3A_606 : vector<16xf32>
        %add3A_608 = arith.addf %add3A_602, %mul3A_607 : vector<16xf32>
        %swap3A_609 = arith.index_cast %scan3A_386 : i32 to index
        %swap3A_610 = arith.constant 80 : index
        %swap3A_611 = tpu.vector_load %arg36[%swap3A_609, %swap3A_610] {strides = array<i32>} : memref<32x256xf32, #tpu.memory_space<vmem>>, vector<1x16xf32>,
        %swap3A_612 = vector.shape_cast %swap3A_611 : vector<1x16xf32> to vector<16xf32>
        %swap3A_613 = vector.shape_cast %add3A_608 : vector<16xf32> to vector<1x16xf32>
        tpu.vector_store %arg36[%swap3A_609, %swap3A_610], %swap3A_613 {strides = array<i32>} : memref<32x256xf32, #tpu.memory_space<vmem>>, vector<1x16xf32>,
        %get3A_614 = arith.index_cast %scan3A_386 : i32 to index
        %get3A_615 = arith.constant 96 : index
        %get3A_616 = tpu.vector_load %arg35[%get3A_614, %get3A_615] {strides = array<i32>} : memref<32x256xf32, #tpu.memory_space<vmem>>, vector<1x16xf32>,
        %get3A_617 = vector.shape_cast %get3A_616 : vector<1x16xf32> to vector<16xf32>
        %get3A_618 = arith.index_cast %scan3A_386 : i32 to index
        %get3A_619 = arith.constant 96 : index
        %get3A_620 = tpu.vector_load %arg29[%get3A_618, %get3A_619] {strides = array<i32>} : memref<32x256xf32, #tpu.memory_space<vmem>>, vector<1x16xf32>,
        %get3A_621 = vector.shape_cast %get3A_620 : vector<1x16xf32> to vector<16xf32>
        %mul3A_622 = arith.mulf %gather3A_426, %get3A_621 : vector<16xf32>
        %add3A_623 = arith.addf %get3A_617, %mul3A_622 : vector<16xf32>
        %get3A_624 = arith.index_cast %scan3A_386 : i32 to index
        %get3A_625 = arith.constant 96 : index
        %get3A_626 = tpu.vector_load %arg30[%get3A_624, %get3A_625] {strides = array<i32>} : memref<32x256xf32, #tpu.memory_space<vmem>>, vector<1x16xf32>,
        %get3A_627 = vector.shape_cast %get3A_626 : vector<1x16xf32> to vector<16xf32>
        %mul3A_628 = arith.mulf %gather3A_439, %get3A_627 : vector<16xf32>
        %add3A_629 = arith.addf %add3A_623, %mul3A_628 : vector<16xf32>
        %get3A_630 = arith.index_cast %scan3A_386 : i32 to index
        %get3A_631 = arith.constant 96 : index
        %get3A_632 = tpu.vector_load %arg31[%get3A_630, %get3A_631] {strides = array<i32>} : memref<32x256xf32, #tpu.memory_space<vmem>>, vector<1x16xf32>,
        %get3A_633 = vector.shape_cast %get3A_632 : vector<1x16xf32> to vector<16xf32>
        %mul3A_634 = arith.mulf %gather3A_452, %get3A_633 : vector<16xf32>
        %add3A_635 = arith.addf %add3A_629, %mul3A_634 : vector<16xf32>
        %swap3A_636 = arith.index_cast %scan3A_386 : i32 to index
        %swap3A_637 = arith.constant 96 : index
        %swap3A_638 = tpu.vector_load %arg36[%swap3A_636, %swap3A_637] {strides = array<i32>} : memref<32x256xf32, #tpu.memory_space<vmem>>, vector<1x16xf32>,
        %swap3A_639 = vector.shape_cast %swap3A_638 : vector<1x16xf32> to vector<16xf32>
        %swap3A_640 = vector.shape_cast %add3A_635 : vector<16xf32> to vector<1x16xf32>
        tpu.vector_store %arg36[%swap3A_636, %swap3A_637], %swap3A_640 {strides = array<i32>} : memref<32x256xf32, #tpu.memory_space<vmem>>, vector<1x16xf32>,
        %get3A_641 = arith.index_cast %scan3A_386 : i32 to index
        %get3A_642 = arith.constant 112 : index
        %get3A_643 = tpu.vector_load %arg35[%get3A_641, %get3A_642] {strides = array<i32>} : memref<32x256xf32, #tpu.memory_space<vmem>>, vector<1x16xf32>,
        %get3A_644 = vector.shape_cast %get3A_643 : vector<1x16xf32> to vector<16xf32>
        %get3A_645 = arith.index_cast %scan3A_386 : i32 to index
        %get3A_646 = arith.constant 112 : index
        %get3A_647 = tpu.vector_load %arg29[%get3A_645, %get3A_646] {strides = array<i32>} : memref<32x256xf32, #tpu.memory_space<vmem>>, vector<1x16xf32>,
        %get3A_648 = vector.shape_cast %get3A_647 : vector<1x16xf32> to vector<16xf32>
        %mul3A_649 = arith.mulf %gather3A_426, %get3A_648 : vector<16xf32>
        %add3A_650 = arith.addf %get3A_644, %mul3A_649 : vector<16xf32>
        %get3A_651 = arith.index_cast %scan3A_386 : i32 to index
        %get3A_652 = arith.constant 112 : index
        %get3A_653 = tpu.vector_load %arg30[%get3A_651, %get3A_652] {strides = array<i32>} : memref<32x256xf32, #tpu.memory_space<vmem>>, vector<1x16xf32>,
        %get3A_654 = vector.shape_cast %get3A_653 : vector<1x16xf32> to vector<16xf32>
        %mul3A_655 = arith.mulf %gather3A_439, %get3A_654 : vector<16xf32>
        %add3A_656 = arith.addf %add3A_650, %mul3A_655 : vector<16xf32>
        %get3A_657 = arith.index_cast %scan3A_386 : i32 to index
        %get3A_658 = arith.constant 112 : index
        %get3A_659 = tpu.vector_load %arg31[%get3A_657, %get3A_658] {strides = array<i32>} : memref<32x256xf32, #tpu.memory_space<vmem>>, vector<1x16xf32>,
        %get3A_660 = vector.shape_cast %get3A_659 : vector<1x16xf32> to vector<16xf32>
        %mul3A_661 = arith.mulf %gather3A_452, %get3A_660 : vector<16xf32>
        %add3A_662 = arith.addf %add3A_656, %mul3A_661 : vector<16xf32>
        %swap3A_663 = arith.index_cast %scan3A_386 : i32 to index
        %swap3A_664 = arith.constant 112 : index
        %swap3A_665 = tpu.vector_load %arg36[%swap3A_663, %swap3A_664] {strides = array<i32>} : memref<32x256xf32, #tpu.memory_space<vmem>>, vector<1x16xf32>,
        %swap3A_666 = vector.shape_cast %swap3A_665 : vector<1x16xf32> to vector<16xf32>
        %swap3A_667 = vector.shape_cast %add3A_662 : vector<16xf32> to vector<1x16xf32>
        tpu.vector_store %arg36[%swap3A_663, %swap3A_664], %swap3A_667 {strides = array<i32>} : memref<32x256xf32, #tpu.memory_space<vmem>>, vector<1x16xf32>,
        %get3A_668 = arith.index_cast %scan3A_386 : i32 to index
        %get3A_669 = arith.constant 128 : index
        %get3A_670 = tpu.vector_load %arg35[%get3A_668, %get3A_669] {strides = array<i32>} : memref<32x256xf32, #tpu.memory_space<vmem>>, vector<1x16xf32>,
        %get3A_671 = vector.shape_cast %get3A_670 : vector<1x16xf32> to vector<16xf32>
        %get3A_672 = arith.index_cast %scan3A_386 : i32 to index
        %get3A_673 = arith.constant 128 : index
        %get3A_674 = tpu.vector_load %arg29[%get3A_672, %get3A_673] {strides = array<i32>} : memref<32x256xf32, #tpu.memory_space<vmem>>, vector<1x16xf32>,
        %get3A_675 = vector.shape_cast %get3A_674 : vector<1x16xf32> to vector<16xf32>
        %mul3A_676 = arith.mulf %gather3A_426, %get3A_675 : vector<16xf32>
        %add3A_677 = arith.addf %get3A_671, %mul3A_676 : vector<16xf32>
        %get3A_678 = arith.index_cast %scan3A_386 : i32 to index
        %get3A_679 = arith.constant 128 : index
        %get3A_680 = tpu.vector_load %arg30[%get3A_678, %get3A_679] {strides = array<i32>} : memref<32x256xf32, #tpu.memory_space<vmem>>, vector<1x16xf32>,
        %get3A_681 = vector.shape_cast %get3A_680 : vector<1x16xf32> to vector<16xf32>
        %mul3A_682 = arith.mulf %gather3A_439, %get3A_681 : vector<16xf32>
        %add3A_683 = arith.addf %add3A_677, %mul3A_682 : vector<16xf32>
        %get3A_684 = arith.index_cast %scan3A_386 : i32 to index
        %get3A_685 = arith.constant 128 : index
        %get3A_686 = tpu.vector_load %arg31[%get3A_684, %get3A_685] {strides = array<i32>} : memref<32x256xf32, #tpu.memory_space<vmem>>, vector<1x16xf32>,
        %get3A_687 = vector.shape_cast %get3A_686 : vector<1x16xf32> to vector<16xf32>
        %mul3A_688 = arith.mulf %gather3A_452, %get3A_687 : vector<16xf32>
        %add3A_689 = arith.addf %add3A_683, %mul3A_688 : vector<16xf32>
        %swap3A_690 = arith.index_cast %scan3A_386 : i32 to index
        %swap3A_691 = arith.constant 128 : index
        %swap3A_692 = tpu.vector_load %arg36[%swap3A_690, %swap3A_691] {strides = array<i32>} : memref<32x256xf32, #tpu.memory_space<vmem>>, vector<1x16xf32>,
        %swap3A_693 = vector.shape_cast %swap3A_692 : vector<1x16xf32> to vector<16xf32>
        %swap3A_694 = vector.shape_cast %add3A_689 : vector<16xf32> to vector<1x16xf32>
        tpu.vector_store %arg36[%swap3A_690, %swap3A_691], %swap3A_694 {strides = array<i32>} : memref<32x256xf32, #tpu.memory_space<vmem>>, vector<1x16xf32>,
        %get3A_695 = arith.index_cast %scan3A_386 : i32 to index
        %get3A_696 = arith.constant 144 : index
        %get3A_697 = tpu.vector_load %arg35[%get3A_695, %get3A_696] {strides = array<i32>} : memref<32x256xf32, #tpu.memory_space<vmem>>, vector<1x16xf32>,
        %get3A_698 = vector.shape_cast %get3A_697 : vector<1x16xf32> to vector<16xf32>
        %get3A_699 = arith.index_cast %scan3A_386 : i32 to index
        %get3A_700 = arith.constant 144 : index
        %get3A_701 = tpu.vector_load %arg29[%get3A_699, %get3A_700] {strides = array<i32>} : memref<32x256xf32, #tpu.memory_space<vmem>>, vector<1x16xf32>,
        %get3A_702 = vector.shape_cast %get3A_701 : vector<1x16xf32> to vector<16xf32>
        %mul3A_703 = arith.mulf %gather3A_426, %get3A_702 : vector<16xf32>
        %add3A_704 = arith.addf %get3A_698, %mul3A_703 : vector<16xf32>
        %get3A_705 = arith.index_cast %scan3A_386 : i32 to index
        %get3A_706 = arith.constant 144 : index
        %get3A_707 = tpu.vector_load %arg30[%get3A_705, %get3A_706] {strides = array<i32>} : memref<32x256xf32, #tpu.memory_space<vmem>>, vector<1x16xf32>,
        %get3A_708 = vector.shape_cast %get3A_707 : vector<1x16xf32> to vector<16xf32>
        %mul3A_709 = arith.mulf %gather3A_439, %get3A_708 : vector<16xf32>
        %add3A_710 = arith.addf %add3A_704, %mul3A_709 : vector<16xf32>
        %get3A_711 = arith.index_cast %scan3A_386 : i32 to index
        %get3A_712 = arith.constant 144 : index
        %get3A_713 = tpu.vector_load %arg31[%get3A_711, %get3A_712] {strides = array<i32>} : memref<32x256xf32, #tpu.memory_space<vmem>>, vector<1x16xf32>,
        %get3A_714 = vector.shape_cast %get3A_713 : vector<1x16xf32> to vector<16xf32>
        %mul3A_715 = arith.mulf %gather3A_452, %get3A_714 : vector<16xf32>
        %add3A_716 = arith.addf %add3A_710, %mul3A_715 : vector<16xf32>
        %swap3A_717 = arith.index_cast %scan3A_386 : i32 to index
        %swap3A_718 = arith.constant 144 : index
        %swap3A_719 = tpu.vector_load %arg36[%swap3A_717, %swap3A_718] {strides = array<i32>} : memref<32x256xf32, #tpu.memory_space<vmem>>, vector<1x16xf32>,
        %swap3A_720 = vector.shape_cast %swap3A_719 : vector<1x16xf32> to vector<16xf32>
        %swap3A_721 = vector.shape_cast %add3A_716 : vector<16xf32> to vector<1x16xf32>
        tpu.vector_store %arg36[%swap3A_717, %swap3A_718], %swap3A_721 {strides = array<i32>} : memref<32x256xf32, #tpu.memory_space<vmem>>, vector<1x16xf32>,
        %get3A_722 = arith.index_cast %scan3A_386 : i32 to index
        %get3A_723 = arith.constant 160 : index
        %get3A_724 = tpu.vector_load %arg35[%get3A_722, %get3A_723] {strides = array<i32>} : memref<32x256xf32, #tpu.memory_space<vmem>>, vector<1x16xf32>,
        %get3A_725 = vector.shape_cast %get3A_724 : vector<1x16xf32> to vector<16xf32>
        %get3A_726 = arith.index_cast %scan3A_386 : i32 to index
        %get3A_727 = arith.constant 160 : index
        %get3A_728 = tpu.vector_load %arg29[%get3A_726, %get3A_727] {strides = array<i32>} : memref<32x256xf32, #tpu.memory_space<vmem>>, vector<1x16xf32>,
        %get3A_729 = vector.shape_cast %get3A_728 : vector<1x16xf32> to vector<16xf32>
        %mul3A_730 = arith.mulf %gather3A_426, %get3A_729 : vector<16xf32>
        %add3A_731 = arith.addf %get3A_725, %mul3A_730 : vector<16xf32>
        %get3A_732 = arith.index_cast %scan3A_386 : i32 to index
        %get3A_733 = arith.constant 160 : index
        %get3A_734 = tpu.vector_load %arg30[%get3A_732, %get3A_733] {strides = array<i32>} : memref<32x256xf32, #tpu.memory_space<vmem>>, vector<1x16xf32>,
        %get3A_735 = vector.shape_cast %get3A_734 : vector<1x16xf32> to vector<16xf32>
        %mul3A_736 = arith.mulf %gather3A_439, %get3A_735 : vector<16xf32>
        %add3A_737 = arith.addf %add3A_731, %mul3A_736 : vector<16xf32>
        %get3A_738 = arith.index_cast %scan3A_386 : i32 to index
        %get3A_739 = arith.constant 160 : index
        %get3A_740 = tpu.vector_load %arg31[%get3A_738, %get3A_739] {strides = array<i32>} : memref<32x256xf32, #tpu.memory_space<vmem>>, vector<1x16xf32>,
        %get3A_741 = vector.shape_cast %get3A_740 : vector<1x16xf32> to vector<16xf32>
        %mul3A_742 = arith.mulf %gather3A_452, %get3A_741 : vector<16xf32>
        %add3A_743 = arith.addf %add3A_737, %mul3A_742 : vector<16xf32>
        %swap3A_744 = arith.index_cast %scan3A_386 : i32 to index
        %swap3A_745 = arith.constant 160 : index
        %swap3A_746 = tpu.vector_load %arg36[%swap3A_744, %swap3A_745] {strides = array<i32>} : memref<32x256xf32, #tpu.memory_space<vmem>>, vector<1x16xf32>,
        %swap3A_747 = vector.shape_cast %swap3A_746 : vector<1x16xf32> to vector<16xf32>
        %swap3A_748 = vector.shape_cast %add3A_743 : vector<16xf32> to vector<1x16xf32>
        tpu.vector_store %arg36[%swap3A_744, %swap3A_745], %swap3A_748 {strides = array<i32>} : memref<32x256xf32, #tpu.memory_space<vmem>>, vector<1x16xf32>,
        %get3A_749 = arith.index_cast %scan3A_386 : i32 to index
        %get3A_750 = arith.constant 176 : index
        %get3A_751 = tpu.vector_load %arg35[%get3A_749, %get3A_750] {strides = array<i32>} : memref<32x256xf32, #tpu.memory_space<vmem>>, vector<1x16xf32>,
        %get3A_752 = vector.shape_cast %get3A_751 : vector<1x16xf32> to vector<16xf32>
        %get3A_753 = arith.index_cast %scan3A_386 : i32 to index
        %get3A_754 = arith.constant 176 : index
        %get3A_755 = tpu.vector_load %arg29[%get3A_753, %get3A_754] {strides = array<i32>} : memref<32x256xf32, #tpu.memory_space<vmem>>, vector<1x16xf32>,
        %get3A_756 = vector.shape_cast %get3A_755 : vector<1x16xf32> to vector<16xf32>
        %mul3A_757 = arith.mulf %gather3A_426, %get3A_756 : vector<16xf32>
        %add3A_758 = arith.addf %get3A_752, %mul3A_757 : vector<16xf32>
        %get3A_759 = arith.index_cast %scan3A_386 : i32 to index
        %get3A_760 = arith.constant 176 : index
        %get3A_761 = tpu.vector_load %arg30[%get3A_759, %get3A_760] {strides = array<i32>} : memref<32x256xf32, #tpu.memory_space<vmem>>, vector<1x16xf32>,
        %get3A_762 = vector.shape_cast %get3A_761 : vector<1x16xf32> to vector<16xf32>
        %mul3A_763 = arith.mulf %gather3A_439, %get3A_762 : vector<16xf32>
        %add3A_764 = arith.addf %add3A_758, %mul3A_763 : vector<16xf32>
        %get3A_765 = arith.index_cast %scan3A_386 : i32 to index
        %get3A_766 = arith.constant 176 : index
        %get3A_767 = tpu.vector_load %arg31[%get3A_765, %get3A_766] {strides = array<i32>} : memref<32x256xf32, #tpu.memory_space<vmem>>, vector<1x16xf32>,
        %get3A_768 = vector.shape_cast %get3A_767 : vector<1x16xf32> to vector<16xf32>
        %mul3A_769 = arith.mulf %gather3A_452, %get3A_768 : vector<16xf32>
        %add3A_770 = arith.addf %add3A_764, %mul3A_769 : vector<16xf32>
        %swap3A_771 = arith.index_cast %scan3A_386 : i32 to index
        %swap3A_772 = arith.constant 176 : index
        %swap3A_773 = tpu.vector_load %arg36[%swap3A_771, %swap3A_772] {strides = array<i32>} : memref<32x256xf32, #tpu.memory_space<vmem>>, vector<1x16xf32>,
        %swap3A_774 = vector.shape_cast %swap3A_773 : vector<1x16xf32> to vector<16xf32>
        %swap3A_775 = vector.shape_cast %add3A_770 : vector<16xf32> to vector<1x16xf32>
        tpu.vector_store %arg36[%swap3A_771, %swap3A_772], %swap3A_775 {strides = array<i32>} : memref<32x256xf32, #tpu.memory_space<vmem>>, vector<1x16xf32>,
        %get3A_776 = arith.index_cast %scan3A_386 : i32 to index
        %get3A_777 = arith.constant 192 : index
        %get3A_778 = tpu.vector_load %arg35[%get3A_776, %get3A_777] {strides = array<i32>} : memref<32x256xf32, #tpu.memory_space<vmem>>, vector<1x16xf32>,
        %get3A_779 = vector.shape_cast %get3A_778 : vector<1x16xf32> to vector<16xf32>
        %get3A_780 = arith.index_cast %scan3A_386 : i32 to index
        %get3A_781 = arith.constant 192 : index
        %get3A_782 = tpu.vector_load %arg29[%get3A_780, %get3A_781] {strides = array<i32>} : memref<32x256xf32, #tpu.memory_space<vmem>>, vector<1x16xf32>,
        %get3A_783 = vector.shape_cast %get3A_782 : vector<1x16xf32> to vector<16xf32>
        %mul3A_784 = arith.mulf %gather3A_426, %get3A_783 : vector<16xf32>
        %add3A_785 = arith.addf %get3A_779, %mul3A_784 : vector<16xf32>
        %get3A_786 = arith.index_cast %scan3A_386 : i32 to index
        %get3A_787 = arith.constant 192 : index
        %get3A_788 = tpu.vector_load %arg30[%get3A_786, %get3A_787] {strides = array<i32>} : memref<32x256xf32, #tpu.memory_space<vmem>>, vector<1x16xf32>,
        %get3A_789 = vector.shape_cast %get3A_788 : vector<1x16xf32> to vector<16xf32>
        %mul3A_790 = arith.mulf %gather3A_439, %get3A_789 : vector<16xf32>
        %add3A_791 = arith.addf %add3A_785, %mul3A_790 : vector<16xf32>
        %get3A_792 = arith.index_cast %scan3A_386 : i32 to index
        %get3A_793 = arith.constant 192 : index
        %get3A_794 = tpu.vector_load %arg31[%get3A_792, %get3A_793] {strides = array<i32>} : memref<32x256xf32, #tpu.memory_space<vmem>>, vector<1x16xf32>,
        %get3A_795 = vector.shape_cast %get3A_794 : vector<1x16xf32> to vector<16xf32>
        %mul3A_796 = arith.mulf %gather3A_452, %get3A_795 : vector<16xf32>
        %add3A_797 = arith.addf %add3A_791, %mul3A_796 : vector<16xf32>
        %swap3A_798 = arith.index_cast %scan3A_386 : i32 to index
        %swap3A_799 = arith.constant 192 : index
        %swap3A_800 = tpu.vector_load %arg36[%swap3A_798, %swap3A_799] {strides = array<i32>} : memref<32x256xf32, #tpu.memory_space<vmem>>, vector<1x16xf32>,
        %swap3A_801 = vector.shape_cast %swap3A_800 : vector<1x16xf32> to vector<16xf32>
        %swap3A_802 = vector.shape_cast %add3A_797 : vector<16xf32> to vector<1x16xf32>
        tpu.vector_store %arg36[%swap3A_798, %swap3A_799], %swap3A_802 {strides = array<i32>} : memref<32x256xf32, #tpu.memory_space<vmem>>, vector<1x16xf32>,
        %get3A_803 = arith.index_cast %scan3A_386 : i32 to index
        %get3A_804 = arith.constant 208 : index
        %get3A_805 = tpu.vector_load %arg35[%get3A_803, %get3A_804] {strides = array<i32>} : memref<32x256xf32, #tpu.memory_space<vmem>>, vector<1x16xf32>,
        %get3A_806 = vector.shape_cast %get3A_805 : vector<1x16xf32> to vector<16xf32>
        %get3A_807 = arith.index_cast %scan3A_386 : i32 to index
        %get3A_808 = arith.constant 208 : index
        %get3A_809 = tpu.vector_load %arg29[%get3A_807, %get3A_808] {strides = array<i32>} : memref<32x256xf32, #tpu.memory_space<vmem>>, vector<1x16xf32>,
        %get3A_810 = vector.shape_cast %get3A_809 : vector<1x16xf32> to vector<16xf32>
        %mul3A_811 = arith.mulf %gather3A_426, %get3A_810 : vector<16xf32>
        %add3A_812 = arith.addf %get3A_806, %mul3A_811 : vector<16xf32>
        %get3A_813 = arith.index_cast %scan3A_386 : i32 to index
        %get3A_814 = arith.constant 208 : index
        %get3A_815 = tpu.vector_load %arg30[%get3A_813, %get3A_814] {strides = array<i32>} : memref<32x256xf32, #tpu.memory_space<vmem>>, vector<1x16xf32>,
        %get3A_816 = vector.shape_cast %get3A_815 : vector<1x16xf32> to vector<16xf32>
        %mul3A_817 = arith.mulf %gather3A_439, %get3A_816 : vector<16xf32>
        %add3A_818 = arith.addf %add3A_812, %mul3A_817 : vector<16xf32>
        %get3A_819 = arith.index_cast %scan3A_386 : i32 to index
        %get3A_820 = arith.constant 208 : index
        %get3A_821 = tpu.vector_load %arg31[%get3A_819, %get3A_820] {strides = array<i32>} : memref<32x256xf32, #tpu.memory_space<vmem>>, vector<1x16xf32>,
        %get3A_822 = vector.shape_cast %get3A_821 : vector<1x16xf32> to vector<16xf32>
        %mul3A_823 = arith.mulf %gather3A_452, %get3A_822 : vector<16xf32>
        %add3A_824 = arith.addf %add3A_818, %mul3A_823 : vector<16xf32>
        %swap3A_825 = arith.index_cast %scan3A_386 : i32 to index
        %swap3A_826 = arith.constant 208 : index
        %swap3A_827 = tpu.vector_load %arg36[%swap3A_825, %swap3A_826] {strides = array<i32>} : memref<32x256xf32, #tpu.memory_space<vmem>>, vector<1x16xf32>,
        %swap3A_828 = vector.shape_cast %swap3A_827 : vector<1x16xf32> to vector<16xf32>
        %swap3A_829 = vector.shape_cast %add3A_824 : vector<16xf32> to vector<1x16xf32>
        tpu.vector_store %arg36[%swap3A_825, %swap3A_826], %swap3A_829 {strides = array<i32>} : memref<32x256xf32, #tpu.memory_space<vmem>>, vector<1x16xf32>,
        %get3A_830 = arith.index_cast %scan3A_386 : i32 to index
        %get3A_831 = arith.constant 224 : index
        %get3A_832 = tpu.vector_load %arg35[%get3A_830, %get3A_831] {strides = array<i32>} : memref<32x256xf32, #tpu.memory_space<vmem>>, vector<1x16xf32>,
        %get3A_833 = vector.shape_cast %get3A_832 : vector<1x16xf32> to vector<16xf32>
        %get3A_834 = arith.index_cast %scan3A_386 : i32 to index
        %get3A_835 = arith.constant 224 : index
        %get3A_836 = tpu.vector_load %arg29[%get3A_834, %get3A_835] {strides = array<i32>} : memref<32x256xf32, #tpu.memory_space<vmem>>, vector<1x16xf32>,
        %get3A_837 = vector.shape_cast %get3A_836 : vector<1x16xf32> to vector<16xf32>
        %mul3A_838 = arith.mulf %gather3A_426, %get3A_837 : vector<16xf32>
        %add3A_839 = arith.addf %get3A_833, %mul3A_838 : vector<16xf32>
        %get3A_840 = arith.index_cast %scan3A_386 : i32 to index
        %get3A_841 = arith.constant 224 : index
        %get3A_842 = tpu.vector_load %arg30[%get3A_840, %get3A_841] {strides = array<i32>} : memref<32x256xf32, #tpu.memory_space<vmem>>, vector<1x16xf32>,
        %get3A_843 = vector.shape_cast %get3A_842 : vector<1x16xf32> to vector<16xf32>
        %mul3A_844 = arith.mulf %gather3A_439, %get3A_843 : vector<16xf32>
        %add3A_845 = arith.addf %add3A_839, %mul3A_844 : vector<16xf32>
        %get3A_846 = arith.index_cast %scan3A_386 : i32 to index
        %get3A_847 = arith.constant 224 : index
        %get3A_848 = tpu.vector_load %arg31[%get3A_846, %get3A_847] {strides = array<i32>} : memref<32x256xf32, #tpu.memory_space<vmem>>, vector<1x16xf32>,
        %get3A_849 = vector.shape_cast %get3A_848 : vector<1x16xf32> to vector<16xf32>
        %mul3A_850 = arith.mulf %gather3A_452, %get3A_849 : vector<16xf32>
        %add3A_851 = arith.addf %add3A_845, %mul3A_850 : vector<16xf32>
        %swap3A_852 = arith.index_cast %scan3A_386 : i32 to index
        %swap3A_853 = arith.constant 224 : index
        %swap3A_854 = tpu.vector_load %arg36[%swap3A_852, %swap3A_853] {strides = array<i32>} : memref<32x256xf32, #tpu.memory_space<vmem>>, vector<1x16xf32>,
        %swap3A_855 = vector.shape_cast %swap3A_854 : vector<1x16xf32> to vector<16xf32>
        %swap3A_856 = vector.shape_cast %add3A_851 : vector<16xf32> to vector<1x16xf32>
        tpu.vector_store %arg36[%swap3A_852, %swap3A_853], %swap3A_856 {strides = array<i32>} : memref<32x256xf32, #tpu.memory_space<vmem>>, vector<1x16xf32>,
        %get3A_857 = arith.index_cast %scan3A_386 : i32 to index
        %get3A_858 = arith.constant 240 : index
        %get3A_859 = tpu.vector_load %arg35[%get3A_857, %get3A_858] {strides = array<i32>} : memref<32x256xf32, #tpu.memory_space<vmem>>, vector<1x16xf32>,
        %get3A_860 = vector.shape_cast %get3A_859 : vector<1x16xf32> to vector<16xf32>
        %get3A_861 = arith.index_cast %scan3A_386 : i32 to index
        %get3A_862 = arith.constant 240 : index
        %get3A_863 = tpu.vector_load %arg29[%get3A_861, %get3A_862] {strides = array<i32>} : memref<32x256xf32, #tpu.memory_space<vmem>>, vector<1x16xf32>,
        %get3A_864 = vector.shape_cast %get3A_863 : vector<1x16xf32> to vector<16xf32>
        %mul3A_865 = arith.mulf %gather3A_426, %get3A_864 : vector<16xf32>
        %add3A_866 = arith.addf %get3A_860, %mul3A_865 : vector<16xf32>
        %get3A_867 = arith.index_cast %scan3A_386 : i32 to index
        %get3A_868 = arith.constant 240 : index
        %get3A_869 = tpu.vector_load %arg30[%get3A_867, %get3A_868] {strides = array<i32>} : memref<32x256xf32, #tpu.memory_space<vmem>>, vector<1x16xf32>,
        %get3A_870 = vector.shape_cast %get3A_869 : vector<1x16xf32> to vector<16xf32>
        %mul3A_871 = arith.mulf %gather3A_439, %get3A_870 : vector<16xf32>
        %add3A_872 = arith.addf %add3A_866, %mul3A_871 : vector<16xf32>
        %get3A_873 = arith.index_cast %scan3A_386 : i32 to index
        %get3A_874 = arith.constant 240 : index
        %get3A_875 = tpu.vector_load %arg31[%get3A_873, %get3A_874] {strides = array<i32>} : memref<32x256xf32, #tpu.memory_space<vmem>>, vector<1x16xf32>,
        %get3A_876 = vector.shape_cast %get3A_875 : vector<1x16xf32> to vector<16xf32>
        %mul3A_877 = arith.mulf %gather3A_452, %get3A_876 : vector<16xf32>
        %add3A_878 = arith.addf %add3A_872, %mul3A_877 : vector<16xf32>
        %swap3A_879 = arith.index_cast %scan3A_386 : i32 to index
        %swap3A_880 = arith.constant 240 : index
        %swap3A_881 = tpu.vector_load %arg36[%swap3A_879, %swap3A_880] {strides = array<i32>} : memref<32x256xf32, #tpu.memory_space<vmem>>, vector<1x16xf32>,
        %swap3A_882 = vector.shape_cast %swap3A_881 : vector<1x16xf32> to vector<16xf32>
        %swap3A_883 = vector.shape_cast %add3A_878 : vector<16xf32> to vector<1x16xf32>
        tpu.vector_store %arg36[%swap3A_879, %swap3A_880], %swap3A_883 {strides = array<i32>} : memref<32x256xf32, #tpu.memory_space<vmem>>, vector<1x16xf32>,
      }
      %scan3A_376 = arith.constant 32 : i32
      %dma_start3A_377 = arith.constant 0 : i32
      %dma_start3A_378 = tpu.memref_slice %arg9[%multiple_of3A_285, %dma_start3A_377] : memref<32768x256xf32, #tpu.memory_space<hbm>> -> memref<32x256xf32, #tpu.memory_space<hbm>>
      %dma_start3A_379 = arith.constant 0 : i32
      %dma_start3A_380 = tpu.memref_slice %arg9[%multiple_of3A_285, %dma_start3A_379] : memref<32768x256xf32, #tpu.memory_space<hbm>> -> memref<32x256xf32, #tpu.memory_space<hbm>>
      tpu.enqueue_dma source(%arg36 : memref<32x256xf32, #tpu.memory_space<vmem>>) target(%dma_start3A_380 : memref<32x256xf32, #tpu.memory_space<hbm>>) target_semaphore(%arg41 : memref<!tpu.dma_semaphore, #tpu.memory_space<semaphore_mem>>)
      %lt3A_381 = arith.constant 32 : i32
      %lt3A_382 = arith.cmpi slt, %add3A_281, %lt3A_381 : i32
      %convert_element_type3A_383 = arith.extui %lt3A_382 : i1 to i32
      %cond3A_384 = arith.constant 0 : i32
      %cond3A_385 = arith.cmpi ne, %convert_element_type3A_383, %cond3A_384 : i32
      scf.if %cond3A_385 {
        %mul3A_386 = arith.constant 32 : i32
        %mul3A_387 = arith.muli %add3A_281, %mul3A_386 : i32
        %add3A_388 = arith.addi %mul3A_2, %mul3A_387 : i32
        %multiple_of3A_389 = tpu.assume_multiple %add3A_388, 8 : i32
        %dma_start3A_390 = tpu.memref_slice %arg3[%multiple_of3A_389] : memref<32768xi32, #tpu.memory_space<hbm>> -> memref<32xi32, #tpu.memory_space<hbm>>
        %dma_start3A_391 = tpu.memref_slice %arg3[%multiple_of3A_389] : memref<32768xi32, #tpu.memory_space<hbm>> -> memref<32xi32, #tpu.memory_space<hbm>>
        tpu.enqueue_dma source(%dma_start3A_391 : memref<32xi32, #tpu.memory_space<hbm>>) target(%arg26 : memref<32xi32, #tpu.memory_space<vmem>>) target_semaphore(%arg37 : memref<!tpu.dma_semaphore, #tpu.memory_space<semaphore_mem>>)
        %dma_start3A_392 = tpu.memref_slice %arg4[%multiple_of3A_389] : memref<32768xi32, #tpu.memory_space<hbm>> -> memref<32xi32, #tpu.memory_space<hbm>>
        %dma_start3A_393 = tpu.memref_slice %arg4[%multiple_of3A_389] : memref<32768xi32, #tpu.memory_space<hbm>> -> memref<32xi32, #tpu.memory_space<hbm>>
        tpu.enqueue_dma source(%dma_start3A_393 : memref<32xi32, #tpu.memory_space<hbm>>) target(%arg27 : memref<32xi32, #tpu.memory_space<vmem>>) target_semaphore(%arg37 : memref<!tpu.dma_semaphore, #tpu.memory_space<semaphore_mem>>)
        %dma_start3A_394 = tpu.memref_slice %arg5[%multiple_of3A_389] : memref<32768xi32, #tpu.memory_space<hbm>> -> memref<32xi32, #tpu.memory_space<hbm>>
        %dma_start3A_395 = tpu.memref_slice %arg5[%multiple_of3A_389] : memref<32768xi32, #tpu.memory_space<hbm>> -> memref<32xi32, #tpu.memory_space<hbm>>
        tpu.enqueue_dma source(%dma_start3A_395 : memref<32xi32, #tpu.memory_space<hbm>>) target(%arg28 : memref<32xi32, #tpu.memory_space<vmem>>) target_semaphore(%arg37 : memref<!tpu.dma_semaphore, #tpu.memory_space<semaphore_mem>>)
        %mul3A_396 = arith.constant 32 : i32
        %mul3A_397 = arith.muli %add3A_281, %mul3A_396 : i32
        %add3A_398 = arith.addi %mul3A_2, %mul3A_397 : i32
        %jit3A_399 = arith.constant 4096 : i32
        %div3A_400 = arith.divsi %add3A_398, %jit3A_399 : i32
        %sign3A_401 = arith.constant 0 : i32
        %sign3A_402 = arith.cmpi sgt, %add3A_398, %sign3A_401 : i32
        %sign3A_403 = arith.extui %sign3A_402 : i1 to i32
        %sign3A_404 = arith.constant 0 : i32
        %sign3A_405 = arith.cmpi slt, %add3A_398, %sign3A_404 : i32
        %sign3A_406 = arith.extui %sign3A_405 : i1 to i32
        %sign3A_407 = arith.subi %sign3A_403, %sign3A_406 : i32
        %sign3A_408 = arith.constant 0 : i32
        %sign3A_409 = arith.cmpi sgt, %jit3A_399, %sign3A_408 : i32
        %sign3A_410 = arith.extui %sign3A_409 : i1 to i32
        %sign3A_411 = arith.constant 0 : i32
        %sign3A_412 = arith.cmpi slt, %jit3A_399, %sign3A_411 : i32
        %sign3A_413 = arith.extui %sign3A_412 : i1 to i32
        %sign3A_414 = arith.subi %sign3A_410, %sign3A_413 : i32
        %ne3A_415 = arith.cmpi ne, %sign3A_407, %sign3A_414 : i32
        %rem3A_416 = arith.remsi %add3A_398, %jit3A_399 : i32
        %ne3A_417 = arith.constant 0 : i32
        %ne3A_418 = arith.cmpi ne, %rem3A_416, %ne3A_417 : i32
        %and3A_419 = arith.andi %ne3A_415, %ne3A_418 : i1
        %sub3A_420 = arith.constant 1 : i32
        %sub3A_421 = arith.subi %div3A_400, %sub3A_420 : i32
        %select_n3A_422 = arith.select %and3A_419, %sub3A_421, %div3A_400 : i32
        %mul3A_423 = arith.constant 4096 : i32
        %mul3A_424 = arith.muli %select_n3A_422, %mul3A_423 : i32
        %sub3A_425 = arith.subi %add3A_398, %mul3A_424 : i32
        %mul3A_426 = arith.constant 8 : i32
        %mul3A_427 = arith.muli %select_n3A_422, %mul3A_426 : i32
        %add3A_428 = arith.constant 0 : i32
        %add3A_429 = arith.addi %mul3A_427, %add3A_428 : i32
        %mul3A_430 = arith.constant 4096 : i32
        %mul3A_431 = arith.muli %add3A_429, %mul3A_430 : i32
        %add3A_432 = arith.addi %mul3A_431, %sub3A_425 : i32
        %multiple_of3A_433 = tpu.assume_multiple %add3A_432, 8 : i32
        %mul3A_434 = arith.constant 8 : i32
        %mul3A_435 = arith.muli %select_n3A_422, %mul3A_434 : i32
        %add3A_436 = arith.constant 1 : i32
        %add3A_437 = arith.addi %mul3A_435, %add3A_436 : i32
        %mul3A_438 = arith.constant 4096 : i32
        %mul3A_439 = arith.muli %add3A_437, %mul3A_438 : i32
        %add3A_440 = arith.addi %mul3A_439, %sub3A_425 : i32
        %multiple_of3A_441 = tpu.assume_multiple %add3A_440, 8 : i32
        %mul3A_442 = arith.constant 8 : i32
        %mul3A_443 = arith.muli %select_n3A_422, %mul3A_442 : i32
        %add3A_444 = arith.constant 2 : i32
        %add3A_445 = arith.addi %mul3A_443, %add3A_444 : i32
        %mul3A_446 = arith.constant 4096 : i32
        %mul3A_447 = arith.muli %add3A_445, %mul3A_446 : i32
        %add3A_448 = arith.addi %mul3A_447, %sub3A_425 : i32
        %multiple_of3A_449 = tpu.assume_multiple %add3A_448, 8 : i32
        %dma_start3A_450 = tpu.memref_slice %arg6[%multiple_of3A_433] : memref<262144xf32, #tpu.memory_space<hbm>> -> memref<32xf32, #tpu.memory_space<hbm>>
        %dma_start3A_451 = tpu.memref_slice %arg6[%multiple_of3A_433] : memref<262144xf32, #tpu.memory_space<hbm>> -> memref<32xf32, #tpu.memory_space<hbm>>
        tpu.enqueue_dma source(%dma_start3A_451 : memref<32xf32, #tpu.memory_space<hbm>>) target(%arg32 : memref<32xf32, #tpu.memory_space<vmem>>) target_semaphore(%arg39 : memref<!tpu.dma_semaphore, #tpu.memory_space<semaphore_mem>>)
        %dma_start3A_452 = tpu.memref_slice %arg6[%multiple_of3A_441] : memref<262144xf32, #tpu.memory_space<hbm>> -> memref<32xf32, #tpu.memory_space<hbm>>
        %dma_start3A_453 = tpu.memref_slice %arg6[%multiple_of3A_441] : memref<262144xf32, #tpu.memory_space<hbm>> -> memref<32xf32, #tpu.memory_space<hbm>>
        tpu.enqueue_dma source(%dma_start3A_453 : memref<32xf32, #tpu.memory_space<hbm>>) target(%arg33 : memref<32xf32, #tpu.memory_space<vmem>>) target_semaphore(%arg39 : memref<!tpu.dma_semaphore, #tpu.memory_space<semaphore_mem>>)
        %dma_start3A_454 = tpu.memref_slice %arg6[%multiple_of3A_449] : memref<262144xf32, #tpu.memory_space<hbm>> -> memref<32xf32, #tpu.memory_space<hbm>>
        %dma_start3A_455 = tpu.memref_slice %arg6[%multiple_of3A_449] : memref<262144xf32, #tpu.memory_space<hbm>> -> memref<32xf32, #tpu.memory_space<hbm>>
        tpu.enqueue_dma source(%dma_start3A_455 : memref<32xf32, #tpu.memory_space<hbm>>) target(%arg34 : memref<32xf32, #tpu.memory_space<vmem>>) target_semaphore(%arg39 : memref<!tpu.dma_semaphore, #tpu.memory_space<semaphore_mem>>)
        %dma_start3A_456 = arith.constant 0 : i32
        %dma_start3A_457 = tpu.memref_slice %arg7[%multiple_of3A_389, %dma_start3A_456] : memref<32768x256xf32, #tpu.memory_space<hbm>> -> memref<32x256xf32, #tpu.memory_space<hbm>>
        %dma_start3A_458 = arith.constant 0 : i32
        %dma_start3A_459 = tpu.memref_slice %arg7[%multiple_of3A_389, %dma_start3A_458] : memref<32768x256xf32, #tpu.memory_space<hbm>> -> memref<32x256xf32, #tpu.memory_space<hbm>>
        tpu.enqueue_dma source(%dma_start3A_459 : memref<32x256xf32, #tpu.memory_space<hbm>>) target(%arg35 : memref<32x256xf32, #tpu.memory_space<vmem>>) target_semaphore(%arg40 : memref<!tpu.dma_semaphore, #tpu.memory_space<semaphore_mem>>)
      } else {
      }
    }
    %scan3A_158 = arith.constant 16 : i32
    %add3A_159 = arith.constant 960 : i32
    %add3A_160 = arith.addi %mul3A_2, %add3A_159 : i32
    %multiple_of3A_161 = tpu.assume_multiple %add3A_160, 8 : i32
    %dma_wait3A_162 = arith.constant 0 : i32
    %dma_wait3A_163 = tpu.memref_slice %arg9[%multiple_of3A_161, %dma_wait3A_162] : memref<32768x256xf32, #tpu.memory_space<hbm>> -> memref<32x256xf32, #tpu.memory_space<hbm>>
    %dma_wait3A_164 = arith.constant 0 : i32
    %dma_wait3A_165 = tpu.memref_slice %arg9[%multiple_of3A_161, %dma_wait3A_164] : memref<32768x256xf32, #tpu.memory_space<hbm>> -> memref<32x256xf32, #tpu.memory_space<hbm>>
    tpu.wait_dma2 semaphore(%arg25 : memref<!tpu.dma_semaphore, #tpu.memory_space<semaphore_mem>>) src(%arg20 : memref<32x256xf32, #tpu.memory_space<vmem>>) dst(%dma_wait3A_165 : memref<32x256xf32, #tpu.memory_space<hbm>>)
    %add3A_166 = arith.constant 992 : i32
    %add3A_167 = arith.addi %mul3A_2, %add3A_166 : i32
    %multiple_of3A_168 = tpu.assume_multiple %add3A_167, 8 : i32
    %dma_wait3A_169 = arith.constant 0 : i32
    %dma_wait3A_170 = tpu.memref_slice %arg9[%multiple_of3A_168, %dma_wait3A_169] : memref<32768x256xf32, #tpu.memory_space<hbm>> -> memref<32x256xf32, #tpu.memory_space<hbm>>
    %dma_wait3A_171 = arith.constant 0 : i32
    %dma_wait3A_172 = tpu.memref_slice %arg9[%multiple_of3A_168, %dma_wait3A_171] : memref<32768x256xf32, #tpu.memory_space<hbm>> -> memref<32x256xf32, #tpu.memory_space<hbm>>
    tpu.wait_dma2 semaphore(%arg41 : memref<!tpu.dma_semaphore, #tpu.memory_space<semaphore_mem>>) src(%arg36 : memref<32x256xf32, #tpu.memory_space<vmem>>) dst(%dma_wait3A_172 : memref<32x256xf32, #tpu.memory_space<hbm>>)
    return
  }
}

module attributes {stable_mosaic.version = 14 : i64} {
  func.func @_mm_stats_body(%arg0: i32, %arg1: memref<1x1024x512xf32, #tpu.memory_space<vmem>>, %arg2: memref<1x4096x256xf32, #tpu.memory_space<vmem>>, %arg3: memref<512x256xf32, #tpu.memory_space<vmem>>, %arg4: memref<256x256xf32, #tpu.memory_space<vmem>>, %arg5: memref<1x1024x256xf32, #tpu.memory_space<vmem>>, %arg6: memref<1x4096x256xf32, #tpu.memory_space<vmem>>, %arg7: memref<1x256xf32, #tpu.memory_space<vmem>>, %arg8: memref<1x256xf32, #tpu.memory_space<vmem>>, %arg9: memref<1x256xf32, #tpu.memory_space<vmem>>, %arg10: memref<1x256xf32, #tpu.memory_space<vmem>>) attributes {dimension_semantics = [#tpu.dimension_semantics<arbitrary>], iteration_bounds = array<i64: 8>, scalar_prefetch = 0 : i64, scratch_operands = 0 : i64, tpu.core_type = #tpu.core_type<tc>, window_params = [{transform_indices = @transform_0, window_bounds = array<i64: 1, 1024, 512>}, {transform_indices = @transform_1, window_bounds = array<i64: 1, 4096, 256>}, {pipeline_mode = #tpu.pipeline_mode<synchronous>, transform_indices = @transform_2, window_bounds = array<i64: 512, 256>}, {pipeline_mode = #tpu.pipeline_mode<synchronous>, transform_indices = @transform_3, window_bounds = array<i64: 256, 256>}, {transform_indices = @transform_4, window_bounds = array<i64: 1, 1024, 256>}, {transform_indices = @transform_5, window_bounds = array<i64: 1, 4096, 256>}, {pipeline_mode = #tpu.pipeline_mode<synchronous>, transform_indices = @transform_6, window_bounds = array<i64: 1, 256>}, {pipeline_mode = #tpu.pipeline_mode<synchronous>, transform_indices = @transform_7, window_bounds = array<i64: 1, 256>}, {pipeline_mode = #tpu.pipeline_mode<synchronous>, transform_indices = @transform_8, window_bounds = array<i64: 1, 256>}, {pipeline_mode = #tpu.pipeline_mode<synchronous>, transform_indices = @transform_9, window_bounds = array<i64: 1, 256>}]} {
    %get3A = arith.constant 0 : index
    %get3A_0 = arith.constant 0 : index
    %get3A_1 = arith.constant 0 : index
    %get3A_2 = vector.load %arg1[%get3A, %get3A_0, %get3A_1] : memref<1x1024x512xf32, #tpu.memory_space<vmem>>, vector<1x1024x512xf32>
    %get3A_3 = vector.shape_cast %get3A_2 : vector<1x1024x512xf32> to vector<1024x512xf32>
    %get3A_4 = arith.constant 0 : index
    %get3A_5 = arith.constant 0 : index
    %get3A_6 = vector.load %arg3[%get3A_4, %get3A_5] : memref<512x256xf32, #tpu.memory_space<vmem>>, vector<512x256xf32>
    %dot_general3A = arith.constant dense<0.000000e+00> : vector<1024x256xf32>
    %dot_general3A_7 = tpu.matmul %get3A_3, %get3A_6, %dot_general3A {dimension_numbers = #tpu.dot_dimension_numbers<[1], [0], [0], [1], [0, 0, 1, 1], [], []>, transpose_lhs_hint = false} : vector<1024x512xf32>, vector<512x256xf32>, vector<1024x256xf32> -> vector<1024x256xf32>
    %get3A_8 = arith.constant 0 : index
    %get3A_9 = arith.constant 0 : index
    %get3A_10 = arith.constant 0 : index
    %get3A_11 = vector.load %arg2[%get3A_8, %get3A_9, %get3A_10] : memref<1x4096x256xf32, #tpu.memory_space<vmem>>, vector<1x4096x256xf32>
    %get3A_12 = vector.shape_cast %get3A_11 : vector<1x4096x256xf32> to vector<4096x256xf32>
    %get3A_13 = arith.constant 0 : index
    %get3A_14 = arith.constant 0 : index
    %get3A_15 = vector.load %arg4[%get3A_13, %get3A_14] : memref<256x256xf32, #tpu.memory_space<vmem>>, vector<256x256xf32>
    %dot_general3A_16 = arith.constant dense<0.000000e+00> : vector<4096x256xf32>
    %dot_general3A_17 = tpu.matmul %get3A_12, %get3A_15, %dot_general3A_16 {dimension_numbers = #tpu.dot_dimension_numbers<[1], [0], [0], [1], [0, 0, 1, 1], [], []>, transpose_lhs_hint = false} : vector<4096x256xf32>, vector<256x256xf32>, vector<4096x256xf32> -> vector<4096x256xf32>
    %swap3A = arith.constant 0 : index
    %swap3A_18 = arith.constant 0 : index
    %swap3A_19 = arith.constant 0 : index
    %swap3A_20 = vector.load %arg5[%swap3A, %swap3A_18, %swap3A_19] : memref<1x1024x256xf32, #tpu.memory_space<vmem>>, vector<1x1024x256xf32>
    %swap3A_21 = vector.shape_cast %swap3A_20 : vector<1x1024x256xf32> to vector<1024x256xf32>
    %swap3A_22 = vector.shape_cast %dot_general3A_7 : vector<1024x256xf32> to vector<1x1024x256xf32>
    tpu.vector_store %arg5[%swap3A, %swap3A_18, %swap3A_19], %swap3A_22 {strides = array<i32>} : memref<1x1024x256xf32, #tpu.memory_space<vmem>>, vector<1x1024x256xf32>,
    %swap3A_23 = arith.constant 0 : index
    %swap3A_24 = arith.constant 0 : index
    %swap3A_25 = arith.constant 0 : index
    %swap3A_26 = vector.load %arg6[%swap3A_23, %swap3A_24, %swap3A_25] : memref<1x4096x256xf32, #tpu.memory_space<vmem>>, vector<1x4096x256xf32>
    %swap3A_27 = vector.shape_cast %swap3A_26 : vector<1x4096x256xf32> to vector<4096x256xf32>
    %swap3A_28 = vector.shape_cast %dot_general3A_17 : vector<4096x256xf32> to vector<1x4096x256xf32>
    tpu.vector_store %arg6[%swap3A_23, %swap3A_24, %swap3A_25], %swap3A_28 {strides = array<i32>} : memref<1x4096x256xf32, #tpu.memory_space<vmem>>, vector<1x4096x256xf32>,
    %reduce_sum3A = arith.constant dense<0.000000e+00> : vector<256xf32>
    %reduce_sum3A_29 = vector.multi_reduction <add>, %dot_general3A_7, %reduce_sum3A [0] : vector<1024x256xf32> to vector<256xf32>
    %broadcast_in_dim3A = vector.shape_cast %reduce_sum3A_29 : vector<256xf32> to vector<1x256xf32>
    %mul3A = arith.mulf %dot_general3A_7, %dot_general3A_7 : vector<1024x256xf32>
    %reduce_sum3A_30 = arith.constant dense<0.000000e+00> : vector<256xf32>
    %reduce_sum3A_31 = vector.multi_reduction <add>, %mul3A, %reduce_sum3A_30 [0] : vector<1024x256xf32> to vector<256xf32>
    %broadcast_in_dim3A_32 = vector.shape_cast %reduce_sum3A_31 : vector<256xf32> to vector<1x256xf32>
    %reduce_sum3A_33 = arith.constant dense<0.000000e+00> : vector<256xf32>
    %reduce_sum3A_34 = vector.multi_reduction <add>, %dot_general3A_17, %reduce_sum3A_33 [0] : vector<4096x256xf32> to vector<256xf32>
    %broadcast_in_dim3A_35 = vector.shape_cast %reduce_sum3A_34 : vector<256xf32> to vector<1x256xf32>
    %mul3A_36 = arith.mulf %dot_general3A_17, %dot_general3A_17 : vector<4096x256xf32>
    %reduce_sum3A_37 = arith.constant dense<0.000000e+00> : vector<256xf32>
    %reduce_sum3A_38 = vector.multi_reduction <add>, %mul3A_36, %reduce_sum3A_37 [0] : vector<4096x256xf32> to vector<256xf32>
    %broadcast_in_dim3A_39 = vector.shape_cast %reduce_sum3A_38 : vector<256xf32> to vector<1x256xf32>
    %eq3A = arith.constant 0 : i32
    %eq3A_40 = arith.cmpi eq, %arg0, %eq3A : i32
    %convert_element_type3A = arith.extui %eq3A_40 : i1 to i32
    %cond3A = arith.constant 0 : i32
    %cond3A_41 = arith.cmpi ne, %convert_element_type3A, %cond3A : i32
    scf.if %cond3A_41 {
      %swap3A_46 = arith.constant 0 : index
      %swap3A_47 = arith.constant 0 : index
      %swap3A_48 = vector.load %arg7[%swap3A_46, %swap3A_47] : memref<1x256xf32, #tpu.memory_space<vmem>>, vector<1x256xf32>
      tpu.vector_store %arg7[%swap3A_46, %swap3A_47], %broadcast_in_dim3A {strides = array<i32>} : memref<1x256xf32, #tpu.memory_space<vmem>>, vector<1x256xf32>,
      %swap3A_49 = arith.constant 0 : index
      %swap3A_50 = arith.constant 0 : index
      %swap3A_51 = vector.load %arg8[%swap3A_49, %swap3A_50] : memref<1x256xf32, #tpu.memory_space<vmem>>, vector<1x256xf32>
      tpu.vector_store %arg8[%swap3A_49, %swap3A_50], %broadcast_in_dim3A_32 {strides = array<i32>} : memref<1x256xf32, #tpu.memory_space<vmem>>, vector<1x256xf32>,
      %swap3A_52 = arith.constant 0 : index
      %swap3A_53 = arith.constant 0 : index
      %swap3A_54 = vector.load %arg9[%swap3A_52, %swap3A_53] : memref<1x256xf32, #tpu.memory_space<vmem>>, vector<1x256xf32>
      tpu.vector_store %arg9[%swap3A_52, %swap3A_53], %broadcast_in_dim3A_35 {strides = array<i32>} : memref<1x256xf32, #tpu.memory_space<vmem>>, vector<1x256xf32>,
      %swap3A_55 = arith.constant 0 : index
      %swap3A_56 = arith.constant 0 : index
      %swap3A_57 = vector.load %arg10[%swap3A_55, %swap3A_56] : memref<1x256xf32, #tpu.memory_space<vmem>>, vector<1x256xf32>
      tpu.vector_store %arg10[%swap3A_55, %swap3A_56], %broadcast_in_dim3A_39 {strides = array<i32>} : memref<1x256xf32, #tpu.memory_space<vmem>>, vector<1x256xf32>,
    } else {
    }
    %ne3A = arith.constant 0 : i32
    %ne3A_42 = arith.cmpi ne, %arg0, %ne3A : i32
    %convert_element_type3A_43 = arith.extui %ne3A_42 : i1 to i32
    %cond3A_44 = arith.constant 0 : i32
    %cond3A_45 = arith.cmpi ne, %convert_element_type3A_43, %cond3A_44 : i32
    scf.if %cond3A_45 {
      %get3A_46 = arith.constant 0 : index
      %get3A_47 = arith.constant 0 : index
      %get3A_48 = vector.load %arg7[%get3A_46, %get3A_47] : memref<1x256xf32, #tpu.memory_space<vmem>>, vector<1x256xf32>
      %add3A = arith.addf %get3A_48, %broadcast_in_dim3A : vector<1x256xf32>
      %swap3A_49 = arith.constant 0 : index
      %swap3A_50 = arith.constant 0 : index
      %swap3A_51 = vector.load %arg7[%swap3A_49, %swap3A_50] : memref<1x256xf32, #tpu.memory_space<vmem>>, vector<1x256xf32>
      tpu.vector_store %arg7[%swap3A_49, %swap3A_50], %add3A {strides = array<i32>} : memref<1x256xf32, #tpu.memory_space<vmem>>, vector<1x256xf32>,
      %get3A_52 = arith.constant 0 : index
      %get3A_53 = arith.constant 0 : index
      %get3A_54 = vector.load %arg8[%get3A_52, %get3A_53] : memref<1x256xf32, #tpu.memory_space<vmem>>, vector<1x256xf32>
      %add3A_55 = arith.addf %get3A_54, %broadcast_in_dim3A_32 : vector<1x256xf32>
      %swap3A_56 = arith.constant 0 : index
      %swap3A_57 = arith.constant 0 : index
      %swap3A_58 = vector.load %arg8[%swap3A_56, %swap3A_57] : memref<1x256xf32, #tpu.memory_space<vmem>>, vector<1x256xf32>
      tpu.vector_store %arg8[%swap3A_56, %swap3A_57], %add3A_55 {strides = array<i32>} : memref<1x256xf32, #tpu.memory_space<vmem>>, vector<1x256xf32>,
      %get3A_59 = arith.constant 0 : index
      %get3A_60 = arith.constant 0 : index
      %get3A_61 = vector.load %arg9[%get3A_59, %get3A_60] : memref<1x256xf32, #tpu.memory_space<vmem>>, vector<1x256xf32>
      %add3A_62 = arith.addf %get3A_61, %broadcast_in_dim3A_35 : vector<1x256xf32>
      %swap3A_63 = arith.constant 0 : index
      %swap3A_64 = arith.constant 0 : index
      %swap3A_65 = vector.load %arg9[%swap3A_63, %swap3A_64] : memref<1x256xf32, #tpu.memory_space<vmem>>, vector<1x256xf32>
      tpu.vector_store %arg9[%swap3A_63, %swap3A_64], %add3A_62 {strides = array<i32>} : memref<1x256xf32, #tpu.memory_space<vmem>>, vector<1x256xf32>,
      %get3A_66 = arith.constant 0 : index
      %get3A_67 = arith.constant 0 : index
      %get3A_68 = vector.load %arg10[%get3A_66, %get3A_67] : memref<1x256xf32, #tpu.memory_space<vmem>>, vector<1x256xf32>
      %add3A_69 = arith.addf %get3A_68, %broadcast_in_dim3A_39 : vector<1x256xf32>
      %swap3A_70 = arith.constant 0 : index
      %swap3A_71 = arith.constant 0 : index
      %swap3A_72 = vector.load %arg10[%swap3A_70, %swap3A_71] : memref<1x256xf32, #tpu.memory_space<vmem>>, vector<1x256xf32>
      tpu.vector_store %arg10[%swap3A_70, %swap3A_71], %add3A_69 {strides = array<i32>} : memref<1x256xf32, #tpu.memory_space<vmem>>, vector<1x256xf32>,
    } else {
    }
    return
  }
  func.func @transform_0(%arg0: i32) -> (i32, i32, i32) {
    %c0_i32 = arith.constant 0 : i32
    %c0_i32_0 = arith.constant 0 : i32
    %c0_i32_1 = arith.constant 0 : i32
    return %arg0, %c0_i32, %c0_i32_0 : i32, i32, i32
  }
  func.func @transform_1(%arg0: i32) -> (i32, i32, i32) {
    %c0_i32 = arith.constant 0 : i32
    %c0_i32_0 = arith.constant 0 : i32
    %c0_i32_1 = arith.constant 0 : i32
    return %arg0, %c0_i32, %c0_i32_0 : i32, i32, i32
  }
  func.func @transform_2(%arg0: i32) -> (i32, i32) {
    %c0_i32 = arith.constant 0 : i32
    %c0_i32_0 = arith.constant 0 : i32
    %c0_i32_1 = arith.constant 0 : i32
    return %c0_i32, %c0_i32_0 : i32, i32
  }
  func.func @transform_3(%arg0: i32) -> (i32, i32) {
    %c0_i32 = arith.constant 0 : i32
    %c0_i32_0 = arith.constant 0 : i32
    %c0_i32_1 = arith.constant 0 : i32
    return %c0_i32, %c0_i32_0 : i32, i32
  }
  func.func @transform_4(%arg0: i32) -> (i32, i32, i32) {
    %c0_i32 = arith.constant 0 : i32
    %c0_i32_0 = arith.constant 0 : i32
    %c0_i32_1 = arith.constant 0 : i32
    return %arg0, %c0_i32, %c0_i32_0 : i32, i32, i32
  }
  func.func @transform_5(%arg0: i32) -> (i32, i32, i32) {
    %c0_i32 = arith.constant 0 : i32
    %c0_i32_0 = arith.constant 0 : i32
    %c0_i32_1 = arith.constant 0 : i32
    return %arg0, %c0_i32, %c0_i32_0 : i32, i32, i32
  }
  func.func @transform_6(%arg0: i32) -> (i32, i32) {
    %c0_i32 = arith.constant 0 : i32
    %c0_i32_0 = arith.constant 0 : i32
    %c0_i32_1 = arith.constant 0 : i32
    return %c0_i32, %c0_i32_0 : i32, i32
  }
  func.func @transform_7(%arg0: i32) -> (i32, i32) {
    %c0_i32 = arith.constant 0 : i32
    %c0_i32_0 = arith.constant 0 : i32
    %c0_i32_1 = arith.constant 0 : i32
    return %c0_i32, %c0_i32_0 : i32, i32
  }
  func.func @transform_8(%arg0: i32) -> (i32, i32) {
    %c0_i32 = arith.constant 0 : i32
    %c0_i32_0 = arith.constant 0 : i32
    %c0_i32_1 = arith.constant 0 : i32
    return %c0_i32, %c0_i32_0 : i32, i32
  }
  func.func @transform_9(%arg0: i32) -> (i32, i32) {
    %c0_i32 = arith.constant 0 : i32
    %c0_i32_0 = arith.constant 0 : i32
    %c0_i32_1 = arith.constant 0 : i32
    return %c0_i32, %c0_i32_0 : i32, i32
  }
}

module attributes {stable_mosaic.version = 14 : i64} {
  func.func @_nn_body(%arg0: i32, %arg1: i32, %arg2: memref<1x3x512xf32, #tpu.memory_space<vmem>>, %arg3: memref<1x1024x3xf32, #tpu.memory_space<vmem>>, %arg4: memref<1024x1xf32, #tpu.memory_space<vmem>>, %arg5: memref<1x512x256xf32, #tpu.memory_space<vmem>>, %arg6: memref<1x256xf32, #tpu.memory_space<vmem>>, %arg7: memref<1x256xf32, #tpu.memory_space<vmem>>, %arg8: memref<1x1x512xi32, #tpu.memory_space<vmem>>, %arg9: memref<1x1x512xi32, #tpu.memory_space<vmem>>, %arg10: memref<1x1x512xi32, #tpu.memory_space<vmem>>, %arg11: memref<1x8x512xf32, #tpu.memory_space<vmem>>, %arg12: memref<1x512x256xf32, #tpu.memory_space<vmem>>) attributes {dimension_semantics = [#tpu.dimension_semantics<arbitrary>, #tpu.dimension_semantics<arbitrary>], iteration_bounds = array<i64: 8, 8>, scalar_prefetch = 0 : i64, scratch_operands = 0 : i64, tpu.core_type = #tpu.core_type<tc>, window_params = [{transform_indices = @transform_0, window_bounds = array<i64: 1, 3, 512>}, {transform_indices = @transform_1, window_bounds = array<i64: 1, 1024, 3>}, {pipeline_mode = #tpu.pipeline_mode<synchronous>, transform_indices = @transform_2, window_bounds = array<i64: 1024, 1>}, {transform_indices = @transform_3, window_bounds = array<i64: 1, 512, 256>}, {pipeline_mode = #tpu.pipeline_mode<synchronous>, transform_indices = @transform_4, window_bounds = array<i64: 1, 256>}, {pipeline_mode = #tpu.pipeline_mode<synchronous>, transform_indices = @transform_5, window_bounds = array<i64: 1, 256>}, {transform_indices = @transform_6, window_bounds = array<i64: 1, 1, 512>}, {transform_indices = @transform_7, window_bounds = array<i64: 1, 1, 512>}, {transform_indices = @transform_8, window_bounds = array<i64: 1, 1, 512>}, {transform_indices = @transform_9, window_bounds = array<i64: 1, 8, 512>}, {transform_indices = @transform_10, window_bounds = array<i64: 1, 512, 256>}]} {
    %add3A = arith.constant 0 : i32
    %add3A_0 = arith.addi %arg0, %add3A : i32
    %get3A = arith.constant 0 : index
    %get3A_1 = arith.constant 0 : index
    %get3A_2 = arith.constant 0 : index
    %get3A_3 = vector.load %arg2[%get3A, %get3A_1, %get3A_2] : memref<1x3x512xf32, #tpu.memory_space<vmem>>, vector<1x3x512xf32>
    %get3A_4 = vector.shape_cast %get3A_3 : vector<1x3x512xf32> to vector<3x512xf32>
    %get3A_5 = arith.constant 0 : index
    %get3A_6 = arith.constant 0 : index
    %get3A_7 = arith.constant 0 : index
    %get3A_8 = vector.load %arg3[%get3A_5, %get3A_6, %get3A_7] : memref<1x1024x3xf32, #tpu.memory_space<vmem>>, vector<1x1024x3xf32>
    %get3A_9 = vector.shape_cast %get3A_8 : vector<1x1024x3xf32> to vector<1024x3xf32>
    %slice3A = vector.extract_strided_slice %get3A_9 {offsets = [0, 0], sizes = [1024, 1], strides = [1, 1]} : vector<1024x3xf32> to vector<1024x1xf32>
    %slice3A_10 = vector.extract_strided_slice %get3A_4 {offsets = [0, 0], sizes = [1, 512], strides = [1, 1]} : vector<3x512xf32> to vector<1x512xf32>
    %sub3A = vector.broadcast %slice3A : vector<1024x1xf32> to vector<1024x512xf32>
    %sub3A_11 = vector.broadcast %slice3A_10 : vector<1x512xf32> to vector<1024x512xf32>
    %sub3A_12 = arith.subf %sub3A, %sub3A_11 : vector<1024x512xf32>
    %integer_pow3A = arith.mulf %sub3A_12, %sub3A_12 : vector<1024x512xf32>
    %slice3A_13 = vector.extract_strided_slice %get3A_9 {offsets = [0, 1], sizes = [1024, 1], strides = [1, 1]} : vector<1024x3xf32> to vector<1024x1xf32>
    %slice3A_14 = vector.extract_strided_slice %get3A_4 {offsets = [1, 0], sizes = [1, 512], strides = [1, 1]} : vector<3x512xf32> to vector<1x512xf32>
    %sub3A_15 = vector.broadcast %slice3A_13 : vector<1024x1xf32> to vector<1024x512xf32>
    %sub3A_16 = vector.broadcast %slice3A_14 : vector<1x512xf32> to vector<1024x512xf32>
    %sub3A_17 = arith.subf %sub3A_15, %sub3A_16 : vector<1024x512xf32>
    %integer_pow3A_18 = arith.mulf %sub3A_17, %sub3A_17 : vector<1024x512xf32>
    %add3A_19 = arith.addf %integer_pow3A, %integer_pow3A_18 : vector<1024x512xf32>
    %slice3A_20 = vector.extract_strided_slice %get3A_9 {offsets = [0, 2], sizes = [1024, 1], strides = [1, 1]} : vector<1024x3xf32> to vector<1024x1xf32>
    %slice3A_21 = vector.extract_strided_slice %get3A_4 {offsets = [2, 0], sizes = [1, 512], strides = [1, 1]} : vector<3x512xf32> to vector<1x512xf32>
    %sub3A_22 = vector.broadcast %slice3A_20 : vector<1024x1xf32> to vector<1024x512xf32>
    %sub3A_23 = vector.broadcast %slice3A_21 : vector<1x512xf32> to vector<1024x512xf32>
    %sub3A_24 = arith.subf %sub3A_22, %sub3A_23 : vector<1024x512xf32>
    %integer_pow3A_25 = arith.mulf %sub3A_24, %sub3A_24 : vector<1024x512xf32>
    %add3A_26 = arith.addf %add3A_19, %integer_pow3A_25 : vector<1024x512xf32>
    %get3A_27 = arith.constant 0 : index
    %get3A_28 = arith.constant 0 : index
    %get3A_29 = vector.load %arg4[%get3A_27, %get3A_28] : memref<1024x1xf32, #tpu.memory_space<vmem>>, vector<1024x1xf32>
    %reduce_min3A = arith.constant dense<0x7F800000> : vector<512xf32>
    %reduce_min3A_30 = vector.multi_reduction <minimumf>, %add3A_26, %reduce_min3A [0] : vector<1024x512xf32> to vector<512xf32>
    %broadcast_in_dim3A = vector.shape_cast %reduce_min3A_30 : vector<512xf32> to vector<1x512xf32>
    %eq3A = vector.broadcast %broadcast_in_dim3A : vector<1x512xf32> to vector<1024x512xf32>
    %eq3A_31 = arith.cmpf oeq, %add3A_26, %eq3A : vector<1024x512xf32>
    %jit3A = arith.constant 1.024000e+03 : f32
    %broadcast_in_dim3A_32 = vector.shape_cast %get3A_29 : vector<1024x1xf32> to vector<1024x1xf32>
    %broadcast_in_dim3A_33 = vector.broadcast %broadcast_in_dim3A_32 : vector<1024x1xf32> to vector<1024x512xf32>
    %broadcast_in_dim3A_34 = vector.broadcast %jit3A : f32 to vector<1024x512xf32>
    %select_n3A = arith.select %eq3A_31, %broadcast_in_dim3A_33, %broadcast_in_dim3A_34 : vector<1024x512xi1>, vector<1024x512xf32>
    %reduce_min3A_35 = arith.constant dense<0x7F800000> : vector<512xf32>
    %reduce_min3A_36 = vector.multi_reduction <minimumf>, %select_n3A, %reduce_min3A_35 [0] : vector<1024x512xf32> to vector<512xf32>
    %broadcast_in_dim3A_37 = vector.shape_cast %reduce_min3A_36 : vector<512xf32> to vector<1x512xf32>
    %eq3A_38 = vector.broadcast %get3A_29 : vector<1024x1xf32> to vector<1024x512xf32>
    %eq3A_39 = vector.broadcast %broadcast_in_dim3A_37 : vector<1x512xf32> to vector<1024x512xf32>
    %eq3A_40 = arith.cmpf oeq, %eq3A_38, %eq3A_39 : vector<1024x512xf32>
    %jit3A_41 = arith.constant 0x7F800000 : f32
    %broadcast_in_dim3A_42 = vector.broadcast %jit3A_41 : f32 to vector<1024x512xf32>
    %select_n3A_43 = arith.select %eq3A_40, %broadcast_in_dim3A_42, %add3A_26 : vector<1024x512xi1>, vector<1024x512xf32>
    %reduce_min3A_44 = arith.constant dense<0x7F800000> : vector<512xf32>
    %reduce_min3A_45 = vector.multi_reduction <minimumf>, %select_n3A_43, %reduce_min3A_44 [0] : vector<1024x512xf32> to vector<512xf32>
    %broadcast_in_dim3A_46 = vector.shape_cast %reduce_min3A_45 : vector<512xf32> to vector<1x512xf32>
    %eq3A_47 = vector.broadcast %broadcast_in_dim3A_46 : vector<1x512xf32> to vector<1024x512xf32>
    %eq3A_48 = arith.cmpf oeq, %select_n3A_43, %eq3A_47 : vector<1024x512xf32>
    %jit3A_49 = arith.constant 1.024000e+03 : f32
    %broadcast_in_dim3A_50 = vector.shape_cast %get3A_29 : vector<1024x1xf32> to vector<1024x1xf32>
    %broadcast_in_dim3A_51 = vector.broadcast %broadcast_in_dim3A_50 : vector<1024x1xf32> to vector<1024x512xf32>
    %broadcast_in_dim3A_52 = vector.broadcast %jit3A_49 : f32 to vector<1024x512xf32>
    %select_n3A_53 = arith.select %eq3A_48, %broadcast_in_dim3A_51, %broadcast_in_dim3A_52 : vector<1024x512xi1>, vector<1024x512xf32>
    %reduce_min3A_54 = arith.constant dense<0x7F800000> : vector<512xf32>
    %reduce_min3A_55 = vector.multi_reduction <minimumf>, %select_n3A_53, %reduce_min3A_54 [0] : vector<1024x512xf32> to vector<512xf32>
    %broadcast_in_dim3A_56 = vector.shape_cast %reduce_min3A_55 : vector<512xf32> to vector<1x512xf32>
    %eq3A_57 = vector.broadcast %get3A_29 : vector<1024x1xf32> to vector<1024x512xf32>
    %eq3A_58 = vector.broadcast %broadcast_in_dim3A_56 : vector<1x512xf32> to vector<1024x512xf32>
    %eq3A_59 = arith.cmpf oeq, %eq3A_57, %eq3A_58 : vector<1024x512xf32>
    %jit3A_60 = arith.constant 0x7F800000 : f32
    %broadcast_in_dim3A_61 = vector.broadcast %jit3A_60 : f32 to vector<1024x512xf32>
    %select_n3A_62 = arith.select %eq3A_59, %broadcast_in_dim3A_61, %select_n3A_43 : vector<1024x512xi1>, vector<1024x512xf32>
    %reduce_min3A_63 = arith.constant dense<0x7F800000> : vector<512xf32>
    %reduce_min3A_64 = vector.multi_reduction <minimumf>, %select_n3A_62, %reduce_min3A_63 [0] : vector<1024x512xf32> to vector<512xf32>
    %broadcast_in_dim3A_65 = vector.shape_cast %reduce_min3A_64 : vector<512xf32> to vector<1x512xf32>
    %eq3A_66 = vector.broadcast %broadcast_in_dim3A_65 : vector<1x512xf32> to vector<1024x512xf32>
    %eq3A_67 = arith.cmpf oeq, %select_n3A_62, %eq3A_66 : vector<1024x512xf32>
    %jit3A_68 = arith.constant 1.024000e+03 : f32
    %broadcast_in_dim3A_69 = vector.shape_cast %get3A_29 : vector<1024x1xf32> to vector<1024x1xf32>
    %broadcast_in_dim3A_70 = vector.broadcast %broadcast_in_dim3A_69 : vector<1024x1xf32> to vector<1024x512xf32>
    %broadcast_in_dim3A_71 = vector.broadcast %jit3A_68 : f32 to vector<1024x512xf32>
    %select_n3A_72 = arith.select %eq3A_67, %broadcast_in_dim3A_70, %broadcast_in_dim3A_71 : vector<1024x512xi1>, vector<1024x512xf32>
    %reduce_min3A_73 = arith.constant dense<0x7F800000> : vector<512xf32>
    %reduce_min3A_74 = vector.multi_reduction <minimumf>, %select_n3A_72, %reduce_min3A_73 [0] : vector<1024x512xf32> to vector<512xf32>
    %broadcast_in_dim3A_75 = vector.shape_cast %reduce_min3A_74 : vector<512xf32> to vector<1x512xf32>
    %add3A_76 = arith.constant 9.99999993E-9 : f32
    %add3A_77 = vector.broadcast %add3A_76 : f32 to vector<1x512xf32>
    %add3A_78 = arith.addf %broadcast_in_dim3A, %add3A_77 : vector<1x512xf32>
    %div3A = arith.constant 1.000000e+00 : f32
    %div3A_79 = vector.broadcast %div3A : f32 to vector<1x512xf32>
    %div3A_80 = arith.divf %div3A_79, %add3A_78 : vector<1x512xf32>
    %add3A_81 = arith.constant 9.99999993E-9 : f32
    %add3A_82 = vector.broadcast %add3A_81 : f32 to vector<1x512xf32>
    %add3A_83 = arith.addf %broadcast_in_dim3A_46, %add3A_82 : vector<1x512xf32>
    %div3A_84 = arith.constant 1.000000e+00 : f32
    %div3A_85 = vector.broadcast %div3A_84 : f32 to vector<1x512xf32>
    %div3A_86 = arith.divf %div3A_85, %add3A_83 : vector<1x512xf32>
    %add3A_87 = arith.constant 9.99999993E-9 : f32
    %add3A_88 = vector.broadcast %add3A_87 : f32 to vector<1x512xf32>
    %add3A_89 = arith.addf %broadcast_in_dim3A_65, %add3A_88 : vector<1x512xf32>
    %div3A_90 = arith.constant 1.000000e+00 : f32
    %div3A_91 = vector.broadcast %div3A_90 : f32 to vector<1x512xf32>
    %div3A_92 = arith.divf %div3A_91, %add3A_89 : vector<1x512xf32>
    %add3A_93 = arith.addf %div3A_80, %div3A_86 : vector<1x512xf32>
    %add3A_94 = arith.addf %add3A_93, %div3A_92 : vector<1x512xf32>
    %div3A_95 = arith.divf %div3A_80, %add3A_94 : vector<1x512xf32>
    %div3A_96 = arith.divf %div3A_86, %add3A_94 : vector<1x512xf32>
    %div3A_97 = arith.divf %div3A_92, %add3A_94 : vector<1x512xf32>
    %concatenate3A = tpu.concatenate %div3A_95, %div3A_96, %div3A_97, %div3A_95, %div3A_95, %div3A_95, %div3A_95, %div3A_95 in 0 : vector<1x512xf32>, vector<1x512xf32>, vector<1x512xf32>, vector<1x512xf32>, vector<1x512xf32>, vector<1x512xf32>, vector<1x512xf32>, vector<1x512xf32> -> vector<8x512xf32>
    %swap3A = arith.constant 0 : index
    %swap3A_98 = arith.constant 0 : index
    %swap3A_99 = arith.constant 0 : index
    %swap3A_100 = vector.load %arg11[%swap3A, %swap3A_98, %swap3A_99] : memref<1x8x512xf32, #tpu.memory_space<vmem>>, vector<1x8x512xf32>
    %swap3A_101 = vector.shape_cast %swap3A_100 : vector<1x8x512xf32> to vector<8x512xf32>
    %swap3A_102 = vector.shape_cast %concatenate3A : vector<8x512xf32> to vector<1x8x512xf32>
    tpu.vector_store %arg11[%swap3A, %swap3A_98, %swap3A_99], %swap3A_102 {strides = array<i32>} : memref<1x8x512xf32, #tpu.memory_space<vmem>>, vector<1x8x512xf32>,
    %convert_element_type3A = arith.fptosi %broadcast_in_dim3A_37 : vector<1x512xf32> to vector<1x512xi32>
    %mul3A = arith.constant 1024 : i32
    %mul3A_103 = arith.muli %add3A_0, %mul3A : i32
    %add3A_104 = vector.broadcast %mul3A_103 : i32 to vector<1x512xi32>
    %add3A_105 = arith.addi %convert_element_type3A, %add3A_104 : vector<1x512xi32>
    %swap3A_106 = arith.constant 0 : index
    %swap3A_107 = arith.constant 0 : index
    %swap3A_108 = arith.constant 0 : index
    %swap3A_109 = vector.load %arg8[%swap3A_106, %swap3A_107, %swap3A_108] : memref<1x1x512xi32, #tpu.memory_space<vmem>>, vector<1x1x512xi32>
    %swap3A_110 = vector.shape_cast %swap3A_109 : vector<1x1x512xi32> to vector<1x512xi32>
    %swap3A_111 = vector.shape_cast %add3A_105 : vector<1x512xi32> to vector<1x1x512xi32>
    tpu.vector_store %arg8[%swap3A_106, %swap3A_107, %swap3A_108], %swap3A_111 {strides = array<i32>} : memref<1x1x512xi32, #tpu.memory_space<vmem>>, vector<1x1x512xi32>,
    %convert_element_type3A_112 = arith.fptosi %broadcast_in_dim3A_56 : vector<1x512xf32> to vector<1x512xi32>
    %mul3A_113 = arith.constant 1024 : i32
    %mul3A_114 = arith.muli %add3A_0, %mul3A_113 : i32
    %add3A_115 = vector.broadcast %mul3A_114 : i32 to vector<1x512xi32>
    %add3A_116 = arith.addi %convert_element_type3A_112, %add3A_115 : vector<1x512xi32>
    %swap3A_117 = arith.constant 0 : index
    %swap3A_118 = arith.constant 0 : index
    %swap3A_119 = arith.constant 0 : index
    %swap3A_120 = vector.load %arg9[%swap3A_117, %swap3A_118, %swap3A_119] : memref<1x1x512xi32, #tpu.memory_space<vmem>>, vector<1x1x512xi32>
    %swap3A_121 = vector.shape_cast %swap3A_120 : vector<1x1x512xi32> to vector<1x512xi32>
    %swap3A_122 = vector.shape_cast %add3A_116 : vector<1x512xi32> to vector<1x1x512xi32>
    tpu.vector_store %arg9[%swap3A_117, %swap3A_118, %swap3A_119], %swap3A_122 {strides = array<i32>} : memref<1x1x512xi32, #tpu.memory_space<vmem>>, vector<1x1x512xi32>,
    %convert_element_type3A_123 = arith.fptosi %broadcast_in_dim3A_75 : vector<1x512xf32> to vector<1x512xi32>
    %mul3A_124 = arith.constant 1024 : i32
    %mul3A_125 = arith.muli %add3A_0, %mul3A_124 : i32
    %add3A_126 = vector.broadcast %mul3A_125 : i32 to vector<1x512xi32>
    %add3A_127 = arith.addi %convert_element_type3A_123, %add3A_126 : vector<1x512xi32>
    %swap3A_128 = arith.constant 0 : index
    %swap3A_129 = arith.constant 0 : index
    %swap3A_130 = arith.constant 0 : index
    %swap3A_131 = vector.load %arg10[%swap3A_128, %swap3A_129, %swap3A_130] : memref<1x1x512xi32, #tpu.memory_space<vmem>>, vector<1x1x512xi32>
    %swap3A_132 = vector.shape_cast %swap3A_131 : vector<1x1x512xi32> to vector<1x512xi32>
    %swap3A_133 = vector.shape_cast %add3A_127 : vector<1x512xi32> to vector<1x1x512xi32>
    tpu.vector_store %arg10[%swap3A_128, %swap3A_129, %swap3A_130], %swap3A_133 {strides = array<i32>} : memref<1x1x512xi32, #tpu.memory_space<vmem>>, vector<1x1x512xi32>,
    %get3A_134 = arith.constant 0 : index
    %get3A_135 = arith.constant 0 : index
    %get3A_136 = arith.constant 0 : index
    %get3A_137 = vector.load %arg5[%get3A_134, %get3A_135, %get3A_136] : memref<1x512x256xf32, #tpu.memory_space<vmem>>, vector<1x512x256xf32>
    %get3A_138 = vector.shape_cast %get3A_137 : vector<1x512x256xf32> to vector<512x256xf32>
    %get3A_139 = arith.constant 0 : index
    %get3A_140 = arith.constant 0 : index
    %get3A_141 = vector.load %arg6[%get3A_139, %get3A_140] : memref<1x256xf32, #tpu.memory_space<vmem>>, vector<1x256xf32>
    %mul3A_142 = vector.broadcast %get3A_141 : vector<1x256xf32> to vector<512x256xf32>
    %mul3A_143 = arith.mulf %get3A_138, %mul3A_142 : vector<512x256xf32>
    %get3A_144 = arith.constant 0 : index
    %get3A_145 = arith.constant 0 : index
    %get3A_146 = vector.load %arg7[%get3A_144, %get3A_145] : memref<1x256xf32, #tpu.memory_space<vmem>>, vector<1x256xf32>
    %add3A_147 = vector.broadcast %get3A_146 : vector<1x256xf32> to vector<512x256xf32>
    %add3A_148 = arith.addf %mul3A_143, %add3A_147 : vector<512x256xf32>
    %max3A = arith.constant 0.000000e+00 : f32
    %max3A_149 = vector.broadcast %max3A : f32 to vector<512x256xf32>
    %max3A_150 = arith.maximumf %add3A_148, %max3A_149 : vector<512x256xf32>
    %swap3A_151 = arith.constant 0 : index
    %swap3A_152 = arith.constant 0 : index
    %swap3A_153 = arith.constant 0 : index
    %swap3A_154 = vector.load %arg12[%swap3A_151, %swap3A_152, %swap3A_153] : memref<1x512x256xf32, #tpu.memory_space<vmem>>, vector<1x512x256xf32>
    %swap3A_155 = vector.shape_cast %swap3A_154 : vector<1x512x256xf32> to vector<512x256xf32>
    %swap3A_156 = vector.shape_cast %max3A_150 : vector<512x256xf32> to vector<1x512x256xf32>
    tpu.vector_store %arg12[%swap3A_151, %swap3A_152, %swap3A_153], %swap3A_156 {strides = array<i32>} : memref<1x512x256xf32, #tpu.memory_space<vmem>>, vector<1x512x256xf32>,
    return
  }
  func.func @transform_0(%arg0: i32, %arg1: i32) -> (i32, i32, i32) {
    %c0_i32 = arith.constant 0 : i32
    %c0_i32_0 = arith.constant 0 : i32
    return %arg0, %c0_i32, %arg1 : i32, i32, i32
  }
  func.func @transform_1(%arg0: i32, %arg1: i32) -> (i32, i32, i32) {
    %c0_i32 = arith.constant 0 : i32
    %c0_i32_0 = arith.constant 0 : i32
    %c0_i32_1 = arith.constant 0 : i32
    return %arg0, %c0_i32, %c0_i32_0 : i32, i32, i32
  }
  func.func @transform_2(%arg0: i32, %arg1: i32) -> (i32, i32) {
    %c0_i32 = arith.constant 0 : i32
    %c0_i32_0 = arith.constant 0 : i32
    %c0_i32_1 = arith.constant 0 : i32
    return %c0_i32, %c0_i32_0 : i32, i32
  }
  func.func @transform_3(%arg0: i32, %arg1: i32) -> (i32, i32, i32) {
    %c0_i32 = arith.constant 0 : i32
    %c0_i32_0 = arith.constant 0 : i32
    return %arg0, %arg1, %c0_i32 : i32, i32, i32
  }
  func.func @transform_4(%arg0: i32, %arg1: i32) -> (i32, i32) {
    %c0_i32 = arith.constant 0 : i32
    %c0_i32_0 = arith.constant 0 : i32
    %c0_i32_1 = arith.constant 0 : i32
    return %c0_i32, %c0_i32_0 : i32, i32
  }
  func.func @transform_5(%arg0: i32, %arg1: i32) -> (i32, i32) {
    %c0_i32 = arith.constant 0 : i32
    %c0_i32_0 = arith.constant 0 : i32
    %c0_i32_1 = arith.constant 0 : i32
    return %c0_i32, %c0_i32_0 : i32, i32
  }
  func.func @transform_6(%arg0: i32, %arg1: i32) -> (i32, i32, i32) {
    %c0_i32 = arith.constant 0 : i32
    %c0_i32_0 = arith.constant 0 : i32
    return %arg0, %c0_i32, %arg1 : i32, i32, i32
  }
  func.func @transform_7(%arg0: i32, %arg1: i32) -> (i32, i32, i32) {
    %c0_i32 = arith.constant 0 : i32
    %c0_i32_0 = arith.constant 0 : i32
    return %arg0, %c0_i32, %arg1 : i32, i32, i32
  }
  func.func @transform_8(%arg0: i32, %arg1: i32) -> (i32, i32, i32) {
    %c0_i32 = arith.constant 0 : i32
    %c0_i32_0 = arith.constant 0 : i32
    return %arg0, %c0_i32, %arg1 : i32, i32, i32
  }
  func.func @transform_9(%arg0: i32, %arg1: i32) -> (i32, i32, i32) {
    %c0_i32 = arith.constant 0 : i32
    %c0_i32_0 = arith.constant 0 : i32
    return %arg0, %c0_i32, %arg1 : i32, i32, i32
  }
  func.func @transform_10(%arg0: i32, %arg1: i32) -> (i32, i32, i32) {
    %c0_i32 = arith.constant 0 : i32
    %c0_i32_0 = arith.constant 0 : i32
    return %arg0, %arg1, %c0_i32 : i32, i32, i32
  }
}

module attributes {stable_mosaic.version = 14 : i64} {
  func.func @_hnorm_body(%arg0: i32, %arg1: memref<1x1024x256xf32, #tpu.memory_space<vmem>>, %arg2: memref<1x256xf32, #tpu.memory_space<vmem>>, %arg3: memref<1x256xf32, #tpu.memory_space<vmem>>, %arg4: memref<1x1024x256xf32, #tpu.memory_space<vmem>>) attributes {dimension_semantics = [#tpu.dimension_semantics<arbitrary>], iteration_bounds = array<i64: 8>, scalar_prefetch = 0 : i64, scratch_operands = 0 : i64, tpu.core_type = #tpu.core_type<tc>, window_params = [{transform_indices = @transform_0, window_bounds = array<i64: 1, 1024, 256>}, {pipeline_mode = #tpu.pipeline_mode<synchronous>, transform_indices = @transform_1, window_bounds = array<i64: 1, 256>}, {pipeline_mode = #tpu.pipeline_mode<synchronous>, transform_indices = @transform_2, window_bounds = array<i64: 1, 256>}, {transform_indices = @transform_3, window_bounds = array<i64: 1, 1024, 256>}]} {
    %get3A = arith.constant 0 : index
    %get3A_0 = arith.constant 0 : index
    %get3A_1 = arith.constant 0 : index
    %get3A_2 = vector.load %arg1[%get3A, %get3A_0, %get3A_1] : memref<1x1024x256xf32, #tpu.memory_space<vmem>>, vector<1x1024x256xf32>
    %get3A_3 = vector.shape_cast %get3A_2 : vector<1x1024x256xf32> to vector<1024x256xf32>
    %get3A_4 = arith.constant 0 : index
    %get3A_5 = arith.constant 0 : index
    %get3A_6 = vector.load %arg2[%get3A_4, %get3A_5] : memref<1x256xf32, #tpu.memory_space<vmem>>, vector<1x256xf32>
    %mul3A = vector.broadcast %get3A_6 : vector<1x256xf32> to vector<1024x256xf32>
    %mul3A_7 = arith.mulf %get3A_3, %mul3A : vector<1024x256xf32>
    %get3A_8 = arith.constant 0 : index
    %get3A_9 = arith.constant 0 : index
    %get3A_10 = vector.load %arg3[%get3A_8, %get3A_9] : memref<1x256xf32, #tpu.memory_space<vmem>>, vector<1x256xf32>
    %add3A = vector.broadcast %get3A_10 : vector<1x256xf32> to vector<1024x256xf32>
    %add3A_11 = arith.addf %mul3A_7, %add3A : vector<1024x256xf32>
    %max3A = arith.constant 0.000000e+00 : f32
    %max3A_12 = vector.broadcast %max3A : f32 to vector<1024x256xf32>
    %max3A_13 = arith.maximumf %add3A_11, %max3A_12 : vector<1024x256xf32>
    %swap3A = arith.constant 0 : index
    %swap3A_14 = arith.constant 0 : index
    %swap3A_15 = arith.constant 0 : index
    %swap3A_16 = vector.load %arg4[%swap3A, %swap3A_14, %swap3A_15] : memref<1x1024x256xf32, #tpu.memory_space<vmem>>, vector<1x1024x256xf32>
    %swap3A_17 = vector.shape_cast %swap3A_16 : vector<1x1024x256xf32> to vector<1024x256xf32>
    %swap3A_18 = vector.shape_cast %max3A_13 : vector<1024x256xf32> to vector<1x1024x256xf32>
    tpu.vector_store %arg4[%swap3A, %swap3A_14, %swap3A_15], %swap3A_18 {strides = array<i32>} : memref<1x1024x256xf32, #tpu.memory_space<vmem>>, vector<1x1024x256xf32>,
    return
  }
  func.func @transform_0(%arg0: i32) -> (i32, i32, i32) {
    %c0_i32 = arith.constant 0 : i32
    %c0_i32_0 = arith.constant 0 : i32
    %c0_i32_1 = arith.constant 0 : i32
    return %arg0, %c0_i32, %c0_i32_0 : i32, i32, i32
  }
  func.func @transform_1(%arg0: i32) -> (i32, i32) {
    %c0_i32 = arith.constant 0 : i32
    %c0_i32_0 = arith.constant 0 : i32
    %c0_i32_1 = arith.constant 0 : i32
    return %c0_i32, %c0_i32_0 : i32, i32
  }
  func.func @transform_2(%arg0: i32) -> (i32, i32) {
    %c0_i32 = arith.constant 0 : i32
    %c0_i32_0 = arith.constant 0 : i32
    %c0_i32_1 = arith.constant 0 : i32
    return %c0_i32, %c0_i32_0 : i32, i32
  }
  func.func @transform_3(%arg0: i32) -> (i32, i32, i32) {
    %c0_i32 = arith.constant 0 : i32
    %c0_i32_0 = arith.constant 0 : i32
    %c0_i32_1 = arith.constant 0 : i32
    return %arg0, %c0_i32, %c0_i32_0 : i32, i32, i32
  }
}

</mosaic_0001>

<sc_bundles>
// kernel: kernel.6.cloned.1.call-start
scs
__scs_entry_jumppad:
0x0: {  	(pc) =	sbr.rel $0x88, $3  }
0x1: {  	(tag) =	ssettag $0x0;
	lr =	simm.s32 $0x1  }
0x2: {  	[smem:$0x3F97] =	sst lr;
	_ =	strace $0xD0000000  }
0x3: {  	_ = 	snop  }
0x4: {  	_ = 	snop  }
0x5: {  	_ = 	snop  }
0x6: {  	_ = 	snop  }
0x7: {  	_ = 	snop  }
__scs_overlays_trampoline_lowered:
0x8: {  	[smem:$0x3FA6] =	sst s0  }
0x9: {  	[smem:$0x3FA7] =	sst s1  }
0xa: {  	[smem:$0x3FA8] =	sst s2  }
0xb: {  	[smem:$0x3FA9] =	sst s3  }
0xc: {  	[smem:$0x3FAA] =	sst s4  }
0xd: {  	[smem:$0x3FAB] =	sst s5  }
0xe: {  	[smem:$0x3FAC] =	sst s6  }
0xf: {  	[smem:$0x3FAD] =	sst s7  }
0x10: {  	[smem:$0x3FAE] =	sst s8  }
0x11: {  	[smem:$0x3FAF] =	sst s9;
	s0 =	simm.s32 @!p0 $0x0  }
0x12: {  	s1 =	sld [smem:$0x3F95];
	s0 =	simm.s32 @p0 $0x1  }
0x13: {  	[smem:$0x3FB0] =	sst s0;
	s0 =	simm.s32 @!p1 $0x0  }
0x14: {  	s2 =	sld [smem:$0x3F94];
	s0 =	simm.s32 @p1 $0x1  }
0x15: {  	[smem:$0x3FB1] =	sst s0;
	s0 =	simm.s32 @!p2 $0x0  }
0x16: {  	s3 =	sld [smem:$0x3FDB];
	s0 =	simm.s32 @p2 $0x1  }
0x17: {  	s4 =	simm.s32 $0x1BF5;
	[smem:$0x3FB3] =	sst s0  }
0x18: {  	s0 =	sld [smem:$0x3F96];
	_ =	swait.ge [sflag:s4], $0x0  }
0x19: {  	s7 =	sld [smem:$0x3F97]  }
0x1a: {  	s8 =	sadd.s32 $0xFFFFE003, lr  }
0x1b: {  	s9 =	sadd.s32 $0xFFFFFEF7, lr;
	s5 =	simm.s32 $0xFFFFFFFF;
	p2 =	slt.u32 s8, $0xFFFFF086  }
0x1c: {  	p1 =	slt.u32 s9, $0xF7A;
	s5 =	simm.s32 @!p2 $0x0  }
0x1d: {  	s5 =	simm.s32 @p1 $0x1;
	p0 =	seq.s32 s7, s2  }
0x1e: {  	s7 =	smul.u32 @!p0 $0xF7A, s2;
	p2 =	seq.s32 @!p0 s5, $0x0  }
0x1f: {  	s9 =	smul.u32 $0xF7A, s1;
	s8 =	simm.s32 @!p0 $0x1BF5;
	p2 =	por !p2, p0  }
0x20: {  	[sflag:s8] =	ssyncset.s32 @!p0 $0xFFFFF086;
	s6 =	sadd.s32 @!p0 s3, s7;
	s7 =	simm.s32 @!p0 $0x108  }
0x21: {  	s3 =	sadd.s32 s3, s9;
	s6 =	sadd.s32 @!p0 $0x88, s6;
	s7 =	simm.s32 @p2 $0x1082  }
0x22: {  	[simem:s7], [sflag:s8] =	dma.local @!p0 [hbm:s6], $0xF7A  }
0x23: {  	s9 =	sor.u32 $0xD0000000, s2;
	s6 =	simm.s32 $0x108;
	_ =	swait.ge @!p0 [sflag:s8], $0x0  }
0x24: {  	s3 =	sadd.s32 $0x88, s3;
	s6 =	simm.s32 @!p1 $0x1082;
	[sflag:s4] =	ssyncset.s32 $0xFFFFF086  }
0x25: {  	[simem:s6], [sflag:s4] =	dma.local [hbm:s3], $0xF7A  }
0x26: {  	[smem:$0x3F97] =	sst s1;
	(tag) =	ssettag s2;
	_ =	strace s9  }
0x27: {  	s1 =	sld [smem:$0x3FA7]  }
0x28: {  	s2 =	sld [smem:$0x3FA8]  }
0x29: {  	s4 =	sld [smem:$0x3FAA]  }
0x2a: {  	p0 =	seq.s32 s5, $0x0;
	s5 =	sld [smem:$0x3FAB]  }
0x2b: {  	s6 =	sld [smem:$0x3FAC]  }
0x2c: {  	s7 =	sld [smem:$0x3FAD]  }
0x2d: {  	s3 =	simm.s32 $0x108;
	s8 =	sld [smem:$0x3FAE]  }
0x2e: {  	s3 =	simm.s32 @!p0 $0x1082;
	s9 =	sld [smem:$0x3FAF]  }
0x2f: {  	lr =	sadd.s32 s0, s3;
	s0 =	sld [smem:$0x3FA6]  }
0x30: {  	s3 =	sld [smem:$0x3FA9]  }
0x31: {  	[smem:$0x3FB2] =	sst s10  }
0x32: {  	s10 =	sld [smem:$0x3FB0];
	_ =	sdelay $0x3  }
0x33: {  	p0 =	seq.s32 s10, $0x1;
	s10 =	sld [smem:$0x3FB2];
	_ =	sdelay $0x3  }
0x34: {  	[smem:$0x3FB2] =	sst s10  }
0x35: {  	s10 =	sld [smem:$0x3FB1];
	_ =	sdelay $0x3  }
0x36: {  	p1 =	seq.s32 s10, $0x1;
	s10 =	sld [smem:$0x3FB2];
	_ =	sdelay $0x3  }
0x37: {  	[smem:$0x3FB2] =	sst s10  }
0x38: {  	s10 =	sld [smem:$0x3FB3]  }
0x39: {  	_ = 	snop;
	(pc) =	sbr.ind lr, $3  }
0x3a: {  	_ = 	snop  }
0x3b: {  	_ = 	snop  }
0x3c: {  	p2 =	seq.s32 s10, $0x1;
	s10 =	sld [smem:$0x3FB2]  }
0x3d: {  	_ =	shalt  }
0x3e: {  	_ =	shalt  }
0x3f: {  	_ =	shalt  }
0x40: {  	_ =	shalt  }
0x41: {  	_ =	shalt  }
0x42: {  	_ =	shalt  }
0x43: {  	_ =	shalt  }
0x44: {  	_ =	shalt  }
0x45: {  	_ =	shalt  }
0x46: {  	_ =	shalt  }
0x47: {  	_ =	shalt  }
0x48: {  	_ =	shalt  }
0x49: {  	_ =	shalt  }
0x4a: {  	_ =	shalt  }
0x4b: {  	_ =	shalt  }
0x4c: {  	_ =	shalt  }
0x4d: {  	_ =	shalt  }
0x4e: {  	_ =	shalt  }
0x4f: {  	_ =	shalt  }
0x50: {  	_ =	shalt  }
0x51: {  	_ =	shalt  }
0x52: {  	_ =	shalt  }
0x53: {  	_ =	shalt  }
0x54: {  	_ =	shalt  }
0x55: {  	_ =	shalt  }
0x56: {  	_ =	shalt  }
0x57: {  	_ =	shalt  }
0x58: {  	_ =	shalt  }
0x59: {  	_ =	shalt  }
0x5a: {  	_ =	shalt  }
0x5b: {  	_ =	shalt  }
0x5c: {  	_ =	shalt  }
0x5d: {  	_ =	shalt  }
0x5e: {  	_ =	shalt  }
0x5f: {  	_ =	shalt  }
0x60: {  	_ =	shalt  }
0x61: {  	_ =	shalt  }
0x62: {  	_ =	shalt  }
0x63: {  	_ =	shalt  }
0x64: {  	_ =	shalt  }
0x65: {  	_ =	shalt  }
0x66: {  	_ =	shalt  }
0x67: {  	_ =	shalt  }
0x68: {  	_ =	shalt  }
0x69: {  	_ =	shalt  }
0x6a: {  	_ =	shalt  }
0x6b: {  	_ =	shalt  }
0x6c: {  	_ =	shalt  }
0x6d: {  	_ =	shalt  }
0x6e: {  	_ =	shalt  }
0x6f: {  	_ =	shalt  }
0x70: {  	_ =	shalt  }
0x71: {  	_ =	shalt  }
0x72: {  	_ =	shalt  }
0x73: {  	_ =	shalt  }
0x74: {  	_ =	shalt  }
0x75: {  	_ =	shalt  }
0x76: {  	_ =	shalt  }
0x77: {  	_ =	shalt  }
0x78: {  	_ =	shalt  }
0x79: {  	_ =	shalt  }
0x7a: {  	_ =	shalt  }
0x7b: {  	_ =	shalt  }
0x7c: {  	_ =	shalt  }
0x7d: {  	_ =	shalt  }
0x7e: {  	_ =	shalt  }
0x7f: {  	_ =	shalt  }
0x80: {  	_ =	shalt  }
0x81: {  	_ =	shalt  }
0x82: {  	_ =	shalt  }
0x83: {  	_ =	shalt  }
0x84: {  	_ =	shalt  }
0x85: {  	_ =	shalt  }
0x86: {  	_ =	shalt  }
0x87: {  	_ =	shalt  }
.Lfunc_end0:
.L_simem_size_0:
called_computation_lowered:
.L_overlay_start_0:
0x88: {  	s2 =	sld [smem:$0x3FD9]  }
0x89: {  	s3 =	sld [smem:$0x3FFE];
	_ =	sdelay $0x1  }
0x8a: {  	s1 =	srdreg.scid  }
0x8b: {  	s0 =	sand.u32 $0x1, s1  }
0x8c: {  	s14 =	sshll.u32 s0, $0xA;
	s2 =	sadd.s32 s3, s2  }
0x8d: {  	s2 =	sadd.s32 s2, s14  }
0x8e: {  	[smem:$0x3FBE] =	sst s2  }
0x8f: {  	_ = 	snop  }
0x90: {  	s2 =	sld [smem:$0x3FD0];
	_ =	sdelay $0x2  }
0x91: {  	s15 =	simm.s32 $0xA;
	s4 =	simm.s32 $0x10  }
0x92: {  	[smem:s4], [sflag:s15] =	dma.local [hbm:s2], $0x1  }
0x93: {  	_ =	swait.eq [sflag:s15], $0x1  }
0x94: {  	[sflag:s15] =	ssyncset.done $0x0  }
0x95: {  	s16 =	sld [smem:$0x10];
	[sflag:s15] =	ssyncadd.s32 $0xFFFFFFFF  }
0x96: {  	s17 =	sld [smem:$0x11];
	(tm) =	ssettm $0x1  }
0x97: {  	s18 =	sld [smem:$0x3FFB];
	_ =	sdelay $0x3  }
0x98: {  	_ =	strace s18  }
0x99: {  	s4 =	sld [smem:$0x3FFC];
	_ =	sdelay $0x3  }
0x9a: {  	_ =	strace s4  }
0x9b: {  	s4 =	sld [smem:$0x3FFD];
	_ =	sdelay $0x3  }
0x9c: {  	_ =	strace s4  }
0x9d: {  	_ =	strace $0x8FFFFFFF  }
0x9e: {  	s19 =	sld [smem:$0x3FDB];
	_ =	sdelay $0x1  }
0x9f: {  	s5 =	simm.s32 $_scs_section_size  }
0xa0: {  	s6 =	simm.s32 $_size__tile_overlayer_lowered;
	s7 =	simm.s32 $_tile_overlayer_lowered  }
0xa1: {  	s22 =	simm.s32 $0x1BFF;
	s21 =	sshll.u32 s7, $0x1;
	s4 =	sadd.s32 s5, s19  }
0xa2: {  	s8 =	simm.s32 $0x0;
	s20 =	sshll.u32 s6, $0x1;
	s6 =	sadd.s32 s21, s4  }
0xa3: {  	[timem:s8], [sflag:s22] =	dma.local [hbm:s6], s20  }
0xa4: {  	_ =	swait.ge [sflag:s22], s20  }
0xa5: {  	s5 =	ssub.s32 $0x0, s20;
	[sflag:s22] =	ssyncset.done $0x0  }
0xa6: {  	[sflag:s22] =	ssyncadd.s32 s5;
	_ =	sdelay $0x1  }
0xa7: {  	s23 =	simm.s32 $0x1B8B  }
0xa8: {  	_ =	swait.ge [sflag:s23], $0x1  }
0xa9: {  	[sflag:s23] =	ssyncset.done $0x0  }
0xaa: {  	s25 =	simm.s32 $0x1B8E;
	s24 =	sld [smem:$0x3FFE];
	[sflag:s23] =	ssyncadd.s32 $0xFFFFFFFF  }
0xab: {  	s26 =	simm.s32 $execute0_lowered;
	[smem:$0x3FD2] =	sst s25  }
0xac: {  	s6 =	sshll.u32 s26, $0x1;
	_ =	strace $0x80000046;
	[dreg:$0x1] =	wrdreg $0xFFFFFFFF  }
0xad: {  	s28 =	simm.s32 $_size_execute0_lowered;
	s4 =	sadd.s32 s4, s6;
	[dreg:$0x0] =	wrdreg $0x0  }
0xae: {  	s6 =	sshll.u32 s28, $0x1;
	[dreg:$0x2] =	wrdreg s4  }
0xaf: {  	[dreg:$0x3] =	wrdreg s6  }
0xb0: {  	[dreg:$0x4] =	wrdreg $0xC0  }
0xb1: {  	_ =	task [dreg:s8], $0x5FFFF  }
0xb2: {  	[dreg:$0x1] =	wrdreg $0xFFFFFFFF  }
0xb3: {  	[dreg:$0x0] =	wrdreg $0x60  }
0xb4: {  	[dreg:$0x2] =	wrdreg s24  }
0xb5: {  	[dreg:$0x3] =	wrdreg s17  }
0xb6: {  	[dreg:$0x4] =	wrdreg s16  }
0xb7: {  	[dreg:$0x5] =	wrdreg $0x9  }
0xb8: {  	_ =	task.clear_ibuf [dreg:s8], $0x6FFFF;
	_ =	strace $0x90000046  }
0xb9: {  	s29 =	simm.s32 $0x9;
	_ =	strace $0x80000048  }
0xba: {  	_ =	swait.ge [sflag:s29], $0x1  }
0xbb: {  	[sflag:s29] =	ssyncadd.s32 $0xFFFFFFFF  }
0xbc: {  	_ =	strace $0x90000048  }
0xbd: {  	_ =	sfence  }
0xbe: {  	s30 =	sld [smem:$0x0];
	_ =	sdelay $0x2  }
0xbf: {  	s31 =	sshll.u32 s1, $0xD;
	s1 =	sshrl.u32 s1, $0x2  }
0xc0: {  	s3 =	sand.u32 $0x4000, s31;
	s1 =	sadd.s32 s1, s30  }
0xc1: {  	s0 =	sor.u32 s3, s0;
	s1 =	sshll.u32 s1, $0x11  }
0xc2: {  	s0 =	sor.u32 s1, s0  }
0xc3: {  	s0 =	sadd.s32 $0x8F2B, s0  }
0xc4: {  	[sflag:s0] =	ssyncadd.remote.s32 $0x1  }
0xc5: {  	_ =	sfence.sel $0xFFFF  }
0xc6: {  	[dreg:$0x0] =	wrdreg $0xFFFFFFFF;
	(pc) =	sbr.abs _section_cstart, $3  }
0xc7: {  	[dreg:$0x1] =	wrdreg $0xFFFFFFFF  }
0xc8: {  	_ =	task.clear_ibuf [dreg:s8], $0x2FFFF;
	_ =	strace $0x9FFFFFFF  }
0xc9: {  	(tm) =	ssettm $0x7FFFFFFF  }
tec
execute0_lowered:
.L_overlay_start_1:
0x0: {  	(tag) =	ssettag $0x1  }
0x1: {  	s0 =	rddreg [dreg:$0x0]  }
0x2: {  	s1 =	rddreg [dreg:$0x1]  }
0x3: {  	s15 =	rddreg [dreg:$0x2];
	s3 =	simm.s32 $0x0  }
0x4: {  	s2 =	srdreg.scid;
	[smem:$0x7FF] =	sst s3;
	s4 =	sadd.s32 $0x10BC00, s0  }
0x5: {  	s12 =	stileid.u32;
	s5 =	sadd.s32 $0x101C00, s0;
	s7 =	sadd.s32 $0x102C00, s0  }
0x6: {  	s8 =	sadd.s32 $0x103C00, s0;
	s9 =	sadd.s32 $0x1C00, s0;
	s2 =	sand.u32 $0x1, s2  }
0x7: {  	s6 =	sadd.s32 $0x14BC00, s0;
	s28 =	sshll.u32 s12, $0xB;
	s29 =	sshll.u32 s12, $0xE  }
0x8: {  	_ =	strace $0x80000047;
	[dreg:$0x4] =	wrdreg s6;
	s10 =	sshll.u32 s2, $0xA  }
0x9: {  	s2 =	ssub.s32 $0x2, s2;
	s6 =	sand.u32 $0x7000, s28;
	s11 =	sor.u32 s10, s28  }
0xa: {  	s30 =	sshrl.u32 s2, $0x1;
	s10 =	sand.u32 $0x38000, s29;
	s13 =	sshrl.u32 s11, $0x3  }
0xb: {  	s14 =	sor.u32 s29, s11;
	s2 =	ssub.s32 s2, s30;
	s20 =	sor.u32 $0x20, s11  }
0xc: {  	s31 =	sadd.s32 s1, s13;
	s16 =	sand.u32 $0x38C00, s14;
	s17 =	sadd.s32 s5, s13  }
0xd: {  	s13 =	sadd.s32 s7, s13;
	s21 =	sshrl.u32 s20, $0x3;
	[dreg:$0x5] =	wrdreg s31  }
0xe: {  	s6 =	ssub.s32 s20, s6;
	s28 =	sshll.u32 s20, $0x5;
	[dreg:$0x6] =	wrdreg s17  }
0xf: {  	s29 =	smax.u32 s2, $0x1;
	s20 =	simm.s32 $0x4;
	[dreg:$0x7] =	wrdreg s13  }
0x10: {  	s12 =	sshrl.u32 s16, $0x3;
	s16 =	sadd.s32 $0x103E00, s0;
	s22 =	sadd.s32 s1, s21  }
0x11: {  	s6 =	sadd.s32 s10, s6;
	s23 =	sadd.s32 s5, s21;
	[dreg:$0x12] =	wrdreg s29  }
0x12: {  	s31 =	sor.u32 $0x40, s11;
	s17 =	simm.s32 $0x3;
	[dreg:$0xb] =	wrdreg s22  }
0x13: {  	s10 =	simm.s32 $0x0;
	s18 =	sadd.s32 s8, s12;
	[dreg:$0xc] =	wrdreg s23  }
0x14: {  	s19 =	sadd.s32 s12, s16;
	s24 =	sadd.s32 $0x1000, s6;
	[dreg:$0x14] =	wrdreg s31  }
0x15: {  	s25 =	sadd.s32 $0x2000, s6;
	s6 =	sshrl.u32 s6, $0x3;
	[dreg:$0x8] =	wrdreg s18  }
0x16: {  	s23 =	simm.s32 $0x6;
	s22 =	simm.s32 $0x7;
	[dreg:$0x9] =	wrdreg s19  }
0x17: {  	s18 =	sadd.s32 $0x104000, s0;
	s0 =	sadd.s32 s7, s21;
	s6 =	sadd.s32 s8, s6  }
0x18: {  	s26 =	sshrl.u32 s25, $0x3;
	s19 =	simm.s32 $0x1;
	[dreg:$0xd] =	wrdreg s0  }
0x19: {  	s12 =	sadd.s32 s12, s18;
	s0 =	sshrl.u32 s24, $0x3;
	[dreg:$0xe] =	wrdreg s6  }
.Ltmp0:
0x1a: {  	[dreg:$0xa] =	wrdreg s12;
	s0 =	sadd.s32 s8, s0;
	(pc) =	sbr.rel .LBB2_1-.Ltmp0, $4  }
0x1b: {  	s25 =	simm.s32 $0x9;
	[dreg:$0xf] =	wrdreg s0;
	s0 =	sadd.s32 s8, s26  }
0x1c: {  	v2 =	vlaneseq.u32;
	s26 =	sshll.u32 s11, $0x5;
	[dreg:$0x10] =	wrdreg s0;
	s0 =	sadd.s32 s9, s28  }
0x1d: {  	vm0 =	vmmov $0xffff;
	v1 =	vshrl.u32 v2, $0x3;
	s24 =	simm.s32 $0x8;
	s30 =	sadd.s32 s9, s26;
	[dreg:$0x11] =	wrdreg s0  }
0x1e: {  	v0 =	vand.u32 $0x7, v2;
	v2 =	vor.u32 $0x8, v2;
	v1 =	vmul.u32 $0x8, v1;
	[dreg:$0x13] =	wrdreg s30;
	s0 =	sadd.s32 $0x400, s15;
	s15 =	simm.s32 $0x2  }
.LBB2_10:
0x1f: {  	s2 =	simm.s32 $0x5  }
0x20: {  	_ =	swait.ge [sflag:s2], $0x2000  }
0x21: {  	[sflag:s2] =	ssyncset.done $0x0  }
0x22: {  	s6 =	simm.s32 $0xA;
	[sflag:s2] =	ssyncadd.s32 $0xFFFFE000  }
0x23: {  	_ =	swait.ge [sflag:s6], $0x2000  }
0x24: {  	s10 =	rddreg [dreg:$0x15]  }
0x25: {  	s31 =	rddreg [dreg:$0x12];
	s10 =	sadd.s32 $0x1, s10  }
0x26: {  	p0 =	sne.s32 s10, s31  }
.Ltmp1:
0x27: {  	_ = 	snop;
	(pc) =	sbr.rel @!p0 .LBB2_11-.Ltmp1, $3  }
0x28: {  	_ =	sdelay $0x1  }
0x29: {  	[sflag:s6] =	ssyncset.done $0x0  }
0x2a: {  	[sflag:s6] =	ssyncadd.s32 $0xFFFFE000  }
.LBB2_1:
0x2b: {  	[dreg:$0x15] =	wrdreg s10  }
0x2c: {  	s2 =	rddreg [dreg:$0x4];
	s6 =	simm.s32 $0x14600;
	s13 =	simm.s32 $0xB  }
0x2d: {  	[tilespmem:s6], [sflag:$0xB] =	stream.linear.gather [hbm4b:s2+s3], $0x1000, $0x38;
	[tilespmem:$0x15600] =	vst v63  }
0x2e: {  	_ =	swait.ge [sflag:s13], $0x1000  }
0x2f: {  	[sflag:s13] =	ssyncset.done $0x0  }
0x30: {  	s14 =	rddreg [dreg:$0x5];
	[sflag:s13] =	ssyncadd.s32 $0xFFFFF000  }
0x31: {  	[tilespmem:s3], [sflag:$0x1] =	stream.linear.gather [hbm4b:s14+s3], $0x20, $0x38;
	[tilespmem:$0x15600] =	vst v63  }
0x32: {  	s28 =	simm.s32 $0x80;
	s21 =	rddreg [dreg:$0x6]  }
0x33: {  	[tilespmem:s28], [sflag:$0x1] =	stream.linear.gather [hbm4b:s21+s3], $0x20, $0x38;
	[tilespmem:$0x15600] =	vst v63  }
0x34: {  	s31 =	simm.s32 $0x100;
	s30 =	rddreg [dreg:$0x7]  }
0x35: {  	[tilespmem:s31], [sflag:$0x1] =	stream.linear.gather [hbm4b:s30+s3], $0x20, $0x38;
	[tilespmem:$0x15600] =	vst v63  }
0x36: {  	s12 =	simm.s32 $0x6180;
	s10 =	rddreg [dreg:$0x8]  }
0x37: {  	[tilespmem:s12], [sflag:$0x3] =	stream.linear.gather [hbm4b:s10+s3], $0x20, $0x38;
	[tilespmem:$0x15600] =	vst v63  }
0x38: {  	s13 =	rddreg [dreg:$0x9];
	s14 =	simm.s32 $0x6200  }
0x39: {  	[tilespmem:s14], [sflag:$0x3] =	stream.linear.gather [hbm4b:s13+s3], $0x20, $0x38;
	[tilespmem:$0x15600] =	vst v63  }
0x3a: {  	s21 =	rddreg [dreg:$0xa];
	s28 =	simm.s32 $0x6280  }
0x3b: {  	[tilespmem:s28], [sflag:$0x3] =	stream.linear.gather [hbm4b:s21+s3], $0x20, $0x38;
	[tilespmem:$0x15600] =	vst v63  }
0x3c: {  	s30 =	rddreg [dreg:$0x13];
	s31 =	simm.s32 $0x6300  }
0x3d: {  	[tilespmem:s31], [sflag:$0x4] =	stream.linear.gather [hbm4b:s30+s3], $0x2000, $0x38;
	[tilespmem:$0x15600] =	vst v63  }
0x3e: {  	_ =	swait.ge [sflag:s19], $0x20  }
0x3f: {  	[sflag:s19] =	ssyncset.done $0x0  }
0x40: {  	[sflag:s19] =	ssyncadd.s32 $0xFFFFFFE0  }
0x41: {  	_ =	swait.ge [sflag:s19], $0x20  }
0x42: {  	[sflag:s19] =	ssyncset.done $0x0  }
0x43: {  	[sflag:s19] =	ssyncadd.s32 $0xFFFFFFE0  }
0x44: {  	_ =	swait.ge [sflag:s19], $0x20  }
0x45: {  	[sflag:s19] =	ssyncset.done $0x0  }
0x46: {  	[sflag:s19] =	ssyncadd.s32 $0xFFFFFFE0  }
0x47: {  	v3 =	vld [tilespmem:$0x0];
	_ =	sdelay $0x4  }
0x48: {  	v4 =	vshll.u32 v3, $0x1  }
0x49: {  	v3 =	vand.u32 $0x7, v3;
	v4 =	vand.u32 $0xFFFFFFF0, v4  }
0x4a: {  	v3 =	vor.u32 v3, v4  }
0x4b: {  	v4 =	vperm.xlane v3, v0;
	_ =	sdelay $0x1  }
0x4c: {  	v3 =	vperm.xlane v3, v2;
	v4 =	vadd.s32 v1, v4;
	_ =	sdelay $0x1  }
0x4d: {  	v3 =	vadd.s32 v1, v3;
	_ =	sdelay $0x1  }
0x4e: {  	s6 =	simm.s32 $0x180  }
0x4f: {  	[tilespmem:s6], [sflag:$0x2] =	stream.indirect_vreg.gather [hbm4b:s4+s3], $0x80, v4, vm0, $0xb8;
	[tilespmem:$0x15600] =	vst v63  }
0x50: {  	s10 =	simm.s32 $0x980  }
0x51: {  	[tilespmem:s10], [sflag:$0x2] =	stream.indirect_vreg.gather [hbm4b:s4+s3], $0x80, v3, vm0, $0xb8;
	[tilespmem:$0x15600] =	vst v63  }
0x52: {  	v3 =	vld [tilespmem:$0x10];
	_ =	sdelay $0x4  }
0x53: {  	v59 =	vshll.u32 v3, $0x1  }
0x54: {  	v3 =	vand.u32 $0x7, v3;
	v4 =	vand.u32 $0xFFFFFFF0, v59  }
0x55: {  	v3 =	vor.u32 v3, v4  }
0x56: {  	v4 =	vperm.xlane v3, v0;
	_ =	sdelay $0x1  }
0x57: {  	v3 =	vperm.xlane v3, v2;
	v4 =	vadd.s32 v1, v4;
	_ =	sdelay $0x1  }
0x58: {  	v3 =	vadd.s32 v1, v3;
	_ =	sdelay $0x1  }
0x59: {  	s12 =	simm.s32 $0x1180  }
0x5a: {  	[tilespmem:s12], [sflag:$0x2] =	stream.indirect_vreg.gather [hbm4b:s4+s3], $0x80, v4, vm0, $0xb8;
	[tilespmem:$0x15600] =	vst v63  }
0x5b: {  	s13 =	simm.s32 $0x1980  }
0x5c: {  	[tilespmem:s13], [sflag:$0x2] =	stream.indirect_vreg.gather [hbm4b:s4+s3], $0x80, v3, vm0, $0xb8;
	[tilespmem:$0x15600] =	vst v63  }
0x5d: {  	v3 =	vld [tilespmem:$0x80];
	_ =	sdelay $0x4  }
0x5e: {  	v60 =	vshll.u32 v3, $0x1  }
0x5f: {  	v3 =	vand.u32 $0x7, v3;
	v4 =	vand.u32 $0xFFFFFFF0, v60  }
0x60: {  	v3 =	vor.u32 v3, v4  }
0x61: {  	v4 =	vperm.xlane v3, v0;
	_ =	sdelay $0x1  }
0x62: {  	v3 =	vperm.xlane v3, v2;
	v4 =	vadd.s32 v1, v4;
	_ =	sdelay $0x1  }
0x63: {  	v3 =	vadd.s32 v1, v3;
	_ =	sdelay $0x1  }
0x64: {  	s14 =	simm.s32 $0x2180  }
0x65: {  	[tilespmem:s14], [sflag:$0x2] =	stream.indirect_vreg.gather [hbm4b:s4+s3], $0x80, v4, vm0, $0xb8;
	[tilespmem:$0x15600] =	vst v63  }
0x66: {  	s21 =	simm.s32 $0x2980  }
0x67: {  	[tilespmem:s21], [sflag:$0x2] =	stream.indirect_vreg.gather [hbm4b:s4+s3], $0x80, v3, vm0, $0xb8;
	[tilespmem:$0x15600] =	vst v63  }
0x68: {  	v3 =	vld [tilespmem:$0x90];
	_ =	sdelay $0x4  }
0x69: {  	v61 =	vshll.u32 v3, $0x1  }
0x6a: {  	v3 =	vand.u32 $0x7, v3;
	v4 =	vand.u32 $0xFFFFFFF0, v61  }
0x6b: {  	v3 =	vor.u32 v3, v4  }
0x6c: {  	v4 =	vperm.xlane v3, v0;
	_ =	sdelay $0x1  }
0x6d: {  	v3 =	vperm.xlane v3, v2;
	v4 =	vadd.s32 v1, v4;
	_ =	sdelay $0x1  }
0x6e: {  	v3 =	vadd.s32 v1, v3;
	_ =	sdelay $0x1  }
0x6f: {  	s28 =	simm.s32 $0x3180  }
0x70: {  	[tilespmem:s28], [sflag:$0x2] =	stream.indirect_vreg.gather [hbm4b:s4+s3], $0x80, v4, vm0, $0xb8;
	[tilespmem:$0x15600] =	vst v63  }
0x71: {  	s30 =	simm.s32 $0x3980  }
0x72: {  	[tilespmem:s30], [sflag:$0x2] =	stream.indirect_vreg.gather [hbm4b:s4+s3], $0x80, v3, vm0, $0xb8;
	[tilespmem:$0x15600] =	vst v63  }
0x73: {  	v3 =	vld [tilespmem:$0x100];
	_ =	sdelay $0x4  }
0x74: {  	v62 =	vshll.u32 v3, $0x1  }
0x75: {  	v3 =	vand.u32 $0x7, v3;
	v4 =	vand.u32 $0xFFFFFFF0, v62  }
0x76: {  	v3 =	vor.u32 v3, v4  }
0x77: {  	v4 =	vperm.xlane v3, v0;
	_ =	sdelay $0x1  }
0x78: {  	v3 =	vperm.xlane v3, v2;
	v4 =	vadd.s32 v1, v4;
	_ =	sdelay $0x1  }
0x79: {  	v3 =	vadd.s32 v1, v3;
	_ =	sdelay $0x1  }
0x7a: {  	s31 =	simm.s32 $0x4180  }
0x7b: {  	[tilespmem:s31], [sflag:$0x2] =	stream.indirect_vreg.gather [hbm4b:s4+s3], $0x80, v4, vm0, $0xb8;
	[tilespmem:$0x15600] =	vst v63  }
0x7c: {  	s6 =	simm.s32 $0x4980  }
0x7d: {  	[tilespmem:s6], [sflag:$0x2] =	stream.indirect_vreg.gather [hbm4b:s4+s3], $0x80, v3, vm0, $0xb8;
	[tilespmem:$0x15600] =	vst v63  }
0x7e: {  	v3 =	vld [tilespmem:$0x110];
	_ =	sdelay $0x4  }
0x7f: {  	v63 =	vshll.u32 v3, $0x1  }
0x80: {  	v3 =	vand.u32 $0x7, v3;
	v4 =	vand.u32 $0xFFFFFFF0, v63  }
0x81: {  	v3 =	vor.u32 v3, v4  }
0x82: {  	v4 =	vperm.xlane v3, v0;
	_ =	sdelay $0x1  }
0x83: {  	v3 =	vperm.xlane v3, v2;
	v4 =	vadd.s32 v1, v4;
	_ =	sdelay $0x1  }
0x84: {  	v3 =	vadd.s32 v1, v3;
	_ =	sdelay $0x1  }
0x85: {  	s10 =	simm.s32 $0x5180  }
0x86: {  	[tilespmem:s10], [sflag:$0x2] =	stream.indirect_vreg.gather [hbm4b:s4+s3], $0x80, v4, vm0, $0xb8;
	[tilespmem:$0x15600] =	vst v63  }
0x87: {  	s12 =	simm.s32 $0x5980  }
0x88: {  	[tilespmem:s12], [sflag:$0x2] =	stream.indirect_vreg.gather [hbm4b:s4+s3], $0x80, v3, vm0, $0xb8;
	[tilespmem:$0x15600] =	vst v63  }
0x89: {  	s13 =	rddreg [dreg:$0xb];
	s14 =	simm.s32 $0xA300  }
0x8a: {  	[tilespmem:s14], [sflag:$0x6] =	stream.linear.gather [hbm4b:s13+s3], $0x20, $0x38;
	[tilespmem:$0x15600] =	vst v63  }
0x8b: {  	s21 =	rddreg [dreg:$0xc];
	s28 =	simm.s32 $0xA380  }
0x8c: {  	[tilespmem:s28], [sflag:$0x6] =	stream.linear.gather [hbm4b:s21+s3], $0x20, $0x38;
	[tilespmem:$0x15600] =	vst v63  }
0x8d: {  	s30 =	rddreg [dreg:$0xd];
	s31 =	simm.s32 $0xA400  }
0x8e: {  	[tilespmem:s31], [sflag:$0x6] =	stream.linear.gather [hbm4b:s30+s3], $0x20, $0x38;
	[tilespmem:$0x15600] =	vst v63  }
0x8f: {  	s10 =	rddreg [dreg:$0xe];
	s12 =	simm.s32 $0x10480  }
0x90: {  	[tilespmem:s12], [sflag:$0x8] =	stream.linear.gather [hbm4b:s10+s3], $0x20, $0x38;
	[tilespmem:$0x15600] =	vst v63  }
0x91: {  	s13 =	rddreg [dreg:$0xf];
	s14 =	simm.s32 $0x10500  }
0x92: {  	[tilespmem:s14], [sflag:$0x8] =	stream.linear.gather [hbm4b:s13+s3], $0x20, $0x38;
	[tilespmem:$0x15600] =	vst v63  }
0x93: {  	s21 =	rddreg [dreg:$0x10];
	s28 =	simm.s32 $0x10580  }
0x94: {  	[tilespmem:s28], [sflag:$0x8] =	stream.linear.gather [hbm4b:s21+s3], $0x20, $0x38;
	[tilespmem:$0x15600] =	vst v63  }
0x95: {  	s29 =	simm.s32 $0x0;
	s30 =	rddreg [dreg:$0x11];
	s31 =	simm.s32 $0x10600  }
0x96: {  	[tilespmem:s31], [sflag:$0x9] =	stream.linear.gather [hbm4b:s30+s3], $0x2000, $0x38;
	[tilespmem:$0x15600] =	vst v63  }
.LBB2_2:
0x97: {  	_ =	swait.ge [sflag:s23], $0x20  }
0x98: {  	[sflag:s23] =	ssyncset.done $0x0  }
0x99: {  	[sflag:s23] =	ssyncadd.s32 $0xFFFFFFE0  }
0x9a: {  	_ =	swait.ge [sflag:s23], $0x20  }
0x9b: {  	[sflag:s23] =	ssyncset.done $0x0  }
0x9c: {  	[sflag:s23] =	ssyncadd.s32 $0xFFFFFFE0  }
0x9d: {  	_ =	swait.ge [sflag:s23], $0x20  }
0x9e: {  	[sflag:s23] =	ssyncset.done $0x0  }
0x9f: {  	[sflag:s23] =	ssyncadd.s32 $0xFFFFFFE0  }
0xa0: {  	v3 =	vld [tilespmem:$0xA300];
	_ =	sdelay $0x4  }
0xa1: {  	v4 =	vshll.u32 v3, $0x1  }
0xa2: {  	v3 =	vand.u32 $0x7, v3;
	v4 =	vand.u32 $0xFFFFFFF0, v4  }
0xa3: {  	v3 =	vor.u32 v3, v4  }
0xa4: {  	v4 =	vperm.xlane v3, v0;
	_ =	sdelay $0x1  }
0xa5: {  	v3 =	vperm.xlane v3, v2;
	v4 =	vadd.s32 v1, v4;
	_ =	sdelay $0x1  }
0xa6: {  	v3 =	vadd.s32 v1, v3;
	_ =	sdelay $0x1  }
0xa7: {  	s2 =	simm.s32 $0xA480  }
0xa8: {  	[tilespmem:s2], [sflag:$0x7] =	stream.indirect_vreg.gather [hbm4b:s4+s3], $0x80, v4, vm0, $0xb8;
	[tilespmem:$0x15600] =	vst v63  }
0xa9: {  	s10 =	simm.s32 $0xAC80  }
0xaa: {  	[tilespmem:s10], [sflag:$0x7] =	stream.indirect_vreg.gather [hbm4b:s4+s3], $0x80, v3, vm0, $0xb8;
	[tilespmem:$0x15600] =	vst v63  }
0xab: {  	v3 =	vld [tilespmem:$0xA310];
	_ =	sdelay $0x4  }
0xac: {  	v4 =	vshll.u32 v3, $0x1  }
0xad: {  	v3 =	vand.u32 $0x7, v3;
	v4 =	vand.u32 $0xFFFFFFF0, v4  }
0xae: {  	v3 =	vor.u32 v3, v4  }
0xaf: {  	v4 =	vperm.xlane v3, v0;
	_ =	sdelay $0x1  }
0xb0: {  	v3 =	vperm.xlane v3, v2;
	v4 =	vadd.s32 v1, v4;
	_ =	sdelay $0x1  }
0xb1: {  	v3 =	vadd.s32 v1, v3;
	_ =	sdelay $0x1  }
0xb2: {  	s12 =	simm.s32 $0xB480  }
0xb3: {  	[tilespmem:s12], [sflag:$0x7] =	stream.indirect_vreg.gather [hbm4b:s4+s3], $0x80, v4, vm0, $0xb8;
	[tilespmem:$0x15600] =	vst v63  }
0xb4: {  	s13 =	simm.s32 $0xBC80  }
0xb5: {  	[tilespmem:s13], [sflag:$0x7] =	stream.indirect_vreg.gather [hbm4b:s4+s3], $0x80, v3, vm0, $0xb8;
	[tilespmem:$0x15600] =	vst v63  }
0xb6: {  	v3 =	vld [tilespmem:$0xA380];
	_ =	sdelay $0x4  }
0xb7: {  	v4 =	vshll.u32 v3, $0x1  }
0xb8: {  	v3 =	vand.u32 $0x7, v3;
	v4 =	vand.u32 $0xFFFFFFF0, v4  }
0xb9: {  	v3 =	vor.u32 v3, v4  }
0xba: {  	v4 =	vperm.xlane v3, v0;
	_ =	sdelay $0x1  }
0xbb: {  	v3 =	vperm.xlane v3, v2;
	v4 =	vadd.s32 v1, v4;
	_ =	sdelay $0x1  }
0xbc: {  	v3 =	vadd.s32 v1, v3;
	_ =	sdelay $0x1  }
0xbd: {  	s14 =	simm.s32 $0xC480  }
0xbe: {  	[tilespmem:s14], [sflag:$0x7] =	stream.indirect_vreg.gather [hbm4b:s4+s3], $0x80, v4, vm0, $0xb8;
	[tilespmem:$0x15600] =	vst v63  }
0xbf: {  	s21 =	simm.s32 $0xCC80  }
0xc0: {  	[tilespmem:s21], [sflag:$0x7] =	stream.indirect_vreg.gather [hbm4b:s4+s3], $0x80, v3, vm0, $0xb8;
	[tilespmem:$0x15600] =	vst v63  }
0xc1: {  	v3 =	vld [tilespmem:$0xA390];
	_ =	sdelay $0x4  }
0xc2: {  	v4 =	vshll.u32 v3, $0x1  }
0xc3: {  	v3 =	vand.u32 $0x7, v3;
	v4 =	vand.u32 $0xFFFFFFF0, v4  }
0xc4: {  	v3 =	vor.u32 v3, v4  }
0xc5: {  	v4 =	vperm.xlane v3, v0;
	_ =	sdelay $0x1  }
0xc6: {  	v3 =	vperm.xlane v3, v2;
	v4 =	vadd.s32 v1, v4;
	_ =	sdelay $0x1  }
0xc7: {  	v3 =	vadd.s32 v1, v3;
	_ =	sdelay $0x1  }
0xc8: {  	s28 =	simm.s32 $0xD480  }
0xc9: {  	[tilespmem:s28], [sflag:$0x7] =	stream.indirect_vreg.gather [hbm4b:s4+s3], $0x80, v4, vm0, $0xb8;
	[tilespmem:$0x15600] =	vst v63  }
0xca: {  	s6 =	simm.s32 $0xDC80  }
0xcb: {  	[tilespmem:s6], [sflag:$0x7] =	stream.indirect_vreg.gather [hbm4b:s4+s3], $0x80, v3, vm0, $0xb8;
	[tilespmem:$0x15600] =	vst v63  }
0xcc: {  	v3 =	vld [tilespmem:$0xA400];
	_ =	sdelay $0x4  }
0xcd: {  	v4 =	vshll.u32 v3, $0x1  }
0xce: {  	v3 =	vand.u32 $0x7, v3;
	v4 =	vand.u32 $0xFFFFFFF0, v4  }
0xcf: {  	v3 =	vor.u32 v3, v4  }
0xd0: {  	v4 =	vperm.xlane v3, v0;
	_ =	sdelay $0x1  }
0xd1: {  	v3 =	vperm.xlane v3, v2;
	v4 =	vadd.s32 v1, v4;
	_ =	sdelay $0x1  }
0xd2: {  	v3 =	vadd.s32 v1, v3;
	_ =	sdelay $0x1  }
0xd3: {  	s10 =	simm.s32 $0xE480  }
0xd4: {  	[tilespmem:s10], [sflag:$0x7] =	stream.indirect_vreg.gather [hbm4b:s4+s3], $0x80, v4, vm0, $0xb8;
	[tilespmem:$0x15600] =	vst v63  }
0xd5: {  	s12 =	simm.s32 $0xEC80  }
0xd6: {  	[tilespmem:s12], [sflag:$0x7] =	stream.indirect_vreg.gather [hbm4b:s4+s3], $0x80, v3, vm0, $0xb8;
	[tilespmem:$0x15600] =	vst v63  }
0xd7: {  	v3 =	vld [tilespmem:$0xA410];
	_ =	sdelay $0x4  }
0xd8: {  	v4 =	vshll.u32 v3, $0x1  }
0xd9: {  	v3 =	vand.u32 $0x7, v3;
	v4 =	vand.u32 $0xFFFFFFF0, v4  }
0xda: {  	v3 =	vor.u32 v3, v4  }
0xdb: {  	v4 =	vperm.xlane v3, v0;
	_ =	sdelay $0x1  }
0xdc: {  	v3 =	vperm.xlane v3, v2;
	v4 =	vadd.s32 v1, v4;
	_ =	sdelay $0x1  }
0xdd: {  	v3 =	vadd.s32 v1, v3;
	_ =	sdelay $0x1  }
0xde: {  	s13 =	simm.s32 $0xF480  }
0xdf: {  	[tilespmem:s13], [sflag:$0x7] =	stream.indirect_vreg.gather [hbm4b:s4+s3], $0x80, v4, vm0, $0xb8;
	[tilespmem:$0x15600] =	vst v63  }
0xe0: {  	s14 =	simm.s32 $0xFC80  }
0xe1: {  	[tilespmem:s14], [sflag:$0x7] =	stream.indirect_vreg.gather [hbm4b:s4+s3], $0x80, v3, vm0, $0xb8;
	[tilespmem:$0x15600] =	vst v63  }
0xe2: {  	_ =	swait.ge [sflag:s15], $0x2000  }
0xe3: {  	[sflag:s15] =	ssyncset.done $0x0  }
0xe4: {  	[sflag:s15] =	ssyncadd.s32 $0xFFFFE000  }
0xe5: {  	_ =	swait.ge [sflag:s15], $0x2000  }
0xe6: {  	[sflag:s15] =	ssyncset.done $0x0  }
0xe7: {  	[sflag:s15] =	ssyncadd.s32 $0xFFFFE000  }
0xe8: {  	_ =	swait.ge [sflag:s15], $0x2000  }
0xe9: {  	[sflag:s15] =	ssyncset.done $0x0  }
0xea: {  	[sflag:s15] =	ssyncadd.s32 $0xFFFFE000  }
0xeb: {  	_ =	swait.ge [sflag:s17], $0x20  }
0xec: {  	[sflag:s17] =	ssyncset.done $0x0  }
0xed: {  	[sflag:s17] =	ssyncadd.s32 $0xFFFFFFE0  }
0xee: {  	_ =	swait.ge [sflag:s17], $0x20  }
0xef: {  	[sflag:s17] =	ssyncset.done $0x0  }
0xf0: {  	[sflag:s17] =	ssyncadd.s32 $0xFFFFFFE0  }
0xf1: {  	_ =	swait.ge [sflag:s17], $0x20  }
0xf2: {  	[sflag:s17] =	ssyncset.done $0x0  }
0xf3: {  	[sflag:s17] =	ssyncadd.s32 $0xFFFFFFE0  }
0xf4: {  	_ =	swait.ge [sflag:s20], $0x2000  }
0xf5: {  	p0 =	seq.s32 s29, $0x0;
	[sflag:s20] =	ssyncset.done $0x0  }
0xf6: {  	s2 =	simm.s32 @!p0 $0x5;
	[sflag:s20] =	ssyncadd.s32 $0xFFFFE000  }
0xf7: {  	s10 =	simm.s32 $0x0;
	_ =	swait.ge @!p0 [sflag:s2], $0x2000  }
0xf8: {  	s6 =	sand.u32 $0x1800, s10;
	s12 =	sand.u32 $0x380, s10;
	[sflag:s2] =	ssyncset.done @!p0 $0x0  }
0xf9: {  	s6 =	sor.u32 s12, s6;
	[sflag:s2] =	ssyncadd.s32 @!p0 $0xFFFFE000  }
0xfa: {  	v29 =	vld [tilespmem:s6+$0x180]  }
0xfb: {  	v24 =	vld [tilespmem:s6+$0x190]  }
0xfc: {  	v30 =	vld [tilespmem:s6+$0x1A0]  }
0xfd: {  	v5 =	vld [tilespmem:s6+$0x1B0]  }
0xfe: {  	v37 =	vld [tilespmem:s6+$0x1C0]  }
0xff: {  	v9 =	vld [tilespmem:s6+$0x1D0]  }
0x100: {  	v44 =	vld [tilespmem:s6+$0x1E0]  }
0x101: {  	v11 =	vld [tilespmem:s6+$0x1F0]  }
0x102: {  	v17 =	vld [tilespmem:s6+$0x580]  }
0x103: {  	v27 =	vld [tilespmem:s6+$0x590]  }
0x104: {  	v15 =	vld [tilespmem:s6+$0x21A0]  }
0x105: {  	v14 =	vld [tilespmem:s6+$0x6360]  }
0x106: {  	v8 =	vld [tilespmem:s6+$0x5C0]  }
0x107: {  	v4 =	vld [tilespmem:s6+$0x4190]  }
0x108: {  	v3 =	vld [tilespmem:s6+$0x4580]  }
0x109: {  	v7 =	vld [tilespmem:s6+$0x21B0]  }
0x10a: {  	v6 =	vld [tilespmem:s6+$0x2580]  }
0x10b: {  	v10 =	vld [tilespmem:s6+$0x6330]  }
0x10c: {  	v13 =	vld [tilespmem:s6+$0x41D0]  }
0x10d: {  	v12 =	vld [tilespmem:s6+$0x6700]  }
0x10e: {  	v16 =	vld [tilespmem:s6+$0x41F0]  }
0x10f: {  	v19 =	vld [tilespmem:s6+$0x6750]  }
0x110: {  	v20 =	vld [tilespmem:s6+$0x21D0]  }
0x111: {  	v22 =	vld [tilespmem:s6+$0x41E0]  }
0x112: {  	v23 =	vld [tilespmem:s6+$0x6350]  }
0x113: {  	v21 =	vld [tilespmem:s6+$0x25B0]  }
0x114: {  	v26 =	vld [tilespmem:s6+$0x6370]  }
0x115: {  	v31 =	vld [tilespmem:s6+$0x6730]  }
0x116: {  	v33 =	vld [tilespmem:s6+$0x45F0]  }
0x117: {  	v34 =	vld [tilespmem:s6+$0x6770]  }
0x118: {  	v35 =	vld [tilespmem:s6+$0x5B0]  }
0x119: {  	v40 =	vld [tilespmem:s6+$0x41A0]  }
0x11a: {  	v41 =	vld [tilespmem:s6+$0x5F0]  }
0x11b: {  	v45 =	vld [tilespmem:s6+$0x25F0]  }
0x11c: {  	v46 =	vld [tilespmem:s6+$0x6720]  }
0x11d: {  	v48 =	vld [tilespmem:s6+$0x5A0]  }
0x11e: {  	v50 =	vld [tilespmem:s6+$0x6320]  }
0x11f: {  	v58 =	vld [tilespmem:s6+$0x6760]  }
0x120: {  	v47 =	vld [tilespmem:s6+$0x25E0]  }
0x121: {  	v52 =	vld [tilespmem:s6+$0x21F0]  }
0x122: {  	v28 =	vld [tilespmem:s6+$0x41B0]  }
0x123: {  	v36 =	vld [tilespmem:s6+$0x45E0]  }
0x124: {  	v39 =	vld [tilespmem:s6+$0x6710]  }
0x125: {  	s28 =	simm.s32 $0x14600;
	v43 =	vld [tilespmem:s6+$0x5E0]  }
0x126: {  	s21 =	sand.u32 $0x10, s10;
	v25 =	vld [tilespmem:s28+$0x0]  }
0x127: {  	v32 =	vld [tilespmem:s21+$0x6180]  }
0x128: {  	v18 =	vld [tilespmem:s21+$0x6280]  }
0x129: {  	v42 =	vld [tilespmem:s21+$0x6200]  }
0x12a: {  	v49 =	vld [tilespmem:s6+$0x45A0]  }
0x12b: {  	v51 =	vld [tilespmem:s6+$0x45B0];
	v25 =	vand.u32 $0xF, v25  }
0x12c: {  	v54 =	vld [tilespmem:s6+$0x6310];
	v38 =	vperm.xlane v32, v25  }
0x12d: {  	v56 =	vld [tilespmem:s6+$0x41C0];
	v18 =	vperm.xlane v18, v25  }
0x12e: {  	v60 =	vld [tilespmem:s6+$0x25A0];
	v25 =	vperm.xlane v42, v25;
	v59 =	vmul.f32 v27, v38  }
0x12f: {  	v57 =	vld [tilespmem:s6+$0x25C0];
	v32 =	vmul.f32 v49, v18;
	v62 =	vmul.f32 v24, v38  }
0x130: {  	v61 =	vld [tilespmem:s6+$0x6300];
	v28 =	vmul.f32 v28, v18;
	v27 =	vmul.f32 v51, v18  }
0x131: {  	v55 =	vld [tilespmem:s6+$0x2180];
	v63 =	vmul.f32 v43, v38;
	v53 =	vmul.f32 v30, v38  }
0x132: {  	v42 =	vld [tilespmem:s6+$0x4180];
	v24 =	vmul.f32 v36, v18;
	v49 =	vmul.f32 v56, v18  }
0x133: {  	v36 =	vld [tilespmem:s6+$0x25D0];
	v44 =	vmul.f32 v44, v38;
	v51 =	vmul.f32 v60, v25  }
0x134: {  	v52 =	vmul.f32 v52, v25;
	v30 =	vadd.f32 v59, v39;
	v59 =	vmul.f32 v29, v38;
	v39 =	vld [tilespmem:s6+$0x21C0]  }
0x135: {  	s30 =	simm.s32 $0x1;
	s31 =	simm.s32 $0x14680;
	v43 =	vadd.f32 v62, v54;
	v29 =	vmul.f32 v57, v25;
	v54 =	vld [tilespmem:s6+$0x2190];
	v57 =	vmul.f32 v47, v25  }
0x136: {  	s10 =	sshll.u32 s29, $0x6;
	s12 =	simm.s32 $0x80;
	s2 =	simm.s32 $0x100;
	v47 =	vmul.f32 v37, v38;
	v37 =	vld [tilespmem:s6+$0x21E0];
	v58 =	vadd.f32 v63, v58;
	v56 =	vadd.f32 v59, v61  }
.LBB2_3:
0x137: {  	s13 =	sand.u32 $0x10, s30;
	s14 =	sand.u32 $0x1800, s2;
	s21 =	sand.u32 $0x380, s12;
	v55 =	vmul.f32 v55, v25;
	v59 =	vmul.f32 v42, v18;
	v50 =	vadd.f32 v53, v50;
	v53 =	vld [tilespmem:s6+$0x5D0]  }
0x138: {  	p1 =	sne.s32 s30, $0x1F;
	s30 =	sadd.s32 $0x1, s30;
	v48 =	vmul.f32 v48, v38;
	s14 =	sor.u32 s21, s14;
	v60 =	vld [tilespmem:s6+$0x6340];
	v61 =	vmul.f32 v36, v25;
	v57 =	vadd.f32 v57, v58  }
0x139: {  	v58 =	vmul.f32 v17, v38;
	v36 =	vld [tilespmem:s14+$0x180];
	v55 =	vadd.f32 v55, v56;
	v56 =	vmul.f32 v39, v25  }
0x13a: {  	v45 =	vmul.f32 v45, v25;
	v46 =	vadd.f32 v48, v46;
	v42 =	vld [tilespmem:s14+$0x190];
	v54 =	vmul.f32 v54, v25  }
0x13b: {  	v39 =	vld [tilespmem:s14+$0x1A0];
	v17 =	vadd.f32 v59, v55;
	v48 =	vmul.f32 v37, v25;
	v55 =	vmul.f32 v11, v38  }
0x13c: {  	v14 =	vadd.f32 v44, v14;
	v62 =	vmul.f32 v8, v38;
	v11 =	vmul.f32 v15, v25;
	v59 =	vld [tilespmem:s14+$0x1B0]  }
0x13d: {  	v15 =	vmul.f32 v41, v38;
	v53 =	vmul.f32 v53, v38;
	v37 =	vld [tilespmem:s14+$0x1C0];
	v8 =	vadd.f32 v47, v60  }
0x13e: {  	v40 =	vmul.f32 v40, v18;
	v35 =	vmul.f32 v35, v38;
	v47 =	vadd.f32 v11, v50;
	v41 =	vld [tilespmem:s14+$0x1D0]  }
0x13f: {  	v33 =	vmul.f32 v33, v18;
	v48 =	vadd.f32 v48, v14;
	v14 =	vadd.f32 v15, v34;
	v44 =	vld [tilespmem:s14+$0x1E0];
	[tilespmem:s6+$0x8300] =	vst v17  }
0x140: {  	v9 =	vmul.f32 v9, v38;
	v31 =	vadd.f32 v35, v31;
	v15 =	vadd.f32 v40, v47;
	v11 =	vld [tilespmem:s14+$0x1F0]  }
0x141: {  	v21 =	vmul.f32 v21, v25;
	v26 =	vadd.f32 v55, v26;
	v34 =	vadd.f32 v45, v14;
	v17 =	vld [tilespmem:s14+$0x580]  }
0x142: {  	v35 =	vmul.f32 v5, v38;
	v38 =	vadd.f32 v51, v46;
	v8 =	vadd.f32 v56, v8;
	v47 =	vld [tilespmem:s14+$0x590];
	[tilespmem:s6+$0x8320] =	vst v15  }
0x143: {  	v22 =	vmul.f32 v22, v18;
	v23 =	vadd.f32 v9, v23;
	v26 =	vadd.f32 v52, v26;
	v5 =	vmovc v59;
	v15 =	vld [tilespmem:s14+$0x21A0]  }
0x144: {  	v20 =	vmul.f32 v20, v25;
	v19 =	vadd.f32 v53, v19;
	v40 =	vadd.f32 v49, v8;
	v9 =	vmovc v41;
	v14 =	vld [tilespmem:s14+$0x6360]  }
0x145: {  	v16 =	vmul.f32 v16, v18;
	v12 =	vadd.f32 v58, v12;
	v22 =	vadd.f32 v22, v48;
	v8 =	vld [tilespmem:s14+$0x5C0]  }
0x146: {  	v13 =	vmul.f32 v13, v18;
	v20 =	vadd.f32 v20, v23;
	v21 =	vadd.f32 v21, v31;
	[tilespmem:s6+$0x8340] =	vst v40;
	v23 =	vld [tilespmem:s6+$0x2590]  }
0x147: {  	v6 =	vmul.f32 v6, v25;
	v10 =	vadd.f32 v35, v10;
	v16 =	vadd.f32 v16, v26;
	v26 =	vld [tilespmem:s6+$0x45D0]  }
0x148: {  	v7 =	vmul.f32 v7, v25;
	v13 =	vadd.f32 v13, v20;
	v31 =	vadd.f32 v33, v34;
	v20 =	vld [tilespmem:s6+$0x4590]  }
0x149: {  	v3 =	vmul.f32 v3, v18;
	v6 =	vadd.f32 v6, v12;
	v33 =	vadd.f32 v54, v43;
	[tilespmem:s6+$0x8360] =	vst v22;
	v12 =	vld [tilespmem:s6+$0x6740]  }
0x14a: {  	v7 =	vadd.f32 v7, v10;
	v10 =	vadd.f32 v32, v38;
	v22 =	vmul.f32 v4, v18;
	[tilespmem:s6+$0x8350] =	vst v13;
	v32 =	vld [tilespmem:s6+$0x45C0]  }
0x14b: {  	v34 =	vadd.f32 v3, v6;
	v13 =	vadd.f32 v61, v19;
	v4 =	vld [tilespmem:s14+$0x4190];
	[tilespmem:s6+$0x8370] =	vst v16;
	v6 =	vmul.f32 v23, v25  }
0x14c: {  	v19 =	vadd.f32 v28, v7;
	v16 =	vadd.f32 v22, v33;
	v3 =	vld [tilespmem:s14+$0x4580];
	v22 =	vmul.f32 v26, v18;
	[tilespmem:s6+$0x8770] =	vst v31  }
0x14d: {  	v21 =	vadd.f32 v27, v21;
	v7 =	vld [tilespmem:s14+$0x21B0];
	v23 =	vadd.f32 v6, v30;
	v20 =	vmul.f32 v20, v18;
	[tilespmem:s6+$0x8720] =	vst v10  }
0x14e: {  	v6 =	vld [tilespmem:s14+$0x2580];
	[tilespmem:s6+$0x8310] =	vst v16;
	v12 =	vadd.f32 v62, v12;
	v22 =	vadd.f32 v22, v13  }
0x14f: {  	v16 =	vadd.f32 v24, v57;
	v10 =	vld [tilespmem:s14+$0x6330];
	v20 =	vadd.f32 v20, v23;
	[tilespmem:s6+$0x8730] =	vst v21  }
0x150: {  	v18 =	vmul.f32 v32, v18;
	v13 =	vld [tilespmem:s14+$0x41D0];
	[tilespmem:s6+$0x8330] =	vst v19;
	v19 =	vadd.f32 v29, v12  }
0x151: {  	v12 =	vld [tilespmem:s14+$0x6700];
	[tilespmem:s6+$0x8760] =	vst v16  }
0x152: {  	v16 =	vld [tilespmem:s14+$0x41F0];
	v18 =	vadd.f32 v18, v19;
	[tilespmem:s6+$0x8750] =	vst v22  }
0x153: {  	v19 =	vld [tilespmem:s14+$0x6750];
	[tilespmem:s6+$0x8710] =	vst v20  }
0x154: {  	v20 =	vld [tilespmem:s14+$0x21D0];
	[tilespmem:s6+$0x8740] =	vst v18  }
0x155: {  	v22 =	vld [tilespmem:s14+$0x41E0];
	[tilespmem:s6+$0x8700] =	vst v34;
	s6 =	smov.u32 s14  }
0x156: {  	v23 =	vld [tilespmem:s6+$0x6350]  }
0x157: {  	v21 =	vld [tilespmem:s6+$0x25B0]  }
0x158: {  	v26 =	vld [tilespmem:s6+$0x6370]  }
0x159: {  	v31 =	vld [tilespmem:s6+$0x6730]  }
0x15a: {  	v33 =	vld [tilespmem:s6+$0x45F0]  }
0x15b: {  	v34 =	vld [tilespmem:s6+$0x6770]  }
0x15c: {  	v35 =	vld [tilespmem:s6+$0x5B0]  }
0x15d: {  	v40 =	vld [tilespmem:s6+$0x41A0]  }
0x15e: {  	v41 =	vld [tilespmem:s6+$0x5F0]  }
0x15f: {  	v45 =	vld [tilespmem:s6+$0x25F0]  }
0x160: {  	v46 =	vld [tilespmem:s6+$0x6720]  }
0x161: {  	v48 =	vld [tilespmem:s6+$0x5A0]  }
0x162: {  	v50 =	vld [tilespmem:s6+$0x6320]  }
0x163: {  	v58 =	vld [tilespmem:s6+$0x6760]  }
0x164: {  	v52 =	vld [tilespmem:s6+$0x25E0]  }
0x165: {  	v59 =	vld [tilespmem:s6+$0x21F0]  }
0x166: {  	v24 =	vld [tilespmem:s6+$0x41B0]  }
0x167: {  	v29 =	vld [tilespmem:s6+$0x45E0]  }
0x168: {  	v27 =	vld [tilespmem:s6+$0x6710]  }
0x169: {  	v43 =	vld [tilespmem:s6+$0x5E0]  }
0x16a: {  	v18 =	vld [tilespmem:s13+$0x6280]  }
0x16b: {  	v25 =	vld [tilespmem:s31+$0x0]  }
0x16c: {  	v28 =	vld [tilespmem:s13+$0x6180]  }
0x16d: {  	v30 =	vld [tilespmem:s13+$0x6200]  }
0x16e: {  	v32 =	vld [tilespmem:s6+$0x45A0]  }
0x16f: {  	v49 =	vld [tilespmem:s6+$0x45B0]  }
0x170: {  	v25 =	vand.u32 $0xF, v25;
	v51 =	vld [tilespmem:s6+$0x6310]  }
0x171: {  	v38 =	vperm.xlane v28, v25;
	v18 =	vperm.xlane v18, v25;
	v54 =	vld [tilespmem:s6+$0x41C0]  }
0x172: {  	v25 =	vperm.xlane v30, v25;
	v56 =	vld [tilespmem:s6+$0x25C0]  }
0x173: {  	v30 =	vmul.f32 v47, v38;
	v47 =	vld [tilespmem:s6+$0x25A0];
	v32 =	vmul.f32 v32, v18  }
0x174: {  	v53 =	vmul.f32 v42, v38;
	v28 =	vmul.f32 v24, v18;
	v57 =	vld [tilespmem:s6+$0x6300]  }
0x175: {  	v60 =	vmul.f32 v43, v38;
	v42 =	vld [tilespmem:s6+$0x4180];
	v30 =	vadd.f32 v30, v27;
	v27 =	vmul.f32 v49, v18  }
.Ltmp2:
0x176: {  	v24 =	vmul.f32 v29, v18;
	v43 =	vadd.f32 v53, v51;
	v53 =	vmul.f32 v39, v38;
	v55 =	vld [tilespmem:s6+$0x2180];
	(pc) =	sbr.rel @p1 .LBB2_3-.Ltmp2, $4  }
0x177: {  	v51 =	vmul.f32 v36, v38;
	v49 =	vmul.f32 v54, v18;
	v36 =	vld [tilespmem:s6+$0x25D0]  }
0x178: {  	v44 =	vmul.f32 v44, v38;
	v29 =	vmul.f32 v56, v25;
	v39 =	vld [tilespmem:s6+$0x21C0]  }
0x179: {  	v56 =	vadd.f32 v51, v57;
	v54 =	vld [tilespmem:s6+$0x2190];
	v51 =	vmul.f32 v47, v25;
	v57 =	vmul.f32 v52, v25  }
0x17a: {  	s12 =	sadd.s32 $0x80, s12;
	s2 =	sadd.s32 $0x100, s2;
	s31 =	sadd.s32 $0x80, s31;
	v58 =	vadd.f32 v60, v58;
	v47 =	vmul.f32 v37, v38;
	v52 =	vmul.f32 v59, v25;
	v37 =	vld [tilespmem:s6+$0x21E0]  }
0x17b: {  	v55 =	vmul.f32 v55, v25  }
0x17c: {  	v42 =	vmul.f32 v42, v18;
	v48 =	vmul.f32 v48, v38  }
0x17d: {  	v17 =	vmul.f32 v17, v38;
	v15 =	vmul.f32 v15, v25  }
0x17e: {  	v45 =	vmul.f32 v45, v25;
	v40 =	vmul.f32 v40, v18  }
0x17f: {  	v11 =	vmul.f32 v11, v38;
	v41 =	vmul.f32 v41, v38  }
0x180: {  	v50 =	vadd.f32 v53, v50;
	v9 =	vmul.f32 v9, v38;
	v35 =	vmul.f32 v35, v38  }
0x181: {  	v14 =	vadd.f32 v44, v14;
	v63 =	vmul.f32 v22, v18;
	v20 =	vmul.f32 v20, v25  }
0x182: {  	v13 =	vmul.f32 v13, v18;
	v53 =	vadd.f32 v57, v58;
	v55 =	vadd.f32 v55, v56  }
0x183: {  	v5 =	vmul.f32 v5, v38;
	v46 =	vadd.f32 v48, v46;
	v15 =	vadd.f32 v15, v50  }
0x184: {  	v16 =	vmul.f32 v16, v18;
	v34 =	vadd.f32 v41, v34;
	v9 =	vadd.f32 v9, v23  }
0x185: {  	v59 =	vld [tilespmem:s6+$0x6340];
	v7 =	vmul.f32 v7, v25;
	v11 =	vadd.f32 v11, v26;
	v12 =	vadd.f32 v17, v12  }
0x186: {  	v4 =	vmul.f32 v4, v18;
	v5 =	vadd.f32 v5, v10;
	v42 =	vadd.f32 v42, v55  }
0x187: {  	v8 =	vmul.f32 v8, v38;
	v15 =	vadd.f32 v40, v15;
	v9 =	vadd.f32 v20, v9  }
0x188: {  	v6 =	vmul.f32 v6, v25;
	v44 =	vadd.f32 v45, v34;
	v45 =	vadd.f32 v51, v46  }
0x189: {  	v61 =	vld [tilespmem:s6+$0x5D0];
	v3 =	vmul.f32 v3, v18;
	v11 =	vadd.f32 v52, v11;
	v5 =	vadd.f32 v7, v5  }
0x18a: {  	v39 =	vmul.f32 v39, v25;
	v47 =	vadd.f32 v47, v59;
	[tilespmem:s6+$0x8300] =	vst v42;
	v9 =	vadd.f32 v13, v9  }
0x18b: {  	v41 =	vld [tilespmem:s6+$0x2590];
	v54 =	vmul.f32 v54, v25;
	v6 =	vadd.f32 v6, v12;
	[tilespmem:s6+$0x8320] =	vst v15;
	v50 =	vadd.f32 v16, v11  }
0x18c: {  	v36 =	vmul.f32 v36, v25;
	v46 =	vld [tilespmem:s6+$0x4590];
	v55 =	vadd.f32 v32, v45;
	v39 =	vadd.f32 v39, v47;
	[tilespmem:s6+$0x8350] =	vst v9  }
0x18d: {  	v37 =	vmul.f32 v37, v25;
	v52 =	vadd.f32 v54, v43;
	v42 =	vld [tilespmem:s6+$0x45D0];
	v5 =	vadd.f32 v28, v5;
	[tilespmem:s6+$0x8370] =	vst v50  }
0x18e: {  	v62 =	vmul.f32 v61, v38;
	v3 =	vadd.f32 v3, v6;
	[tilespmem:s6+$0x8720] =	vst v55;
	v39 =	vadd.f32 v49, v39;
	v49 =	vld [tilespmem:s6+$0x6740]  }
0x18f: {  	v14 =	vadd.f32 v37, v14;
	v37 =	vmul.f32 v33, v18;
	v4 =	vadd.f32 v4, v52;
	[tilespmem:s6+$0x8330] =	vst v5  }
0x190: {  	v54 =	vld [tilespmem:s6+$0x45C0];
	v48 =	vadd.f32 v62, v19;
	v56 =	vmul.f32 v41, v25;
	v62 =	vadd.f32 v24, v53;
	[tilespmem:s6+$0x8700] =	vst v3  }
0x191: {  	v47 =	vmul.f32 v21, v25;
	v14 =	vadd.f32 v63, v14;
	v51 =	vadd.f32 v37, v44;
	[tilespmem:s6+$0x8310] =	vst v4  }
0x192: {  	v7 =	vadd.f32 v56, v30;
	v61 =	vmul.f32 v46, v18;
	[tilespmem:s6+$0x8340] =	vst v39;
	v39 =	vadd.f32 v35, v31  }
0x193: {  	v57 =	vadd.f32 v36, v48;
	[tilespmem:s6+$0x8760] =	vst v62;
	v59 =	vmul.f32 v42, v18;
	v60 =	vadd.f32 v8, v49  }
0x194: {  	[tilespmem:s6+$0x8360] =	vst v14;
	v7 =	vadd.f32 v61, v7;
	v13 =	vadd.f32 v47, v39  }
0x195: {  	p1 =	seq.s32 s29, $0xF;
	[tilespmem:s6+$0x8770] =	vst v51;
	v63 =	vmul.f32 v54, v18;
	v9 =	vadd.f32 v59, v57;
	v4 =	vadd.f32 v29, v60  }
.Ltmp3:
0x196: {  	[tilespmem:s6+$0x8710] =	vst v7;
	v58 =	vadd.f32 v27, v13;
	(pc) =	sbr.rel @p1 .LBB2_6-.Ltmp3, $4  }
0x197: {  	s2 =	sshll.u32 s29, $0xB;
	[tilespmem:s6+$0x8750] =	vst v9;
	v4 =	vadd.f32 v63, v4  }
0x198: {  	s28 =	rddreg [dreg:$0x2];
	s30 =	sadd.s32 s26, s2;
	[tilespmem:s6+$0x8730] =	vst v58  }
0x199: {  	s31 =	simm.s32 $0x8300;
	s2 =	sadd.s32 s28, s30;
	[tilespmem:s6+$0x8740] =	vst v4;
	s6 =	simm.s32 $0x420  }
0x19a: {  	[hbm4b:s2+s3] =	stream.linear.scatter [tilespmem:s31], [sflag:$0x5], $0x2000, $0x38;
	[tilespmem:$0x15600] =	vst v63  }
0x19b: {  	s2 =	rddreg [dreg:$0x14]  }
0x19c: {  	s2 =	sadd.s32 s10, s2  }
0x19d: {  	s6 =	sshrl.u32 s2, $0x3  }
0x19e: {  	s12 =	sadd.s32 s1, s6  }
0x19f: {  	[tilespmem:s3], [sflag:$0x1] =	stream.linear.gather [hbm4b:s12+s3], $0x20, $0x38;
	[tilespmem:$0x15600] =	vst v63  }
0x1a0: {  	s13 =	simm.s32 $0x80;
	s14 =	sadd.s32 s5, s6  }
0x1a1: {  	[tilespmem:s13], [sflag:$0x1] =	stream.linear.gather [hbm4b:s14+s3], $0x20, $0x38;
	[tilespmem:$0x15600] =	vst v63  }
0x1a2: {  	s21 =	simm.s32 $0x100;
	s28 =	sshll.u32 s2, $0x3;
	s6 =	sadd.s32 s7, s6  }
0x1a3: {  	[tilespmem:s21], [sflag:$0x1] =	stream.linear.gather [hbm4b:s6+s3], $0x20, $0x38;
	[tilespmem:$0x15600] =	vst v63  }
0x1a4: {  	s31 =	sand.u32 $0xFC0, s2;
	s6 =	sand.u32 $0x78000, s28  }
0x1a5: {  	s6 =	sor.u32 s31, s6  }
0x1a6: {  	s6 =	sshrl.u32 s6, $0x3  }
0x1a7: {  	s14 =	simm.s32 $0x6180;
	s13 =	sadd.s32 s8, s6  }
0x1a8: {  	[tilespmem:s14], [sflag:$0x3] =	stream.linear.gather [hbm4b:s13+s3], $0x20, $0x38;
	[tilespmem:$0x15600] =	vst v63  }
0x1a9: {  	s28 =	simm.s32 $0x6200;
	s21 =	sadd.s32 s6, s16  }
0x1aa: {  	[tilespmem:s28], [sflag:$0x3] =	stream.linear.gather [hbm4b:s21+s3], $0x20, $0x38;
	[tilespmem:$0x15600] =	vst v63  }
0x1ab: {  	s2 =	sshll.u32 s2, $0x5;
	s31 =	simm.s32 $0x6280;
	s6 =	sadd.s32 s6, s18  }
0x1ac: {  	[tilespmem:s31], [sflag:$0x3] =	stream.linear.gather [hbm4b:s6+s3], $0x20, $0x38;
	[tilespmem:$0x15600] =	vst v63  }
0x1ad: {  	s2 =	sadd.s32 s9, s2;
	s12 =	simm.s32 $0x6300  }
0x1ae: {  	[tilespmem:s12], [sflag:$0x4] =	stream.linear.gather [hbm4b:s2+s3], $0x2000, $0x38;
	[tilespmem:$0x15600] =	vst v63  }
0x1af: {  	_ =	swait.ge [sflag:s19], $0x20  }
0x1b0: {  	[sflag:s19] =	ssyncset.done $0x0  }
0x1b1: {  	[sflag:s19] =	ssyncadd.s32 $0xFFFFFFE0  }
0x1b2: {  	_ =	swait.ge [sflag:s19], $0x20  }
0x1b3: {  	[sflag:s19] =	ssyncset.done $0x0  }
0x1b4: {  	[sflag:s19] =	ssyncadd.s32 $0xFFFFFFE0  }
0x1b5: {  	_ =	swait.ge [sflag:s19], $0x20  }
0x1b6: {  	[sflag:s19] =	ssyncset.done $0x0  }
0x1b7: {  	[sflag:s19] =	ssyncadd.s32 $0xFFFFFFE0  }
0x1b8: {  	v3 =	vld [tilespmem:$0x0];
	_ =	sdelay $0x4  }
0x1b9: {  	v4 =	vshll.u32 v3, $0x1  }
0x1ba: {  	v3 =	vand.u32 $0x7, v3;
	v4 =	vand.u32 $0xFFFFFFF0, v4  }
0x1bb: {  	v3 =	vor.u32 v3, v4  }
0x1bc: {  	v4 =	vperm.xlane v3, v0;
	_ =	sdelay $0x1  }
0x1bd: {  	v3 =	vperm.xlane v3, v2;
	v4 =	vadd.s32 v1, v4;
	_ =	sdelay $0x1  }
0x1be: {  	v3 =	vadd.s32 v1, v3;
	_ =	sdelay $0x1  }
0x1bf: {  	s13 =	simm.s32 $0x180  }
0x1c0: {  	[tilespmem:s13], [sflag:$0x2] =	stream.indirect_vreg.gather [hbm4b:s4+s3], $0x80, v4, vm0, $0xb8;
	[tilespmem:$0x15600] =	vst v63  }
0x1c1: {  	s14 =	simm.s32 $0x980  }
0x1c2: {  	[tilespmem:s14], [sflag:$0x2] =	stream.indirect_vreg.gather [hbm4b:s4+s3], $0x80, v3, vm0, $0xb8;
	[tilespmem:$0x15600] =	vst v63  }
0x1c3: {  	v3 =	vld [tilespmem:$0x10];
	_ =	sdelay $0x4  }
0x1c4: {  	v59 =	vshll.u32 v3, $0x1  }
0x1c5: {  	v3 =	vand.u32 $0x7, v3;
	v4 =	vand.u32 $0xFFFFFFF0, v59  }
0x1c6: {  	v3 =	vor.u32 v3, v4  }
0x1c7: {  	v4 =	vperm.xlane v3, v0;
	_ =	sdelay $0x1  }
0x1c8: {  	v3 =	vperm.xlane v3, v2;
	v4 =	vadd.s32 v1, v4;
	_ =	sdelay $0x1  }
0x1c9: {  	v3 =	vadd.s32 v1, v3;
	_ =	sdelay $0x1  }
0x1ca: {  	s21 =	simm.s32 $0x1180  }
0x1cb: {  	[tilespmem:s21], [sflag:$0x2] =	stream.indirect_vreg.gather [hbm4b:s4+s3], $0x80, v4, vm0, $0xb8;
	[tilespmem:$0x15600] =	vst v63  }
0x1cc: {  	s28 =	simm.s32 $0x1980  }
0x1cd: {  	[tilespmem:s28], [sflag:$0x2] =	stream.indirect_vreg.gather [hbm4b:s4+s3], $0x80, v3, vm0, $0xb8;
	[tilespmem:$0x15600] =	vst v63  }
0x1ce: {  	v3 =	vld [tilespmem:$0x80];
	_ =	sdelay $0x4  }
0x1cf: {  	v60 =	vshll.u32 v3, $0x1  }
0x1d0: {  	v3 =	vand.u32 $0x7, v3;
	v4 =	vand.u32 $0xFFFFFFF0, v60  }
0x1d1: {  	v3 =	vor.u32 v3, v4  }
0x1d2: {  	v4 =	vperm.xlane v3, v0;
	_ =	sdelay $0x1  }
0x1d3: {  	v3 =	vperm.xlane v3, v2;
	v4 =	vadd.s32 v1, v4;
	_ =	sdelay $0x1  }
0x1d4: {  	v3 =	vadd.s32 v1, v3;
	_ =	sdelay $0x1  }
0x1d5: {  	s31 =	simm.s32 $0x2180  }
0x1d6: {  	[tilespmem:s31], [sflag:$0x2] =	stream.indirect_vreg.gather [hbm4b:s4+s3], $0x80, v4, vm0, $0xb8;
	[tilespmem:$0x15600] =	vst v63  }
0x1d7: {  	s6 =	simm.s32 $0x2980  }
0x1d8: {  	[tilespmem:s6], [sflag:$0x2] =	stream.indirect_vreg.gather [hbm4b:s4+s3], $0x80, v3, vm0, $0xb8;
	[tilespmem:$0x15600] =	vst v63  }
0x1d9: {  	v3 =	vld [tilespmem:$0x90];
	_ =	sdelay $0x4  }
0x1da: {  	v61 =	vshll.u32 v3, $0x1  }
0x1db: {  	v3 =	vand.u32 $0x7, v3;
	v4 =	vand.u32 $0xFFFFFFF0, v61  }
0x1dc: {  	v3 =	vor.u32 v3, v4  }
0x1dd: {  	v4 =	vperm.xlane v3, v0;
	_ =	sdelay $0x1  }
0x1de: {  	v3 =	vperm.xlane v3, v2;
	v4 =	vadd.s32 v1, v4;
	_ =	sdelay $0x1  }
0x1df: {  	v3 =	vadd.s32 v1, v3;
	_ =	sdelay $0x1  }
0x1e0: {  	s12 =	simm.s32 $0x3180  }
0x1e1: {  	[tilespmem:s12], [sflag:$0x2] =	stream.indirect_vreg.gather [hbm4b:s4+s3], $0x80, v4, vm0, $0xb8;
	[tilespmem:$0x15600] =	vst v63  }
0x1e2: {  	s13 =	simm.s32 $0x3980  }
0x1e3: {  	[tilespmem:s13], [sflag:$0x2] =	stream.indirect_vreg.gather [hbm4b:s4+s3], $0x80, v3, vm0, $0xb8;
	[tilespmem:$0x15600] =	vst v63  }
0x1e4: {  	v3 =	vld [tilespmem:$0x100];
	_ =	sdelay $0x4  }
0x1e5: {  	v62 =	vshll.u32 v3, $0x1  }
0x1e6: {  	v3 =	vand.u32 $0x7, v3;
	v4 =	vand.u32 $0xFFFFFFF0, v62  }
0x1e7: {  	v3 =	vor.u32 v3, v4  }
0x1e8: {  	v4 =	vperm.xlane v3, v0;
	_ =	sdelay $0x1  }
0x1e9: {  	v3 =	vperm.xlane v3, v2;
	v4 =	vadd.s32 v1, v4;
	_ =	sdelay $0x1  }
0x1ea: {  	v3 =	vadd.s32 v1, v3;
	_ =	sdelay $0x1  }
0x1eb: {  	s14 =	simm.s32 $0x4180  }
0x1ec: {  	[tilespmem:s14], [sflag:$0x2] =	stream.indirect_vreg.gather [hbm4b:s4+s3], $0x80, v4, vm0, $0xb8;
	[tilespmem:$0x15600] =	vst v63  }
0x1ed: {  	s21 =	simm.s32 $0x4980  }
0x1ee: {  	[tilespmem:s21], [sflag:$0x2] =	stream.indirect_vreg.gather [hbm4b:s4+s3], $0x80, v3, vm0, $0xb8;
	[tilespmem:$0x15600] =	vst v63  }
0x1ef: {  	v3 =	vld [tilespmem:$0x110];
	_ =	sdelay $0x4  }
0x1f0: {  	v63 =	vshll.u32 v3, $0x1  }
0x1f1: {  	v3 =	vand.u32 $0x7, v3;
	v4 =	vand.u32 $0xFFFFFFF0, v63  }
0x1f2: {  	v3 =	vor.u32 v3, v4  }
0x1f3: {  	v4 =	vperm.xlane v3, v0;
	_ =	sdelay $0x1  }
0x1f4: {  	v3 =	vperm.xlane v3, v2;
	v4 =	vadd.s32 v1, v4;
	_ =	sdelay $0x1  }
0x1f5: {  	v3 =	vadd.s32 v1, v3;
	_ =	sdelay $0x1  }
0x1f6: {  	s28 =	simm.s32 $0x5180  }
0x1f7: {  	[tilespmem:s28], [sflag:$0x2] =	stream.indirect_vreg.gather [hbm4b:s4+s3], $0x80, v4, vm0, $0xb8;
	[tilespmem:$0x15600] =	vst v63  }
0x1f8: {  	s31 =	simm.s32 $0x5980;
	s6 =	sadd.s32 $0x60, s10  }
0x1f9: {  	[tilespmem:s31], [sflag:$0x2] =	stream.indirect_vreg.gather [hbm4b:s4+s3], $0x80, v3, vm0, $0xb8;
	[tilespmem:$0x15600] =	vst v63  }
.LBB2_6:
0x1fa: {  	_ =	swait.ge [sflag:s22], $0x2000  }
0x1fb: {  	[sflag:s22] =	ssyncset.done $0x0  }
0x1fc: {  	[sflag:s22] =	ssyncadd.s32 $0xFFFFE000  }
0x1fd: {  	_ =	swait.ge [sflag:s22], $0x2000  }
0x1fe: {  	[sflag:s22] =	ssyncset.done $0x0  }
0x1ff: {  	[sflag:s22] =	ssyncadd.s32 $0xFFFFE000  }
0x200: {  	_ =	swait.ge [sflag:s22], $0x2000  }
0x201: {  	[sflag:s22] =	ssyncset.done $0x0  }
0x202: {  	[sflag:s22] =	ssyncadd.s32 $0xFFFFE000  }
0x203: {  	_ =	swait.ge [sflag:s24], $0x20  }
0x204: {  	[sflag:s24] =	ssyncset.done $0x0  }
0x205: {  	[sflag:s24] =	ssyncadd.s32 $0xFFFFFFE0  }
0x206: {  	_ =	swait.ge [sflag:s24], $0x20  }
0x207: {  	[sflag:s24] =	ssyncset.done $0x0  }
0x208: {  	[sflag:s24] =	ssyncadd.s32 $0xFFFFFFE0  }
0x209: {  	_ =	swait.ge [sflag:s24], $0x20  }
0x20a: {  	[sflag:s24] =	ssyncset.done $0x0  }
0x20b: {  	[sflag:s24] =	ssyncadd.s32 $0xFFFFFFE0  }
0x20c: {  	_ =	swait.ge [sflag:s25], $0x2000  }
0x20d: {  	[sflag:s25] =	ssyncset.done $0x0  }
0x20e: {  	s2 =	simm.s32 @!p0 $0xA;
	[sflag:s25] =	ssyncadd.s32 $0xFFFFE000  }
0x20f: {  	s12 =	simm.s32 $0x0;
	_ =	swait.ge @!p0 [sflag:s2], $0x2000  }
0x210: {  	s10 =	sand.u32 $0x1800, s12;
	s13 =	sand.u32 $0x380, s12;
	[sflag:s2] =	ssyncset.done @!p0 $0x0  }
0x211: {  	s10 =	sor.u32 s13, s10;
	[sflag:s2] =	ssyncadd.s32 @!p0 $0xFFFFE000  }
0x212: {  	v29 =	vld [tilespmem:s10+$0xA480]  }
0x213: {  	v24 =	vld [tilespmem:s10+$0xA490]  }
0x214: {  	v30 =	vld [tilespmem:s10+$0xA4A0]  }
0x215: {  	v5 =	vld [tilespmem:s10+$0xA4B0]  }
0x216: {  	v37 =	vld [tilespmem:s10+$0xA4C0]  }
0x217: {  	v9 =	vld [tilespmem:s10+$0xA4D0]  }
0x218: {  	v44 =	vld [tilespmem:s10+$0xA4E0]  }
0x219: {  	v11 =	vld [tilespmem:s10+$0xA4F0]  }
0x21a: {  	v17 =	vld [tilespmem:s10+$0xA880]  }
0x21b: {  	v27 =	vld [tilespmem:s10+$0xA890]  }
0x21c: {  	v15 =	vld [tilespmem:s10+$0xC4A0]  }
0x21d: {  	v14 =	vld [tilespmem:s10+$0x10660]  }
0x21e: {  	v8 =	vld [tilespmem:s10+$0xA8C0]  }
0x21f: {  	v4 =	vld [tilespmem:s10+$0xE490]  }
0x220: {  	v3 =	vld [tilespmem:s10+$0xE880]  }
0x221: {  	v7 =	vld [tilespmem:s10+$0xC4B0]  }
0x222: {  	v6 =	vld [tilespmem:s10+$0xC880]  }
0x223: {  	v10 =	vld [tilespmem:s10+$0x10630]  }
0x224: {  	v13 =	vld [tilespmem:s10+$0xE4D0]  }
0x225: {  	v12 =	vld [tilespmem:s10+$0x10A00]  }
0x226: {  	v16 =	vld [tilespmem:s10+$0xE4F0]  }
0x227: {  	v19 =	vld [tilespmem:s10+$0x10A50]  }
0x228: {  	v20 =	vld [tilespmem:s10+$0xC4D0]  }
0x229: {  	v22 =	vld [tilespmem:s10+$0xE4E0]  }
0x22a: {  	v23 =	vld [tilespmem:s10+$0x10650]  }
0x22b: {  	v21 =	vld [tilespmem:s10+$0xC8B0]  }
0x22c: {  	v26 =	vld [tilespmem:s10+$0x10670]  }
0x22d: {  	v31 =	vld [tilespmem:s10+$0x10A30]  }
0x22e: {  	v33 =	vld [tilespmem:s10+$0xE8F0]  }
0x22f: {  	v34 =	vld [tilespmem:s10+$0x10A70]  }
0x230: {  	v36 =	vld [tilespmem:s10+$0xA8B0]  }
0x231: {  	v40 =	vld [tilespmem:s10+$0xE4A0]  }
0x232: {  	v41 =	vld [tilespmem:s10+$0xA8F0]  }
0x233: {  	v45 =	vld [tilespmem:s10+$0xC8F0]  }
0x234: {  	v46 =	vld [tilespmem:s10+$0x10A20]  }
0x235: {  	v48 =	vld [tilespmem:s10+$0xA8A0]  }
0x236: {  	v50 =	vld [tilespmem:s10+$0x10620]  }
0x237: {  	v58 =	vld [tilespmem:s10+$0x10A60]  }
0x238: {  	v47 =	vld [tilespmem:s10+$0xC8E0]  }
0x239: {  	v52 =	vld [tilespmem:s10+$0xC4F0]  }
0x23a: {  	v28 =	vld [tilespmem:s10+$0xE4B0]  }
0x23b: {  	v35 =	vld [tilespmem:s10+$0xE8E0]  }
0x23c: {  	v39 =	vld [tilespmem:s10+$0x10A10]  }
0x23d: {  	s28 =	simm.s32 $0x14600;
	v43 =	vld [tilespmem:s10+$0xA8E0]  }
0x23e: {  	s21 =	sand.u32 $0x10, s12;
	v25 =	vld [tilespmem:s28+$0x0]  }
0x23f: {  	v32 =	vld [tilespmem:s21+$0x10480]  }
0x240: {  	v18 =	vld [tilespmem:s21+$0x10580]  }
0x241: {  	v42 =	vld [tilespmem:s21+$0x10500]  }
0x242: {  	v49 =	vld [tilespmem:s10+$0xE8A0]  }
0x243: {  	v51 =	vld [tilespmem:s10+$0xE8B0];
	v25 =	vand.u32 $0xF, v25  }
0x244: {  	v53 =	vld [tilespmem:s10+$0x10610];
	v38 =	vperm.xlane v32, v25  }
0x245: {  	v56 =	vld [tilespmem:s10+$0xE4C0];
	v18 =	vperm.xlane v18, v25  }
0x246: {  	v60 =	vld [tilespmem:s10+$0xC8A0];
	v25 =	vperm.xlane v42, v25;
	v59 =	vmul.f32 v27, v38  }
0x247: {  	v57 =	vld [tilespmem:s10+$0xC8C0];
	v32 =	vmul.f32 v49, v18;
	v62 =	vmul.f32 v24, v38  }
0x248: {  	v61 =	vld [tilespmem:s10+$0x10600];
	v28 =	vmul.f32 v28, v18;
	v27 =	vmul.f32 v51, v18  }
0x249: {  	v55 =	vld [tilespmem:s10+$0xC480];
	v63 =	vmul.f32 v43, v38;
	v54 =	vmul.f32 v30, v38  }
0x24a: {  	v42 =	vld [tilespmem:s10+$0xE480];
	v24 =	vmul.f32 v35, v18;
	v49 =	vmul.f32 v56, v18  }
0x24b: {  	v35 =	vld [tilespmem:s10+$0xC8D0];
	v44 =	vmul.f32 v44, v38;
	v51 =	vmul.f32 v60, v25  }
0x24c: {  	v52 =	vmul.f32 v52, v25;
	v30 =	vadd.f32 v59, v39;
	v59 =	vmul.f32 v29, v38;
	v39 =	vld [tilespmem:s10+$0xC4C0]  }
0x24d: {  	s31 =	simm.s32 $0x100;
	v43 =	vadd.f32 v62, v53;
	v29 =	vmul.f32 v57, v25;
	v53 =	vld [tilespmem:s10+$0xC490];
	v57 =	vmul.f32 v47, v25  }
0x24e: {  	s12 =	simm.s32 $0x1;
	s13 =	simm.s32 $0x14680;
	s2 =	simm.s32 $0x80;
	v47 =	vmul.f32 v37, v38;
	v37 =	vld [tilespmem:s10+$0xC4E0];
	v58 =	vadd.f32 v63, v58;
	v56 =	vadd.f32 v59, v61  }
.LBB2_7:
0x24f: {  	s14 =	sand.u32 $0x10, s12;
	s21 =	sand.u32 $0x1800, s31;
	s28 =	sand.u32 $0x380, s2;
	v55 =	vmul.f32 v55, v25;
	v59 =	vmul.f32 v42, v18;
	v50 =	vadd.f32 v54, v50;
	v54 =	vld [tilespmem:s10+$0xA8D0]  }
0x250: {  	p0 =	sne.s32 s12, $0x1F;
	s12 =	sadd.s32 $0x1, s12;
	v48 =	vmul.f32 v48, v38;
	s21 =	sor.u32 s28, s21;
	v60 =	vld [tilespmem:s10+$0x10640];
	v61 =	vmul.f32 v35, v25;
	v57 =	vadd.f32 v57, v58  }
0x251: {  	v58 =	vmul.f32 v17, v38;
	v35 =	vld [tilespmem:s21+$0xA480];
	v55 =	vadd.f32 v55, v56;
	v56 =	vmul.f32 v39, v25  }
0x252: {  	v45 =	vmul.f32 v45, v25;
	v46 =	vadd.f32 v48, v46;
	v42 =	vld [tilespmem:s21+$0xA490];
	v53 =	vmul.f32 v53, v25  }
0x253: {  	v39 =	vld [tilespmem:s21+$0xA4A0];
	v17 =	vadd.f32 v59, v55;
	v48 =	vmul.f32 v37, v25;
	v55 =	vmul.f32 v11, v38  }
0x254: {  	v14 =	vadd.f32 v44, v14;
	v62 =	vmul.f32 v8, v38;
	v11 =	vmul.f32 v15, v25;
	v59 =	vld [tilespmem:s21+$0xA4B0]  }
0x255: {  	v15 =	vmul.f32 v41, v38;
	v54 =	vmul.f32 v54, v38;
	v37 =	vld [tilespmem:s21+$0xA4C0];
	v8 =	vadd.f32 v47, v60  }
0x256: {  	v40 =	vmul.f32 v40, v18;
	v36 =	vmul.f32 v36, v38;
	v47 =	vadd.f32 v11, v50;
	v41 =	vld [tilespmem:s21+$0xA4D0]  }
0x257: {  	v33 =	vmul.f32 v33, v18;
	v48 =	vadd.f32 v48, v14;
	v14 =	vadd.f32 v15, v34;
	v44 =	vld [tilespmem:s21+$0xA4E0];
	[tilespmem:s10+$0x12600] =	vst v17  }
0x258: {  	v9 =	vmul.f32 v9, v38;
	v31 =	vadd.f32 v36, v31;
	v15 =	vadd.f32 v40, v47;
	v11 =	vld [tilespmem:s21+$0xA4F0]  }
0x259: {  	v21 =	vmul.f32 v21, v25;
	v26 =	vadd.f32 v55, v26;
	v34 =	vadd.f32 v45, v14;
	v17 =	vld [tilespmem:s21+$0xA880]  }
0x25a: {  	v36 =	vmul.f32 v5, v38;
	v38 =	vadd.f32 v51, v46;
	v8 =	vadd.f32 v56, v8;
	v47 =	vld [tilespmem:s21+$0xA890];
	[tilespmem:s10+$0x12620] =	vst v15  }
0x25b: {  	v22 =	vmul.f32 v22, v18;
	v23 =	vadd.f32 v9, v23;
	v26 =	vadd.f32 v52, v26;
	v5 =	vmovc v59;
	v15 =	vld [tilespmem:s21+$0xC4A0]  }
0x25c: {  	v20 =	vmul.f32 v20, v25;
	v19 =	vadd.f32 v54, v19;
	v40 =	vadd.f32 v49, v8;
	v9 =	vmovc v41;
	v14 =	vld [tilespmem:s21+$0x10660]  }
0x25d: {  	v16 =	vmul.f32 v16, v18;
	v12 =	vadd.f32 v58, v12;
	v22 =	vadd.f32 v22, v48;
	v8 =	vld [tilespmem:s21+$0xA8C0]  }
0x25e: {  	v13 =	vmul.f32 v13, v18;
	v20 =	vadd.f32 v20, v23;
	v21 =	vadd.f32 v21, v31;
	[tilespmem:s10+$0x12640] =	vst v40;
	v23 =	vld [tilespmem:s10+$0xC890]  }
0x25f: {  	v6 =	vmul.f32 v6, v25;
	v10 =	vadd.f32 v36, v10;
	v16 =	vadd.f32 v16, v26;
	v26 =	vld [tilespmem:s10+$0xE8D0]  }
0x260: {  	v7 =	vmul.f32 v7, v25;
	v13 =	vadd.f32 v13, v20;
	v31 =	vadd.f32 v33, v34;
	v20 =	vld [tilespmem:s10+$0xE890]  }
0x261: {  	v3 =	vmul.f32 v3, v18;
	v6 =	vadd.f32 v6, v12;
	v33 =	vadd.f32 v53, v43;
	[tilespmem:s10+$0x12660] =	vst v22;
	v12 =	vld [tilespmem:s10+$0x10A40]  }
0x262: {  	v7 =	vadd.f32 v7, v10;
	v10 =	vadd.f32 v32, v38;
	v22 =	vmul.f32 v4, v18;
	[tilespmem:s10+$0x12650] =	vst v13;
	v32 =	vld [tilespmem:s10+$0xE8C0]  }
0x263: {  	v34 =	vadd.f32 v3, v6;
	v13 =	vadd.f32 v61, v19;
	v4 =	vld [tilespmem:s21+$0xE490];
	[tilespmem:s10+$0x12670] =	vst v16;
	v6 =	vmul.f32 v23, v25  }
0x264: {  	v19 =	vadd.f32 v28, v7;
	v16 =	vadd.f32 v22, v33;
	v3 =	vld [tilespmem:s21+$0xE880];
	v22 =	vmul.f32 v26, v18;
	[tilespmem:s10+$0x12A70] =	vst v31  }
0x265: {  	v21 =	vadd.f32 v27, v21;
	v7 =	vld [tilespmem:s21+$0xC4B0];
	v23 =	vadd.f32 v6, v30;
	v20 =	vmul.f32 v20, v18;
	[tilespmem:s10+$0x12A20] =	vst v10  }
0x266: {  	v6 =	vld [tilespmem:s21+$0xC880];
	[tilespmem:s10+$0x12610] =	vst v16;
	v12 =	vadd.f32 v62, v12;
	v22 =	vadd.f32 v22, v13  }
0x267: {  	v16 =	vadd.f32 v24, v57;
	v10 =	vld [tilespmem:s21+$0x10630];
	v20 =	vadd.f32 v20, v23;
	[tilespmem:s10+$0x12A30] =	vst v21  }
0x268: {  	v18 =	vmul.f32 v32, v18;
	v13 =	vld [tilespmem:s21+$0xE4D0];
	[tilespmem:s10+$0x12630] =	vst v19;
	v19 =	vadd.f32 v29, v12  }
0x269: {  	v12 =	vld [tilespmem:s21+$0x10A00];
	[tilespmem:s10+$0x12A60] =	vst v16  }
0x26a: {  	v16 =	vld [tilespmem:s21+$0xE4F0];
	v18 =	vadd.f32 v18, v19;
	[tilespmem:s10+$0x12A50] =	vst v22  }
0x26b: {  	v19 =	vld [tilespmem:s21+$0x10A50];
	[tilespmem:s10+$0x12A10] =	vst v20  }
0x26c: {  	v20 =	vld [tilespmem:s21+$0xC4D0];
	[tilespmem:s10+$0x12A40] =	vst v18  }
0x26d: {  	v22 =	vld [tilespmem:s21+$0xE4E0];
	[tilespmem:s10+$0x12A00] =	vst v34;
	s10 =	smov.u32 s21  }
0x26e: {  	v23 =	vld [tilespmem:s10+$0x10650]  }
0x26f: {  	v21 =	vld [tilespmem:s10+$0xC8B0]  }
0x270: {  	v26 =	vld [tilespmem:s10+$0x10670]  }
0x271: {  	v31 =	vld [tilespmem:s10+$0x10A30]  }
0x272: {  	v33 =	vld [tilespmem:s10+$0xE8F0]  }
0x273: {  	v34 =	vld [tilespmem:s10+$0x10A70]  }
0x274: {  	v36 =	vld [tilespmem:s10+$0xA8B0]  }
0x275: {  	v40 =	vld [tilespmem:s10+$0xE4A0]  }
0x276: {  	v41 =	vld [tilespmem:s10+$0xA8F0]  }
0x277: {  	v45 =	vld [tilespmem:s10+$0xC8F0]  }
0x278: {  	v46 =	vld [tilespmem:s10+$0x10A20]  }
0x279: {  	v48 =	vld [tilespmem:s10+$0xA8A0]  }
0x27a: {  	v50 =	vld [tilespmem:s10+$0x10620]  }
0x27b: {  	v58 =	vld [tilespmem:s10+$0x10A60]  }
0x27c: {  	v52 =	vld [tilespmem:s10+$0xC8E0]  }
0x27d: {  	v59 =	vld [tilespmem:s10+$0xC4F0]  }
0x27e: {  	v24 =	vld [tilespmem:s10+$0xE4B0]  }
0x27f: {  	v29 =	vld [tilespmem:s10+$0xE8E0]  }
0x280: {  	v27 =	vld [tilespmem:s10+$0x10A10]  }
0x281: {  	v43 =	vld [tilespmem:s10+$0xA8E0]  }
0x282: {  	v18 =	vld [tilespmem:s14+$0x10580]  }
0x283: {  	v25 =	vld [tilespmem:s13+$0x0]  }
0x284: {  	v28 =	vld [tilespmem:s14+$0x10480]  }
0x285: {  	v30 =	vld [tilespmem:s14+$0x10500]  }
0x286: {  	v32 =	vld [tilespmem:s10+$0xE8A0]  }
0x287: {  	v49 =	vld [tilespmem:s10+$0xE8B0]  }
0x288: {  	v25 =	vand.u32 $0xF, v25;
	v51 =	vld [tilespmem:s10+$0x10610]  }
0x289: {  	v38 =	vperm.xlane v28, v25;
	v18 =	vperm.xlane v18, v25;
	v53 =	vld [tilespmem:s10+$0xE4C0]  }
0x28a: {  	v25 =	vperm.xlane v30, v25;
	v56 =	vld [tilespmem:s10+$0xC8C0]  }
0x28b: {  	v30 =	vmul.f32 v47, v38;
	v47 =	vld [tilespmem:s10+$0xC8A0];
	v32 =	vmul.f32 v32, v18  }
0x28c: {  	v54 =	vmul.f32 v42, v38;
	v28 =	vmul.f32 v24, v18;
	v57 =	vld [tilespmem:s10+$0x10600]  }
0x28d: {  	v60 =	vmul.f32 v43, v38;
	v42 =	vld [tilespmem:s10+$0xE480];
	v30 =	vadd.f32 v30, v27;
	v27 =	vmul.f32 v49, v18  }
.Ltmp4:
0x28e: {  	v24 =	vmul.f32 v29, v18;
	v43 =	vadd.f32 v54, v51;
	v54 =	vmul.f32 v39, v38;
	v55 =	vld [tilespmem:s10+$0xC480];
	(pc) =	sbr.rel @p0 .LBB2_7-.Ltmp4, $4  }
0x28f: {  	v51 =	vmul.f32 v35, v38;
	v49 =	vmul.f32 v53, v18;
	v35 =	vld [tilespmem:s10+$0xC8D0]  }
0x290: {  	v44 =	vmul.f32 v44, v38;
	v29 =	vmul.f32 v56, v25;
	v39 =	vld [tilespmem:s10+$0xC4C0]  }
0x291: {  	v56 =	vadd.f32 v51, v57;
	v53 =	vld [tilespmem:s10+$0xC490];
	v51 =	vmul.f32 v47, v25;
	v57 =	vmul.f32 v52, v25  }
0x292: {  	s2 =	sadd.s32 $0x80, s2;
	s31 =	sadd.s32 $0x100, s31;
	s13 =	sadd.s32 $0x80, s13;
	v58 =	vadd.f32 v60, v58;
	v47 =	vmul.f32 v37, v38;
	v52 =	vmul.f32 v59, v25;
	v37 =	vld [tilespmem:s10+$0xC4E0]  }
0x293: {  	v55 =	vmul.f32 v55, v25  }
0x294: {  	v42 =	vmul.f32 v42, v18;
	v48 =	vmul.f32 v48, v38  }
0x295: {  	v17 =	vmul.f32 v17, v38;
	v15 =	vmul.f32 v15, v25  }
0x296: {  	v45 =	vmul.f32 v45, v25;
	v40 =	vmul.f32 v40, v18  }
0x297: {  	v11 =	vmul.f32 v11, v38;
	v41 =	vmul.f32 v41, v38  }
0x298: {  	v50 =	vadd.f32 v54, v50;
	v9 =	vmul.f32 v9, v38;
	v36 =	vmul.f32 v36, v38  }
0x299: {  	v14 =	vadd.f32 v44, v14;
	v63 =	vmul.f32 v22, v18;
	v20 =	vmul.f32 v20, v25  }
0x29a: {  	v13 =	vmul.f32 v13, v18;
	v54 =	vadd.f32 v57, v58;
	v55 =	vadd.f32 v55, v56  }
0x29b: {  	v5 =	vmul.f32 v5, v38;
	v46 =	vadd.f32 v48, v46;
	v15 =	vadd.f32 v15, v50  }
0x29c: {  	v16 =	vmul.f32 v16, v18;
	v34 =	vadd.f32 v41, v34;
	v9 =	vadd.f32 v9, v23  }
0x29d: {  	v59 =	vld [tilespmem:s10+$0x10640];
	v7 =	vmul.f32 v7, v25;
	v11 =	vadd.f32 v11, v26;
	v12 =	vadd.f32 v17, v12  }
0x29e: {  	v4 =	vmul.f32 v4, v18;
	v5 =	vadd.f32 v5, v10;
	v42 =	vadd.f32 v42, v55  }
0x29f: {  	v8 =	vmul.f32 v8, v38;
	v15 =	vadd.f32 v40, v15;
	v9 =	vadd.f32 v20, v9  }
0x2a0: {  	v6 =	vmul.f32 v6, v25;
	v44 =	vadd.f32 v45, v34;
	v45 =	vadd.f32 v51, v46  }
0x2a1: {  	v61 =	vld [tilespmem:s10+$0xA8D0];
	v3 =	vmul.f32 v3, v18;
	v11 =	vadd.f32 v52, v11;
	v5 =	vadd.f32 v7, v5  }
0x2a2: {  	v39 =	vmul.f32 v39, v25;
	v47 =	vadd.f32 v47, v59;
	[tilespmem:s10+$0x12600] =	vst v42;
	v9 =	vadd.f32 v13, v9  }
0x2a3: {  	v41 =	vld [tilespmem:s10+$0xC890];
	v53 =	vmul.f32 v53, v25;
	v6 =	vadd.f32 v6, v12;
	[tilespmem:s10+$0x12620] =	vst v15;
	v50 =	vadd.f32 v16, v11  }
0x2a4: {  	v35 =	vmul.f32 v35, v25;
	v46 =	vld [tilespmem:s10+$0xE890];
	v55 =	vadd.f32 v32, v45;
	v39 =	vadd.f32 v39, v47;
	[tilespmem:s10+$0x12650] =	vst v9  }
0x2a5: {  	v37 =	vmul.f32 v37, v25;
	v52 =	vadd.f32 v53, v43;
	v42 =	vld [tilespmem:s10+$0xE8D0];
	v5 =	vadd.f32 v28, v5;
	[tilespmem:s10+$0x12670] =	vst v50  }
0x2a6: {  	v62 =	vmul.f32 v61, v38;
	v3 =	vadd.f32 v3, v6;
	[tilespmem:s10+$0x12A20] =	vst v55;
	v39 =	vadd.f32 v49, v39;
	v49 =	vld [tilespmem:s10+$0x10A40]  }
0x2a7: {  	v14 =	vadd.f32 v37, v14;
	v37 =	vmul.f32 v33, v18;
	v4 =	vadd.f32 v4, v52;
	[tilespmem:s10+$0x12630] =	vst v5  }
0x2a8: {  	v53 =	vld [tilespmem:s10+$0xE8C0];
	v48 =	vadd.f32 v62, v19;
	v56 =	vmul.f32 v41, v25;
	v62 =	vadd.f32 v24, v54;
	[tilespmem:s10+$0x12A00] =	vst v3  }
0x2a9: {  	v47 =	vmul.f32 v21, v25;
	v14 =	vadd.f32 v63, v14;
	v51 =	vadd.f32 v37, v44;
	[tilespmem:s10+$0x12610] =	vst v4  }
0x2aa: {  	v7 =	vadd.f32 v56, v30;
	v61 =	vmul.f32 v46, v18;
	[tilespmem:s10+$0x12640] =	vst v39;
	v39 =	vadd.f32 v36, v31  }
0x2ab: {  	v57 =	vadd.f32 v35, v48;
	[tilespmem:s10+$0x12A60] =	vst v62;
	v59 =	vmul.f32 v42, v18;
	v60 =	vadd.f32 v8, v49  }
0x2ac: {  	[tilespmem:s10+$0x12660] =	vst v14;
	v7 =	vadd.f32 v61, v7;
	v13 =	vadd.f32 v47, v39  }
0x2ad: {  	[tilespmem:s10+$0x12A70] =	vst v51;
	v63 =	vmul.f32 v53, v18;
	v9 =	vadd.f32 v59, v57;
	v4 =	vadd.f32 v29, v60  }
.Ltmp5:
0x2ae: {  	[tilespmem:s10+$0x12A10] =	vst v7;
	v58 =	vadd.f32 v27, v13;
	(pc) =	sbr.rel @p1 .LBB2_10-.Ltmp5, $4  }
0x2af: {  	[tilespmem:s10+$0x12A50] =	vst v9;
	v4 =	vadd.f32 v63, v4  }
0x2b0: {  	[tilespmem:s10+$0x12A30] =	vst v58  }
0x2b1: {  	s2 =	sadd.s32 s30, s0;
	s31 =	simm.s32 $0x12600;
	[tilespmem:s10+$0x12A40] =	vst v4  }
0x2b2: {  	[hbm4b:s2+s3] =	stream.linear.scatter [tilespmem:s31], [sflag:$0xA], $0x2000, $0x38;
	[tilespmem:$0x15600] =	vst v63  }
0x2b3: {  	s2 =	sadd.s32 s11, s6  }
0x2b4: {  	s6 =	sshrl.u32 s2, $0x3  }
0x2b5: {  	s12 =	simm.s32 $0xA300;
	s10 =	sadd.s32 s1, s6  }
0x2b6: {  	[tilespmem:s12], [sflag:$0x6] =	stream.linear.gather [hbm4b:s10+s3], $0x20, $0x38;
	[tilespmem:$0x15600] =	vst v63  }
0x2b7: {  	s30 =	simm.s32 $0xA380;
	s28 =	sadd.s32 s5, s6  }
0x2b8: {  	[tilespmem:s30], [sflag:$0x6] =	stream.linear.gather [hbm4b:s28+s3], $0x20, $0x38;
	[tilespmem:$0x15600] =	vst v63  }
0x2b9: {  	s31 =	simm.s32 $0xA400;
	s6 =	sadd.s32 s7, s6;
	s10 =	sshll.u32 s2, $0x3  }
0x2ba: {  	[tilespmem:s31], [sflag:$0x6] =	stream.linear.gather [hbm4b:s6+s3], $0x20, $0x38;
	[tilespmem:$0x15600] =	vst v63  }
0x2bb: {  	s12 =	sand.u32 $0xFE0, s2;
	s6 =	sand.u32 $0x7FFF8000, s10  }
0x2bc: {  	s6 =	sor.u32 s12, s6  }
0x2bd: {  	s6 =	sshrl.u32 s6, $0x3  }
0x2be: {  	s14 =	simm.s32 $0x10480;
	s13 =	sadd.s32 s8, s6  }
0x2bf: {  	[tilespmem:s14], [sflag:$0x8] =	stream.linear.gather [hbm4b:s13+s3], $0x20, $0x38;
	[tilespmem:$0x15600] =	vst v63  }
0x2c0: {  	s28 =	simm.s32 $0x10500;
	s21 =	sadd.s32 s6, s16  }
0x2c1: {  	[tilespmem:s28], [sflag:$0x8] =	stream.linear.gather [hbm4b:s21+s3], $0x20, $0x38;
	[tilespmem:$0x15600] =	vst v63  }
.Ltmp6:
0x2c2: {  	_ = 	snop;
	(pc) =	sbr.rel .LBB2_2-.Ltmp6, $4  }
0x2c3: {  	s2 =	sshll.u32 s2, $0x5;
	s30 =	simm.s32 $0x10580;
	s6 =	sadd.s32 s6, s18  }
0x2c4: {  	[tilespmem:s30], [sflag:$0x8] =	stream.linear.gather [hbm4b:s6+s3], $0x20, $0x38;
	[tilespmem:$0x15600] =	vst v63  }
0x2c5: {  	s29 =	sadd.s32 $0x1, s29;
	s2 =	sadd.s32 s9, s2;
	s31 =	simm.s32 $0x10600  }
0x2c6: {  	[tilespmem:s31], [sflag:$0x9] =	stream.linear.gather [hbm4b:s2+s3], $0x2000, $0x38;
	[tilespmem:$0x15600] =	vst v63  }
.LBB2_11:
0x2c7: {  	_ =	sfence.sel $0x180000  }
0x2c8: {  	[bflag:$0x0] =	sbarrier.arrive $0xFFFF  }
0x2c9: {  	_ =	strace $0x90000047  }
0x2ca: {  	s0 =	stileid.u32;
	[bflag:$0x2] =	sbarrier.arrive $0xFFFF  }
0x2cb: {  	p0 =	sne.s32 s0, $0x0;
	s0 =	rddreg [dreg:$0x3]  }
0x2cc: {  	s0 =	sadd.s32 @!p0 $0x100000, s0  }
0x2cd: {  	[sflag:s0] =	ssyncadd.tile.s32 @!p0 $0x1;
	_ =	shalt  }
.Lfunc_end2:
_tile_overlayer_lowered:
.L_overlay_start_2:
0x2ce: {  	(tag) =	ssettag $0x2  }
0x2cf: {  	s0 =	rddreg [dreg:$0x0];
	s2 =	stileid.u32  }
0x2d0: {  	s1 =	rddreg [dreg:$0x1];
	p0 =	sne.s32 s2, $0x0  }
0x2d1: {  	s3 =	rddreg [dreg:$0x2];
	[bflag:$0x3] =	sbarrier.arrive $0xFFFF;
	s2 =	simm.s32 @!p0 $0x1C0C  }
0x2d2: {  	[timem:s3], [sflag:s2] =	dma.local @!p0 [hbm:s0], s1  }
0x2d3: {  	s0 =	simm.s32 @!p0 $0xC  }
0x2d4: {  	_ =	swait.ge @!p0 [sflag:s0], s1  }
0x2d5: {  	s1 =	ssub.s32 @!p0 $0x0, s1;
	[sflag:s0] =	ssyncset.done @!p0 $0x0  }
0x2d6: {  	[sflag:s0] =	ssyncadd.s32 @!p0 s1  }
0x2d7: {  	[bflag:$0x3] =	sbarrier.arrive $0xFFFF  }
0x2d8: {  	_ =	shalt  }

</sc_bundles>
